<compile_context>
chip_gen: v7x
topology: tpu7x:2x2x1
jax: 0.10.2.dev20260603
libtpu: 0.0.44.dev20260713+nightly
codegen_flags: <defaults>
</compile_context>

<pallas_src>
import functools

import jax
import jax.numpy as jnp
from jax import lax
from jax.experimental import pallas as pl
from jax.experimental.pallas import tpu as pltpu
from jax.experimental.pallas import tpu_sc as plsc

_C = 19
_B, _H, _W = 4, 512, 512
_HB = 64
_NPIX = _B * _H * _W

_NW = 32
_LBP = 512
_RW = 64


def _sc_hist_kernel(t_hbm, out_hbm, tv, binsv):
    wid = lax.axis_index("s") * 2 + lax.axis_index("c")
    b = wid // 8
    r0 = pl.multiple_of((wid % 8) * _RW, _RW)
    pltpu.sync_copy(t_hbm.at[b, pl.ds(r0, _RW)], tv)

    lane = lax.iota(jnp.int32, 16)
    ones = jnp.ones((16,), jnp.int32)
    for j in range(_LBP // 16):
        binsv[pl.ds(j * 16, 16)] = jnp.zeros((16,), jnp.int32)

    def body(i, carry):
        r = i // 4
        j0 = (i % 4) * 8
        for j in range(8):
            v = tv[r, pl.ds((j0 + j) * 16, 16)]
            plsc.addupdate_scatter(binsv, [v * 16 + lane], ones)
        return carry

    lax.fori_loop(0, _RW * 4, body, 0)
    pltpu.sync_copy(binsv, out_hbm.at[wid])


_sc_hist = functools.partial(
    pl.kernel,
    out_type=jax.ShapeDtypeStruct((_NW, _LBP), jnp.int32),
    mesh=plsc.VectorSubcoreMesh(core_axis_name="c", subcore_axis_name="s"),
    compiler_params=pltpu.CompilerParams(needs_layout_passes=False),
    scratch_types=[
        pltpu.VMEM((_RW, _W), jnp.int32),
        pltpu.VMEM((_LBP,), jnp.int32),
    ],
)(_sc_hist_kernel)


def _main_kernel(x_ref, t_ref, out_ref, acc_ref, acci_ref):
    step = pl.program_id(0)

    @pl.when(step == 0)
    def _init():
        acc_ref[...] = jnp.zeros_like(acc_ref)
        acci_ref[...] = jnp.zeros_like(acci_ref)

    t = t_ref[0]
    m = x_ref[0, 0]
    for c in range(1, _C):
        m = jnp.maximum(m, x_ref[0, c])
    first = jnp.full(t.shape, _C, jnp.int32)
    s = jnp.zeros_like(m)
    for c in range(_C - 1, -1, -1):
        v = x_ref[0, c]
        s = s + jnp.exp(v - m)
        first = jnp.where(v == m, c, first)
    lse = jnp.log(s) + m
    t16 = t.astype(jnp.int16)
    mism16 = (first != t).astype(jnp.int16)
    for c in range(_C):
        m16 = (t16 == c).astype(jnp.int16)
        acci_ref[c] += _rs16(m16 * mism16)
        acc_ref[c] += _rs(jnp.where(t == c, lse - x_ref[0, c], 0.0))

    @pl.when(step == pl.num_programs(0) - 1)
    def _fin():
        fn = jnp.sum(acci_ref[...].astype(jnp.float32), axis=(1, 2))
        ces = jnp.sum(acc_ref[...], axis=(1, 2))
        out_ref[...] = jnp.stack([fn, ces])


def _rs(a):
    return jnp.sum(a.reshape(_HB // 8, 8, _W), axis=0)


def _rs16(a):
    g = a.reshape(_HB // 8, 8, _W)
    r = g[0]
    for i in range(1, _HB // 8):
        r = r + g[i]
    return r


def _combine_kernel(gtl_ref, fnce_ref, out_ref):
    acc = jnp.float32(0.0)
    for c in range(_C):
        gt_c = jnp.sum(gtl_ref[:, c * 16:(c + 1) * 16].astype(jnp.float32))
        fn_c = fnce_ref[0, c]
        ce_c = fnce_ref[1, c]
        w_c = jnp.where(fn_c > 0, fn_c, 1.0) / jnp.where(gt_c > 0, gt_c, 1.0)
        acc = acc + w_c * ce_c
    out_ref[...] = jnp.reshape(acc / _NPIX, (1, 1))


def kernel(input, target):
    gt_lanes = _sc_hist(target)
    nh = _H // _HB
    grid = (_B * nh,)
    fnce = pl.pallas_call(
        _main_kernel,
        grid=grid,
        in_specs=[
            pl.BlockSpec((1, _C, _HB, _W), lambda i: (i // nh, 0, i % nh, 0)),
            pl.BlockSpec((1, _HB, _W), lambda i: (i // nh, i % nh, 0)),
        ],
        out_specs=pl.BlockSpec((2, _C), lambda i: (0, 0)),
        out_shape=jax.ShapeDtypeStruct((2, _C), jnp.float32),
        scratch_shapes=[pltpu.VMEM((_C, 8, _W), jnp.float32),
                        pltpu.VMEM((_C, 8, _W), jnp.int16)],
        compiler_params=pltpu.CompilerParams(
            dimension_semantics=("arbitrary",),
        ),
    )(input, target)
    out = pl.pallas_call(
        _combine_kernel,
        out_shape=jax.ShapeDtypeStruct((1, 1), jnp.float32),
    )(gt_lanes, fnce)
    return out[0, 0]

# --- scband reference (transcript-rebuilt; emitter-appended) ---
"""Pipeline reference for scband-recall-cross-entropy-84713934946584 (READ-ONLY COPY).

The authoritative reference and input builder live on the scoring server;
editing this copy changes nothing except your own understanding.
"""

import jax, jax.numpy as jnp
import numpy as np

N_CLASSES = 19


def setup_inputs(seed: int = 0) -> dict:
    key = jax.random.key(seed)
    k1, k2 = jax.random.split(key)
    x = jax.random.normal(k1, (4, N_CLASSES, 512, 512), dtype=jnp.float32)
    target = jax.random.randint(k2, (4, 512, 512), 0, N_CLASSES, dtype=jnp.int32)
    return {"input": x, "target": target}


def reference(input, target):
    n_classes = N_CLASSES
    # pred = input.argmax(1)
    pred = jnp.argmax(input, axis=1)
    t_flat = target.reshape(-1)
    idex = (pred != target).reshape(-1)
    # gt_counter: ones, overwritten by per-class counts for classes that appear
    gt_count = jnp.bincount(t_flat, length=n_classes).astype(jnp.float32)
    gt_counter = jnp.where(gt_count > 0, gt_count, jnp.ones_like(gt_count))
    # fn_counter: ones, overwritten by false-negative counts for classes that appear among misclassified pixels
    fn_count = jnp.bincount(t_flat, weights=idex.astype(jnp.float32), length=n_classes)
    fn_counter = jnp.where(fn_count > 0, fn_count, jnp.ones_like(fn_count))
    # ignore_index=255 never occurs in targets (values in [0, n_classes)), so the
    # torch remapping of index 255 -> 1 is a no-op and is omitted here.
    weight = fn_counter / gt_counter
    # cross_entropy(input, target, reduction='none') over class axis 1
    logp = jax.nn.log_softmax(input, axis=1)
    ce = -jnp.take_along_axis(logp, target[:, None, :, :], axis=1)[:, 0]
    loss = weight[target] * ce
    return loss.mean()

if __name__ == "__main__":
    import jax
    _d = setup_inputs()
    print(jax.jit(kernel)(*tuple(_d.values())))

</pallas_src>

<mosaic_0001>
#map = affine_map<(d0, d1) -> (0, 0, 0)>
#map1 = affine_map<(d0, d1) -> (0, 0)>
module attributes {stable_mosaic.version = 14 : i64} {
  func.func @_sc_hist_kernel(%arg0: i32, %arg1: i32, %arg2: memref<4x512x512xi32, #tpu.memory_space<hbm>>, %arg3: memref<32x512xi32, #tpu.memory_space<hbm>>, %arg4: memref<64x512xi32, #tpu.memory_space<vmem>>, %arg5: memref<512xi32, #tpu.memory_space<vmem>>) attributes {dimension_semantics = [#tpu.dimension_semantics<core_parallel>, #tpu.dimension_semantics<subcore_parallel>], iteration_bounds = array<i64: 2, 16>, scalar_prefetch = 0 : i64, scratch_operands = 2 : i64, tpu.core_type = #tpu.core_type<sc_vector_subcore>, window_params = [{transform_indices = #map}, {transform_indices = #map1}]} {
    %mul3A = arith.constant 2 : i32
    %mul3A_0 = arith.muli %arg1, %mul3A : i32
    %add3A = arith.addi %mul3A_0, %arg0 : i32
    %jit3A = arith.constant 8 : i32
    %div3A = arith.divsi %add3A, %jit3A : i32
    %sign3A = arith.constant 0 : i32
    %sign3A_1 = arith.cmpi sgt, %add3A, %sign3A : i32
    %sign3A_2 = arith.extui %sign3A_1 : i1 to i32
    %sign3A_3 = arith.constant 0 : i32
    %sign3A_4 = arith.cmpi slt, %add3A, %sign3A_3 : i32
    %sign3A_5 = arith.extui %sign3A_4 : i1 to i32
    %sign3A_6 = arith.subi %sign3A_2, %sign3A_5 : i32
    %sign3A_7 = arith.constant 0 : i32
    %sign3A_8 = arith.cmpi sgt, %jit3A, %sign3A_7 : i32
    %sign3A_9 = arith.extui %sign3A_8 : i1 to i32
    %sign3A_10 = arith.constant 0 : i32
    %sign3A_11 = arith.cmpi slt, %jit3A, %sign3A_10 : i32
    %sign3A_12 = arith.extui %sign3A_11 : i1 to i32
    %sign3A_13 = arith.subi %sign3A_9, %sign3A_12 : i32
    %ne3A = arith.cmpi ne, %sign3A_6, %sign3A_13 : i32
    %rem3A = arith.remsi %add3A, %jit3A : i32
    %ne3A_14 = arith.constant 0 : i32
    %ne3A_15 = arith.cmpi ne, %rem3A, %ne3A_14 : i32
    %and3A = arith.andi %ne3A, %ne3A_15 : i1
    %sub3A = arith.constant 1 : i32
    %sub3A_16 = arith.subi %div3A, %sub3A : i32
    %select_n3A = arith.select %and3A, %sub3A_16, %div3A : i32
    %jit3A_17 = arith.constant 8 : i32
    %eq3A = arith.constant 0 : i32
    %eq3A_18 = arith.cmpi eq, %jit3A_17, %eq3A : i32
    %jit3A_19 = arith.constant 1 : i32
    %select_n3A_20 = arith.select %eq3A_18, %jit3A_19, %jit3A_17 : i32
    %rem3A_21 = arith.remsi %add3A, %select_n3A_20 : i32
    %ne3A_22 = arith.constant 0 : i32
    %ne3A_23 = arith.cmpi ne, %rem3A_21, %ne3A_22 : i32
    %lt3A = arith.constant 0 : i32
    %lt3A_24 = arith.cmpi slt, %rem3A_21, %lt3A : i32
    %lt3A_25 = arith.constant 0 : i32
    %lt3A_26 = arith.cmpi slt, %select_n3A_20, %lt3A_25 : i32
    %ne3A_27 = arith.xori %lt3A_24, %lt3A_26 : i1
    %and3A_28 = arith.andi %ne3A_27, %ne3A_23 : i1
    %add3A_29 = arith.addi %rem3A_21, %select_n3A_20 : i32
    %select_n3A_30 = arith.select %and3A_28, %add3A_29, %rem3A_21 : i32
    %mul3A_31 = arith.constant 64 : i32
    %mul3A_32 = arith.muli %select_n3A_30, %mul3A_31 : i32
    %multiple_of3A = tpu.assume_multiple %mul3A_32, 64 : i32
    "tpu.region"() ({
      %run_scoped3A = tpu.sem_alloc : memref<!tpu.dma_semaphore, #tpu.memory_space<semaphore_mem>>
      %dma_start3A = arith.constant 0 : i32
      %dma_start3A_166 = tpu.memref_slice %arg2[%select_n3A, %multiple_of3A, %dma_start3A] : memref<4x512x512xi32, #tpu.memory_space<hbm>> -> memref<1x64x512xi32, #tpu.memory_space<hbm>>
      %dma_start3A_167 = tpu.memref_squeeze %dma_start3A_166 : memref<1x64x512xi32, #tpu.memory_space<hbm>> -> memref<64x512xi32, #tpu.memory_space<hbm>>
      %dma_start3A_168 = arith.constant 0 : i32
      %dma_start3A_169 = tpu.memref_slice %arg2[%select_n3A, %multiple_of3A, %dma_start3A_168] : memref<4x512x512xi32, #tpu.memory_space<hbm>> -> memref<1x64x512xi32, #tpu.memory_space<hbm>>
      %dma_start3A_170 = tpu.memref_squeeze %dma_start3A_169 : memref<1x64x512xi32, #tpu.memory_space<hbm>> -> memref<64x512xi32, #tpu.memory_space<hbm>>
      tpu.enqueue_dma source(%dma_start3A_170 : memref<64x512xi32, #tpu.memory_space<hbm>>) target(%arg4 : memref<64x512xi32, #tpu.memory_space<vmem>>) target_semaphore(%run_scoped3A : memref<!tpu.dma_semaphore, #tpu.memory_space<semaphore_mem>>)
      %dma_wait3A = arith.constant 0 : i32
      %dma_wait3A_171 = tpu.memref_slice %arg2[%select_n3A, %multiple_of3A, %dma_wait3A] : memref<4x512x512xi32, #tpu.memory_space<hbm>> -> memref<1x64x512xi32, #tpu.memory_space<hbm>>
      %dma_wait3A_172 = tpu.memref_squeeze %dma_wait3A_171 : memref<1x64x512xi32, #tpu.memory_space<hbm>> -> memref<64x512xi32, #tpu.memory_space<hbm>>
      %dma_wait3A_173 = arith.constant 0 : i32
      %dma_wait3A_174 = tpu.memref_slice %arg2[%select_n3A, %multiple_of3A, %dma_wait3A_173] : memref<4x512x512xi32, #tpu.memory_space<hbm>> -> memref<1x64x512xi32, #tpu.memory_space<hbm>>
      %dma_wait3A_175 = tpu.memref_squeeze %dma_wait3A_174 : memref<1x64x512xi32, #tpu.memory_space<hbm>> -> memref<64x512xi32, #tpu.memory_space<hbm>>
      tpu.wait_dma2 semaphore(%run_scoped3A : memref<!tpu.dma_semaphore, #tpu.memory_space<semaphore_mem>>) src(%dma_wait3A_175 : memref<64x512xi32, #tpu.memory_space<hbm>>) dst(%arg4 : memref<64x512xi32, #tpu.memory_space<vmem>>)
      tpu.yield
    }) : () -> ()
    %iota3A = tpu.iota {dimensions = array<i32: 0>} : vector<16xi32>
    %broadcast_in_dim3A = arith.constant 1 : i32
    %broadcast_in_dim3A_33 = vector.broadcast %broadcast_in_dim3A : i32 to vector<16xi32>
    %broadcast_in_dim3A_34 = arith.constant 0 : i32
    %broadcast_in_dim3A_35 = vector.broadcast %broadcast_in_dim3A_34 : i32 to vector<16xi32>
    %swap3A = arith.constant 0 : index
    %swap3A_36 = tpu.vector_load %arg5[%swap3A] {strides = array<i32>} : memref<512xi32, #tpu.memory_space<vmem>>, vector<16xi32>,
    tpu.vector_store %arg5[%swap3A], %broadcast_in_dim3A_35 {strides = array<i32>} : memref<512xi32, #tpu.memory_space<vmem>>, vector<16xi32>,
    %broadcast_in_dim3A_37 = arith.constant 0 : i32
    %broadcast_in_dim3A_38 = vector.broadcast %broadcast_in_dim3A_37 : i32 to vector<16xi32>
    %swap3A_39 = arith.constant 16 : index
    %swap3A_40 = tpu.vector_load %arg5[%swap3A_39] {strides = array<i32>} : memref<512xi32, #tpu.memory_space<vmem>>, vector<16xi32>,
    tpu.vector_store %arg5[%swap3A_39], %broadcast_in_dim3A_38 {strides = array<i32>} : memref<512xi32, #tpu.memory_space<vmem>>, vector<16xi32>,
    %broadcast_in_dim3A_41 = arith.constant 0 : i32
    %broadcast_in_dim3A_42 = vector.broadcast %broadcast_in_dim3A_41 : i32 to vector<16xi32>
    %swap3A_43 = arith.constant 32 : index
    %swap3A_44 = tpu.vector_load %arg5[%swap3A_43] {strides = array<i32>} : memref<512xi32, #tpu.memory_space<vmem>>, vector<16xi32>,
    tpu.vector_store %arg5[%swap3A_43], %broadcast_in_dim3A_42 {strides = array<i32>} : memref<512xi32, #tpu.memory_space<vmem>>, vector<16xi32>,
    %broadcast_in_dim3A_45 = arith.constant 0 : i32
    %broadcast_in_dim3A_46 = vector.broadcast %broadcast_in_dim3A_45 : i32 to vector<16xi32>
    %swap3A_47 = arith.constant 48 : index
    %swap3A_48 = tpu.vector_load %arg5[%swap3A_47] {strides = array<i32>} : memref<512xi32, #tpu.memory_space<vmem>>, vector<16xi32>,
    tpu.vector_store %arg5[%swap3A_47], %broadcast_in_dim3A_46 {strides = array<i32>} : memref<512xi32, #tpu.memory_space<vmem>>, vector<16xi32>,
    %broadcast_in_dim3A_49 = arith.constant 0 : i32
    %broadcast_in_dim3A_50 = vector.broadcast %broadcast_in_dim3A_49 : i32 to vector<16xi32>
    %swap3A_51 = arith.constant 64 : index
    %swap3A_52 = tpu.vector_load %arg5[%swap3A_51] {strides = array<i32>} : memref<512xi32, #tpu.memory_space<vmem>>, vector<16xi32>,
    tpu.vector_store %arg5[%swap3A_51], %broadcast_in_dim3A_50 {strides = array<i32>} : memref<512xi32, #tpu.memory_space<vmem>>, vector<16xi32>,
    %broadcast_in_dim3A_53 = arith.constant 0 : i32
    %broadcast_in_dim3A_54 = vector.broadcast %broadcast_in_dim3A_53 : i32 to vector<16xi32>
    %swap3A_55 = arith.constant 80 : index
    %swap3A_56 = tpu.vector_load %arg5[%swap3A_55] {strides = array<i32>} : memref<512xi32, #tpu.memory_space<vmem>>, vector<16xi32>,
    tpu.vector_store %arg5[%swap3A_55], %broadcast_in_dim3A_54 {strides = array<i32>} : memref<512xi32, #tpu.memory_space<vmem>>, vector<16xi32>,
    %broadcast_in_dim3A_57 = arith.constant 0 : i32
    %broadcast_in_dim3A_58 = vector.broadcast %broadcast_in_dim3A_57 : i32 to vector<16xi32>
    %swap3A_59 = arith.constant 96 : index
    %swap3A_60 = tpu.vector_load %arg5[%swap3A_59] {strides = array<i32>} : memref<512xi32, #tpu.memory_space<vmem>>, vector<16xi32>,
    tpu.vector_store %arg5[%swap3A_59], %broadcast_in_dim3A_58 {strides = array<i32>} : memref<512xi32, #tpu.memory_space<vmem>>, vector<16xi32>,
    %broadcast_in_dim3A_61 = arith.constant 0 : i32
    %broadcast_in_dim3A_62 = vector.broadcast %broadcast_in_dim3A_61 : i32 to vector<16xi32>
    %swap3A_63 = arith.constant 112 : index
    %swap3A_64 = tpu.vector_load %arg5[%swap3A_63] {strides = array<i32>} : memref<512xi32, #tpu.memory_space<vmem>>, vector<16xi32>,
    tpu.vector_store %arg5[%swap3A_63], %broadcast_in_dim3A_62 {strides = array<i32>} : memref<512xi32, #tpu.memory_space<vmem>>, vector<16xi32>,
    %broadcast_in_dim3A_65 = arith.constant 0 : i32
    %broadcast_in_dim3A_66 = vector.broadcast %broadcast_in_dim3A_65 : i32 to vector<16xi32>
    %swap3A_67 = arith.constant 128 : index
    %swap3A_68 = tpu.vector_load %arg5[%swap3A_67] {strides = array<i32>} : memref<512xi32, #tpu.memory_space<vmem>>, vector<16xi32>,
    tpu.vector_store %arg5[%swap3A_67], %broadcast_in_dim3A_66 {strides = array<i32>} : memref<512xi32, #tpu.memory_space<vmem>>, vector<16xi32>,
    %broadcast_in_dim3A_69 = arith.constant 0 : i32
    %broadcast_in_dim3A_70 = vector.broadcast %broadcast_in_dim3A_69 : i32 to vector<16xi32>
    %swap3A_71 = arith.constant 144 : index
    %swap3A_72 = tpu.vector_load %arg5[%swap3A_71] {strides = array<i32>} : memref<512xi32, #tpu.memory_space<vmem>>, vector<16xi32>,
    tpu.vector_store %arg5[%swap3A_71], %broadcast_in_dim3A_70 {strides = array<i32>} : memref<512xi32, #tpu.memory_space<vmem>>, vector<16xi32>,
    %broadcast_in_dim3A_73 = arith.constant 0 : i32
    %broadcast_in_dim3A_74 = vector.broadcast %broadcast_in_dim3A_73 : i32 to vector<16xi32>
    %swap3A_75 = arith.constant 160 : index
    %swap3A_76 = tpu.vector_load %arg5[%swap3A_75] {strides = array<i32>} : memref<512xi32, #tpu.memory_space<vmem>>, vector<16xi32>,
    tpu.vector_store %arg5[%swap3A_75], %broadcast_in_dim3A_74 {strides = array<i32>} : memref<512xi32, #tpu.memory_space<vmem>>, vector<16xi32>,
    %broadcast_in_dim3A_77 = arith.constant 0 : i32
    %broadcast_in_dim3A_78 = vector.broadcast %broadcast_in_dim3A_77 : i32 to vector<16xi32>
    %swap3A_79 = arith.constant 176 : index
    %swap3A_80 = tpu.vector_load %arg5[%swap3A_79] {strides = array<i32>} : memref<512xi32, #tpu.memory_space<vmem>>, vector<16xi32>,
    tpu.vector_store %arg5[%swap3A_79], %broadcast_in_dim3A_78 {strides = array<i32>} : memref<512xi32, #tpu.memory_space<vmem>>, vector<16xi32>,
    %broadcast_in_dim3A_81 = arith.constant 0 : i32
    %broadcast_in_dim3A_82 = vector.broadcast %broadcast_in_dim3A_81 : i32 to vector<16xi32>
    %swap3A_83 = arith.constant 192 : index
    %swap3A_84 = tpu.vector_load %arg5[%swap3A_83] {strides = array<i32>} : memref<512xi32, #tpu.memory_space<vmem>>, vector<16xi32>,
    tpu.vector_store %arg5[%swap3A_83], %broadcast_in_dim3A_82 {strides = array<i32>} : memref<512xi32, #tpu.memory_space<vmem>>, vector<16xi32>,
    %broadcast_in_dim3A_85 = arith.constant 0 : i32
    %broadcast_in_dim3A_86 = vector.broadcast %broadcast_in_dim3A_85 : i32 to vector<16xi32>
    %swap3A_87 = arith.constant 208 : index
    %swap3A_88 = tpu.vector_load %arg5[%swap3A_87] {strides = array<i32>} : memref<512xi32, #tpu.memory_space<vmem>>, vector<16xi32>,
    tpu.vector_store %arg5[%swap3A_87], %broadcast_in_dim3A_86 {strides = array<i32>} : memref<512xi32, #tpu.memory_space<vmem>>, vector<16xi32>,
    %broadcast_in_dim3A_89 = arith.constant 0 : i32
    %broadcast_in_dim3A_90 = vector.broadcast %broadcast_in_dim3A_89 : i32 to vector<16xi32>
    %swap3A_91 = arith.constant 224 : index
    %swap3A_92 = tpu.vector_load %arg5[%swap3A_91] {strides = array<i32>} : memref<512xi32, #tpu.memory_space<vmem>>, vector<16xi32>,
    tpu.vector_store %arg5[%swap3A_91], %broadcast_in_dim3A_90 {strides = array<i32>} : memref<512xi32, #tpu.memory_space<vmem>>, vector<16xi32>,
    %broadcast_in_dim3A_93 = arith.constant 0 : i32
    %broadcast_in_dim3A_94 = vector.broadcast %broadcast_in_dim3A_93 : i32 to vector<16xi32>
    %swap3A_95 = arith.constant 240 : index
    %swap3A_96 = tpu.vector_load %arg5[%swap3A_95] {strides = array<i32>} : memref<512xi32, #tpu.memory_space<vmem>>, vector<16xi32>,
    tpu.vector_store %arg5[%swap3A_95], %broadcast_in_dim3A_94 {strides = array<i32>} : memref<512xi32, #tpu.memory_space<vmem>>, vector<16xi32>,
    %broadcast_in_dim3A_97 = arith.constant 0 : i32
    %broadcast_in_dim3A_98 = vector.broadcast %broadcast_in_dim3A_97 : i32 to vector<16xi32>
    %swap3A_99 = arith.constant 256 : index
    %swap3A_100 = tpu.vector_load %arg5[%swap3A_99] {strides = array<i32>} : memref<512xi32, #tpu.memory_space<vmem>>, vector<16xi32>,
    tpu.vector_store %arg5[%swap3A_99], %broadcast_in_dim3A_98 {strides = array<i32>} : memref<512xi32, #tpu.memory_space<vmem>>, vector<16xi32>,
    %broadcast_in_dim3A_101 = arith.constant 0 : i32
    %broadcast_in_dim3A_102 = vector.broadcast %broadcast_in_dim3A_101 : i32 to vector<16xi32>
    %swap3A_103 = arith.constant 272 : index
    %swap3A_104 = tpu.vector_load %arg5[%swap3A_103] {strides = array<i32>} : memref<512xi32, #tpu.memory_space<vmem>>, vector<16xi32>,
    tpu.vector_store %arg5[%swap3A_103], %broadcast_in_dim3A_102 {strides = array<i32>} : memref<512xi32, #tpu.memory_space<vmem>>, vector<16xi32>,
    %broadcast_in_dim3A_105 = arith.constant 0 : i32
    %broadcast_in_dim3A_106 = vector.broadcast %broadcast_in_dim3A_105 : i32 to vector<16xi32>
    %swap3A_107 = arith.constant 288 : index
    %swap3A_108 = tpu.vector_load %arg5[%swap3A_107] {strides = array<i32>} : memref<512xi32, #tpu.memory_space<vmem>>, vector<16xi32>,
    tpu.vector_store %arg5[%swap3A_107], %broadcast_in_dim3A_106 {strides = array<i32>} : memref<512xi32, #tpu.memory_space<vmem>>, vector<16xi32>,
    %broadcast_in_dim3A_109 = arith.constant 0 : i32
    %broadcast_in_dim3A_110 = vector.broadcast %broadcast_in_dim3A_109 : i32 to vector<16xi32>
    %swap3A_111 = arith.constant 304 : index
    %swap3A_112 = tpu.vector_load %arg5[%swap3A_111] {strides = array<i32>} : memref<512xi32, #tpu.memory_space<vmem>>, vector<16xi32>,
    tpu.vector_store %arg5[%swap3A_111], %broadcast_in_dim3A_110 {strides = array<i32>} : memref<512xi32, #tpu.memory_space<vmem>>, vector<16xi32>,
    %broadcast_in_dim3A_113 = arith.constant 0 : i32
    %broadcast_in_dim3A_114 = vector.broadcast %broadcast_in_dim3A_113 : i32 to vector<16xi32>
    %swap3A_115 = arith.constant 320 : index
    %swap3A_116 = tpu.vector_load %arg5[%swap3A_115] {strides = array<i32>} : memref<512xi32, #tpu.memory_space<vmem>>, vector<16xi32>,
    tpu.vector_store %arg5[%swap3A_115], %broadcast_in_dim3A_114 {strides = array<i32>} : memref<512xi32, #tpu.memory_space<vmem>>, vector<16xi32>,
    %broadcast_in_dim3A_117 = arith.constant 0 : i32
    %broadcast_in_dim3A_118 = vector.broadcast %broadcast_in_dim3A_117 : i32 to vector<16xi32>
    %swap3A_119 = arith.constant 336 : index
    %swap3A_120 = tpu.vector_load %arg5[%swap3A_119] {strides = array<i32>} : memref<512xi32, #tpu.memory_space<vmem>>, vector<16xi32>,
    tpu.vector_store %arg5[%swap3A_119], %broadcast_in_dim3A_118 {strides = array<i32>} : memref<512xi32, #tpu.memory_space<vmem>>, vector<16xi32>,
    %broadcast_in_dim3A_121 = arith.constant 0 : i32
    %broadcast_in_dim3A_122 = vector.broadcast %broadcast_in_dim3A_121 : i32 to vector<16xi32>
    %swap3A_123 = arith.constant 352 : index
    %swap3A_124 = tpu.vector_load %arg5[%swap3A_123] {strides = array<i32>} : memref<512xi32, #tpu.memory_space<vmem>>, vector<16xi32>,
    tpu.vector_store %arg5[%swap3A_123], %broadcast_in_dim3A_122 {strides = array<i32>} : memref<512xi32, #tpu.memory_space<vmem>>, vector<16xi32>,
    %broadcast_in_dim3A_125 = arith.constant 0 : i32
    %broadcast_in_dim3A_126 = vector.broadcast %broadcast_in_dim3A_125 : i32 to vector<16xi32>
    %swap3A_127 = arith.constant 368 : index
    %swap3A_128 = tpu.vector_load %arg5[%swap3A_127] {strides = array<i32>} : memref<512xi32, #tpu.memory_space<vmem>>, vector<16xi32>,
    tpu.vector_store %arg5[%swap3A_127], %broadcast_in_dim3A_126 {strides = array<i32>} : memref<512xi32, #tpu.memory_space<vmem>>, vector<16xi32>,
    %broadcast_in_dim3A_129 = arith.constant 0 : i32
    %broadcast_in_dim3A_130 = vector.broadcast %broadcast_in_dim3A_129 : i32 to vector<16xi32>
    %swap3A_131 = arith.constant 384 : index
    %swap3A_132 = tpu.vector_load %arg5[%swap3A_131] {strides = array<i32>} : memref<512xi32, #tpu.memory_space<vmem>>, vector<16xi32>,
    tpu.vector_store %arg5[%swap3A_131], %broadcast_in_dim3A_130 {strides = array<i32>} : memref<512xi32, #tpu.memory_space<vmem>>, vector<16xi32>,
    %broadcast_in_dim3A_133 = arith.constant 0 : i32
    %broadcast_in_dim3A_134 = vector.broadcast %broadcast_in_dim3A_133 : i32 to vector<16xi32>
    %swap3A_135 = arith.constant 400 : index
    %swap3A_136 = tpu.vector_load %arg5[%swap3A_135] {strides = array<i32>} : memref<512xi32, #tpu.memory_space<vmem>>, vector<16xi32>,
    tpu.vector_store %arg5[%swap3A_135], %broadcast_in_dim3A_134 {strides = array<i32>} : memref<512xi32, #tpu.memory_space<vmem>>, vector<16xi32>,
    %broadcast_in_dim3A_137 = arith.constant 0 : i32
    %broadcast_in_dim3A_138 = vector.broadcast %broadcast_in_dim3A_137 : i32 to vector<16xi32>
    %swap3A_139 = arith.constant 416 : index
    %swap3A_140 = tpu.vector_load %arg5[%swap3A_139] {strides = array<i32>} : memref<512xi32, #tpu.memory_space<vmem>>, vector<16xi32>,
    tpu.vector_store %arg5[%swap3A_139], %broadcast_in_dim3A_138 {strides = array<i32>} : memref<512xi32, #tpu.memory_space<vmem>>, vector<16xi32>,
    %broadcast_in_dim3A_141 = arith.constant 0 : i32
    %broadcast_in_dim3A_142 = vector.broadcast %broadcast_in_dim3A_141 : i32 to vector<16xi32>
    %swap3A_143 = arith.constant 432 : index
    %swap3A_144 = tpu.vector_load %arg5[%swap3A_143] {strides = array<i32>} : memref<512xi32, #tpu.memory_space<vmem>>, vector<16xi32>,
    tpu.vector_store %arg5[%swap3A_143], %broadcast_in_dim3A_142 {strides = array<i32>} : memref<512xi32, #tpu.memory_space<vmem>>, vector<16xi32>,
    %broadcast_in_dim3A_145 = arith.constant 0 : i32
    %broadcast_in_dim3A_146 = vector.broadcast %broadcast_in_dim3A_145 : i32 to vector<16xi32>
    %swap3A_147 = arith.constant 448 : index
    %swap3A_148 = tpu.vector_load %arg5[%swap3A_147] {strides = array<i32>} : memref<512xi32, #tpu.memory_space<vmem>>, vector<16xi32>,
    tpu.vector_store %arg5[%swap3A_147], %broadcast_in_dim3A_146 {strides = array<i32>} : memref<512xi32, #tpu.memory_space<vmem>>, vector<16xi32>,
    %broadcast_in_dim3A_149 = arith.constant 0 : i32
    %broadcast_in_dim3A_150 = vector.broadcast %broadcast_in_dim3A_149 : i32 to vector<16xi32>
    %swap3A_151 = arith.constant 464 : index
    %swap3A_152 = tpu.vector_load %arg5[%swap3A_151] {strides = array<i32>} : memref<512xi32, #tpu.memory_space<vmem>>, vector<16xi32>,
    tpu.vector_store %arg5[%swap3A_151], %broadcast_in_dim3A_150 {strides = array<i32>} : memref<512xi32, #tpu.memory_space<vmem>>, vector<16xi32>,
    %broadcast_in_dim3A_153 = arith.constant 0 : i32
    %broadcast_in_dim3A_154 = vector.broadcast %broadcast_in_dim3A_153 : i32 to vector<16xi32>
    %swap3A_155 = arith.constant 480 : index
    %swap3A_156 = tpu.vector_load %arg5[%swap3A_155] {strides = array<i32>} : memref<512xi32, #tpu.memory_space<vmem>>, vector<16xi32>,
    tpu.vector_store %arg5[%swap3A_155], %broadcast_in_dim3A_154 {strides = array<i32>} : memref<512xi32, #tpu.memory_space<vmem>>, vector<16xi32>,
    %broadcast_in_dim3A_157 = arith.constant 0 : i32
    %broadcast_in_dim3A_158 = vector.broadcast %broadcast_in_dim3A_157 : i32 to vector<16xi32>
    %swap3A_159 = arith.constant 496 : index
    %swap3A_160 = tpu.vector_load %arg5[%swap3A_159] {strides = array<i32>} : memref<512xi32, #tpu.memory_space<vmem>>, vector<16xi32>,
    tpu.vector_store %arg5[%swap3A_159], %broadcast_in_dim3A_158 {strides = array<i32>} : memref<512xi32, #tpu.memory_space<vmem>>, vector<16xi32>,
    %scan3A = arith.constant 0 : i32
    %scan3A_161 = arith.constant 0 : i32
    %scan3A_162 = arith.constant 256 : i32
    %scan3A_163 = arith.addi %scan3A_161, %scan3A_162 : i32
    %scan3A_164 = arith.constant 1 : i32
    scf.for %scan3A_166 = %scan3A_161 to %scan3A_163 step %scan3A_164  : i32 {
      %jit3A_167 = arith.constant 4 : i32
      %div3A_168 = arith.divsi %scan3A_166, %jit3A_167 : i32
      %sign3A_169 = arith.constant 0 : i32
      %sign3A_170 = arith.cmpi sgt, %scan3A_166, %sign3A_169 : i32
      %sign3A_171 = arith.extui %sign3A_170 : i1 to i32
      %sign3A_172 = arith.constant 0 : i32
      %sign3A_173 = arith.cmpi slt, %scan3A_166, %sign3A_172 : i32
      %sign3A_174 = arith.extui %sign3A_173 : i1 to i32
      %sign3A_175 = arith.subi %sign3A_171, %sign3A_174 : i32
      %sign3A_176 = arith.constant 0 : i32
      %sign3A_177 = arith.cmpi sgt, %jit3A_167, %sign3A_176 : i32
      %sign3A_178 = arith.extui %sign3A_177 : i1 to i32
      %sign3A_179 = arith.constant 0 : i32
      %sign3A_180 = arith.cmpi slt, %jit3A_167, %sign3A_179 : i32
      %sign3A_181 = arith.extui %sign3A_180 : i1 to i32
      %sign3A_182 = arith.subi %sign3A_178, %sign3A_181 : i32
      %ne3A_183 = arith.cmpi ne, %sign3A_175, %sign3A_182 : i32
      %rem3A_184 = arith.remsi %scan3A_166, %jit3A_167 : i32
      %ne3A_185 = arith.constant 0 : i32
      %ne3A_186 = arith.cmpi ne, %rem3A_184, %ne3A_185 : i32
      %and3A_187 = arith.andi %ne3A_183, %ne3A_186 : i1
      %sub3A_188 = arith.constant 1 : i32
      %sub3A_189 = arith.subi %div3A_168, %sub3A_188 : i32
      %select_n3A_190 = arith.select %and3A_187, %sub3A_189, %div3A_168 : i32
      %jit3A_191 = arith.constant 4 : i32
      %eq3A_192 = arith.constant 0 : i32
      %eq3A_193 = arith.cmpi eq, %jit3A_191, %eq3A_192 : i32
      %jit3A_194 = arith.constant 1 : i32
      %select_n3A_195 = arith.select %eq3A_193, %jit3A_194, %jit3A_191 : i32
      %rem3A_196 = arith.remsi %scan3A_166, %select_n3A_195 : i32
      %ne3A_197 = arith.constant 0 : i32
      %ne3A_198 = arith.cmpi ne, %rem3A_196, %ne3A_197 : i32
      %lt3A_199 = arith.constant 0 : i32
      %lt3A_200 = arith.cmpi slt, %rem3A_196, %lt3A_199 : i32
      %lt3A_201 = arith.constant 0 : i32
      %lt3A_202 = arith.cmpi slt, %select_n3A_195, %lt3A_201 : i32
      %ne3A_203 = arith.xori %lt3A_200, %lt3A_202 : i1
      %and3A_204 = arith.andi %ne3A_203, %ne3A_198 : i1
      %add3A_205 = arith.addi %rem3A_196, %select_n3A_195 : i32
      %select_n3A_206 = arith.select %and3A_204, %add3A_205, %rem3A_196 : i32
      %mul3A_207 = arith.constant 8 : i32
      %mul3A_208 = arith.muli %select_n3A_206, %mul3A_207 : i32
      %add3A_209 = arith.constant 0 : i32
      %add3A_210 = arith.addi %mul3A_208, %add3A_209 : i32
      %mul3A_211 = arith.constant 16 : i32
      %mul3A_212 = arith.muli %add3A_210, %mul3A_211 : i32
      %get3A = arith.index_cast %select_n3A_190 : i32 to index
      %get3A_213 = arith.index_cast %mul3A_212 : i32 to index
      %get3A_214 = tpu.vector_load %arg4[%get3A, %get3A_213] {strides = array<i32>} : memref<64x512xi32, #tpu.memory_space<vmem>>, vector<16xi32>,
      %mul3A_215 = arith.constant 16 : i32
      %mul3A_216 = vector.broadcast %mul3A_215 : i32 to vector<16xi32>
      %mul3A_217 = arith.muli %get3A_214, %mul3A_216 : vector<16xi32>
      %add3A_218 = arith.addi %mul3A_217, %iota3A : vector<16xi32>
      tpu.vector_store_idx %arg5[%add3A_218], %broadcast_in_dim3A_33 {add = true} : memref<512xi32, #tpu.memory_space<vmem>>[vector<16xi32>], vector<16xi32>,
      %add3A_219 = arith.constant 1 : i32
      %add3A_220 = arith.addi %mul3A_208, %add3A_219 : i32
      %mul3A_221 = arith.constant 16 : i32
      %mul3A_222 = arith.muli %add3A_220, %mul3A_221 : i32
      %get3A_223 = arith.index_cast %select_n3A_190 : i32 to index
      %get3A_224 = arith.index_cast %mul3A_222 : i32 to index
      %get3A_225 = tpu.vector_load %arg4[%get3A_223, %get3A_224] {strides = array<i32>} : memref<64x512xi32, #tpu.memory_space<vmem>>, vector<16xi32>,
      %mul3A_226 = arith.constant 16 : i32
      %mul3A_227 = vector.broadcast %mul3A_226 : i32 to vector<16xi32>
      %mul3A_228 = arith.muli %get3A_225, %mul3A_227 : vector<16xi32>
      %add3A_229 = arith.addi %mul3A_228, %iota3A : vector<16xi32>
      tpu.vector_store_idx %arg5[%add3A_229], %broadcast_in_dim3A_33 {add = true} : memref<512xi32, #tpu.memory_space<vmem>>[vector<16xi32>], vector<16xi32>,
      %add3A_230 = arith.constant 2 : i32
      %add3A_231 = arith.addi %mul3A_208, %add3A_230 : i32
      %mul3A_232 = arith.constant 16 : i32
      %mul3A_233 = arith.muli %add3A_231, %mul3A_232 : i32
      %get3A_234 = arith.index_cast %select_n3A_190 : i32 to index
      %get3A_235 = arith.index_cast %mul3A_233 : i32 to index
      %get3A_236 = tpu.vector_load %arg4[%get3A_234, %get3A_235] {strides = array<i32>} : memref<64x512xi32, #tpu.memory_space<vmem>>, vector<16xi32>,
      %mul3A_237 = arith.constant 16 : i32
      %mul3A_238 = vector.broadcast %mul3A_237 : i32 to vector<16xi32>
      %mul3A_239 = arith.muli %get3A_236, %mul3A_238 : vector<16xi32>
      %add3A_240 = arith.addi %mul3A_239, %iota3A : vector<16xi32>
      tpu.vector_store_idx %arg5[%add3A_240], %broadcast_in_dim3A_33 {add = true} : memref<512xi32, #tpu.memory_space<vmem>>[vector<16xi32>], vector<16xi32>,
      %add3A_241 = arith.constant 3 : i32
      %add3A_242 = arith.addi %mul3A_208, %add3A_241 : i32
      %mul3A_243 = arith.constant 16 : i32
      %mul3A_244 = arith.muli %add3A_242, %mul3A_243 : i32
      %get3A_245 = arith.index_cast %select_n3A_190 : i32 to index
      %get3A_246 = arith.index_cast %mul3A_244 : i32 to index
      %get3A_247 = tpu.vector_load %arg4[%get3A_245, %get3A_246] {strides = array<i32>} : memref<64x512xi32, #tpu.memory_space<vmem>>, vector<16xi32>,
      %mul3A_248 = arith.constant 16 : i32
      %mul3A_249 = vector.broadcast %mul3A_248 : i32 to vector<16xi32>
      %mul3A_250 = arith.muli %get3A_247, %mul3A_249 : vector<16xi32>
      %add3A_251 = arith.addi %mul3A_250, %iota3A : vector<16xi32>
      tpu.vector_store_idx %arg5[%add3A_251], %broadcast_in_dim3A_33 {add = true} : memref<512xi32, #tpu.memory_space<vmem>>[vector<16xi32>], vector<16xi32>,
      %add3A_252 = arith.constant 4 : i32
      %add3A_253 = arith.addi %mul3A_208, %add3A_252 : i32
      %mul3A_254 = arith.constant 16 : i32
      %mul3A_255 = arith.muli %add3A_253, %mul3A_254 : i32
      %get3A_256 = arith.index_cast %select_n3A_190 : i32 to index
      %get3A_257 = arith.index_cast %mul3A_255 : i32 to index
      %get3A_258 = tpu.vector_load %arg4[%get3A_256, %get3A_257] {strides = array<i32>} : memref<64x512xi32, #tpu.memory_space<vmem>>, vector<16xi32>,
      %mul3A_259 = arith.constant 16 : i32
      %mul3A_260 = vector.broadcast %mul3A_259 : i32 to vector<16xi32>
      %mul3A_261 = arith.muli %get3A_258, %mul3A_260 : vector<16xi32>
      %add3A_262 = arith.addi %mul3A_261, %iota3A : vector<16xi32>
      tpu.vector_store_idx %arg5[%add3A_262], %broadcast_in_dim3A_33 {add = true} : memref<512xi32, #tpu.memory_space<vmem>>[vector<16xi32>], vector<16xi32>,
      %add3A_263 = arith.constant 5 : i32
      %add3A_264 = arith.addi %mul3A_208, %add3A_263 : i32
      %mul3A_265 = arith.constant 16 : i32
      %mul3A_266 = arith.muli %add3A_264, %mul3A_265 : i32
      %get3A_267 = arith.index_cast %select_n3A_190 : i32 to index
      %get3A_268 = arith.index_cast %mul3A_266 : i32 to index
      %get3A_269 = tpu.vector_load %arg4[%get3A_267, %get3A_268] {strides = array<i32>} : memref<64x512xi32, #tpu.memory_space<vmem>>, vector<16xi32>,
      %mul3A_270 = arith.constant 16 : i32
      %mul3A_271 = vector.broadcast %mul3A_270 : i32 to vector<16xi32>
      %mul3A_272 = arith.muli %get3A_269, %mul3A_271 : vector<16xi32>
      %add3A_273 = arith.addi %mul3A_272, %iota3A : vector<16xi32>
      tpu.vector_store_idx %arg5[%add3A_273], %broadcast_in_dim3A_33 {add = true} : memref<512xi32, #tpu.memory_space<vmem>>[vector<16xi32>], vector<16xi32>,
      %add3A_274 = arith.constant 6 : i32
      %add3A_275 = arith.addi %mul3A_208, %add3A_274 : i32
      %mul3A_276 = arith.constant 16 : i32
      %mul3A_277 = arith.muli %add3A_275, %mul3A_276 : i32
      %get3A_278 = arith.index_cast %select_n3A_190 : i32 to index
      %get3A_279 = arith.index_cast %mul3A_277 : i32 to index
      %get3A_280 = tpu.vector_load %arg4[%get3A_278, %get3A_279] {strides = array<i32>} : memref<64x512xi32, #tpu.memory_space<vmem>>, vector<16xi32>,
      %mul3A_281 = arith.constant 16 : i32
      %mul3A_282 = vector.broadcast %mul3A_281 : i32 to vector<16xi32>
      %mul3A_283 = arith.muli %get3A_280, %mul3A_282 : vector<16xi32>
      %add3A_284 = arith.addi %mul3A_283, %iota3A : vector<16xi32>
      tpu.vector_store_idx %arg5[%add3A_284], %broadcast_in_dim3A_33 {add = true} : memref<512xi32, #tpu.memory_space<vmem>>[vector<16xi32>], vector<16xi32>,
      %add3A_285 = arith.constant 7 : i32
      %add3A_286 = arith.addi %mul3A_208, %add3A_285 : i32
      %mul3A_287 = arith.constant 16 : i32
      %mul3A_288 = arith.muli %add3A_286, %mul3A_287 : i32
      %get3A_289 = arith.index_cast %select_n3A_190 : i32 to index
      %get3A_290 = arith.index_cast %mul3A_288 : i32 to index
      %get3A_291 = tpu.vector_load %arg4[%get3A_289, %get3A_290] {strides = array<i32>} : memref<64x512xi32, #tpu.memory_space<vmem>>, vector<16xi32>,
      %mul3A_292 = arith.constant 16 : i32
      %mul3A_293 = vector.broadcast %mul3A_292 : i32 to vector<16xi32>
      %mul3A_294 = arith.muli %get3A_291, %mul3A_293 : vector<16xi32>
      %add3A_295 = arith.addi %mul3A_294, %iota3A : vector<16xi32>
      tpu.vector_store_idx %arg5[%add3A_295], %broadcast_in_dim3A_33 {add = true} : memref<512xi32, #tpu.memory_space<vmem>>[vector<16xi32>], vector<16xi32>,
    }
    %scan3A_165 = arith.constant 256 : i32
    "tpu.region"() ({
      %run_scoped3A = tpu.sem_alloc : memref<!tpu.dma_semaphore, #tpu.memory_space<semaphore_mem>>
      %dma_start3A = arith.constant 0 : i32
      %dma_start3A_166 = tpu.memref_slice %arg3[%add3A, %dma_start3A] : memref<32x512xi32, #tpu.memory_space<hbm>> -> memref<1x512xi32, #tpu.memory_space<hbm>>
      %dma_start3A_167 = tpu.memref_squeeze %dma_start3A_166 : memref<1x512xi32, #tpu.memory_space<hbm>> -> memref<512xi32, #tpu.memory_space<hbm>>
      %dma_start3A_168 = arith.constant 0 : i32
      %dma_start3A_169 = tpu.memref_slice %arg3[%add3A, %dma_start3A_168] : memref<32x512xi32, #tpu.memory_space<hbm>> -> memref<1x512xi32, #tpu.memory_space<hbm>>
      %dma_start3A_170 = tpu.memref_squeeze %dma_start3A_169 : memref<1x512xi32, #tpu.memory_space<hbm>> -> memref<512xi32, #tpu.memory_space<hbm>>
      tpu.enqueue_dma source(%arg5 : memref<512xi32, #tpu.memory_space<vmem>>) target(%dma_start3A_170 : memref<512xi32, #tpu.memory_space<hbm>>) target_semaphore(%run_scoped3A : memref<!tpu.dma_semaphore, #tpu.memory_space<semaphore_mem>>)
      %dma_wait3A = arith.constant 0 : i32
      %dma_wait3A_171 = tpu.memref_slice %arg3[%add3A, %dma_wait3A] : memref<32x512xi32, #tpu.memory_space<hbm>> -> memref<1x512xi32, #tpu.memory_space<hbm>>
      %dma_wait3A_172 = tpu.memref_squeeze %dma_wait3A_171 : memref<1x512xi32, #tpu.memory_space<hbm>> -> memref<512xi32, #tpu.memory_space<hbm>>
      %dma_wait3A_173 = arith.constant 0 : i32
      %dma_wait3A_174 = tpu.memref_slice %arg3[%add3A, %dma_wait3A_173] : memref<32x512xi32, #tpu.memory_space<hbm>> -> memref<1x512xi32, #tpu.memory_space<hbm>>
      %dma_wait3A_175 = tpu.memref_squeeze %dma_wait3A_174 : memref<1x512xi32, #tpu.memory_space<hbm>> -> memref<512xi32, #tpu.memory_space<hbm>>
      tpu.wait_dma2 semaphore(%run_scoped3A : memref<!tpu.dma_semaphore, #tpu.memory_space<semaphore_mem>>) src(%arg5 : memref<512xi32, #tpu.memory_space<vmem>>) dst(%dma_wait3A_175 : memref<512xi32, #tpu.memory_space<hbm>>)
      tpu.yield
    }) : () -> ()
    return
  }
}

module attributes {stable_mosaic.version = 14 : i64} {
  func.func @_combine_kernel(%arg0: memref<32x512xi32, #tpu.memory_space<vmem>>, %arg1: memref<2x19xf32, #tpu.memory_space<vmem>>, %arg2: memref<1x1xf32, #tpu.memory_space<vmem>>) attributes {dimension_semantics = [], scalar_prefetch = 0 : i64, scratch_operands = 0 : i64, tpu.core_type = #tpu.core_type<tc>} {
    %get3A = arith.constant 0 : index
    %get3A_0 = arith.constant 0 : index
    %get3A_1 = vector.load %arg0[%get3A, %get3A_0] : memref<32x512xi32, #tpu.memory_space<vmem>>, vector<32x16xi32>
    %convert_element_type3A = arith.sitofp %get3A_1 : vector<32x16xi32> to vector<32x16xf32>
    %reduce_sum3A = vector.shape_cast %convert_element_type3A : vector<32x16xf32> to vector<1x32x16xf32>
    %reduce_sum3A_2 = arith.constant dense<0.000000e+00> : vector<1xf32>
    %reduce_sum3A_3 = vector.multi_reduction <add>, %reduce_sum3A, %reduce_sum3A_2 [1, 2] : vector<1x32x16xf32> to vector<1xf32>
    %reduce_sum3A_4 = vector.shape_cast %reduce_sum3A_3 : vector<1xf32> to vector<1x1x1xf32>
    %reduce_sum3A_5 = vector.extract %reduce_sum3A_4[0, 0, 0] : f32 from vector<1x1x1xf32>
    %get3A_6 = arith.constant 0 : index
    %get3A_7 = arith.constant 0 : index
    %get3A_8 = vector.load %arg1[%get3A_6, %get3A_7] : memref<2x19xf32, #tpu.memory_space<vmem>>, vector<1x1xf32>
    %get3A_9 = vector.extract %get3A_8[0, 0] : f32 from vector<1x1xf32>
    %get3A_10 = arith.constant 1 : index
    %get3A_11 = arith.constant 0 : index
    %get3A_12 = vector.load %arg1[%get3A_10, %get3A_11] : memref<2x19xf32, #tpu.memory_space<vmem>>, vector<1x1xf32>
    %get3A_13 = vector.extract %get3A_12[0, 0] : f32 from vector<1x1xf32>
    %gt3A = arith.constant 0.000000e+00 : f32
    %gt3A_14 = arith.cmpf ogt, %get3A_9, %gt3A : f32
    %jit3A = arith.constant 1.000000e+00 : f32
    %select_n3A = arith.select %gt3A_14, %get3A_9, %jit3A : f32
    %gt3A_15 = arith.constant 0.000000e+00 : f32
    %gt3A_16 = arith.cmpf ogt, %reduce_sum3A_5, %gt3A_15 : f32
    %jit3A_17 = arith.constant 1.000000e+00 : f32
    %select_n3A_18 = arith.select %gt3A_16, %reduce_sum3A_5, %jit3A_17 : f32
    %div3A = arith.divf %select_n3A, %select_n3A_18 : f32
    %mul3A = arith.mulf %div3A, %get3A_13 : f32
    %add3A = arith.constant 0.000000e+00 : f32
    %add3A_19 = arith.addf %add3A, %mul3A : f32
    %get3A_20 = arith.constant 0 : index
    %get3A_21 = arith.constant 16 : index
    %get3A_22 = vector.load %arg0[%get3A_20, %get3A_21] : memref<32x512xi32, #tpu.memory_space<vmem>>, vector<32x16xi32>
    %convert_element_type3A_23 = arith.sitofp %get3A_22 : vector<32x16xi32> to vector<32x16xf32>
    %reduce_sum3A_24 = vector.shape_cast %convert_element_type3A_23 : vector<32x16xf32> to vector<1x32x16xf32>
    %reduce_sum3A_25 = arith.constant dense<0.000000e+00> : vector<1xf32>
    %reduce_sum3A_26 = vector.multi_reduction <add>, %reduce_sum3A_24, %reduce_sum3A_25 [1, 2] : vector<1x32x16xf32> to vector<1xf32>
    %reduce_sum3A_27 = vector.shape_cast %reduce_sum3A_26 : vector<1xf32> to vector<1x1x1xf32>
    %reduce_sum3A_28 = vector.extract %reduce_sum3A_27[0, 0, 0] : f32 from vector<1x1x1xf32>
    %get3A_29 = arith.constant 0 : index
    %get3A_30 = arith.constant 1 : index
    %get3A_31 = vector.load %arg1[%get3A_29, %get3A_30] : memref<2x19xf32, #tpu.memory_space<vmem>>, vector<1x1xf32>
    %get3A_32 = vector.extract %get3A_31[0, 0] : f32 from vector<1x1xf32>
    %get3A_33 = arith.constant 1 : index
    %get3A_34 = arith.constant 1 : index
    %get3A_35 = vector.load %arg1[%get3A_33, %get3A_34] : memref<2x19xf32, #tpu.memory_space<vmem>>, vector<1x1xf32>
    %get3A_36 = vector.extract %get3A_35[0, 0] : f32 from vector<1x1xf32>
    %gt3A_37 = arith.constant 0.000000e+00 : f32
    %gt3A_38 = arith.cmpf ogt, %get3A_32, %gt3A_37 : f32
    %jit3A_39 = arith.constant 1.000000e+00 : f32
    %select_n3A_40 = arith.select %gt3A_38, %get3A_32, %jit3A_39 : f32
    %gt3A_41 = arith.constant 0.000000e+00 : f32
    %gt3A_42 = arith.cmpf ogt, %reduce_sum3A_28, %gt3A_41 : f32
    %jit3A_43 = arith.constant 1.000000e+00 : f32
    %select_n3A_44 = arith.select %gt3A_42, %reduce_sum3A_28, %jit3A_43 : f32
    %div3A_45 = arith.divf %select_n3A_40, %select_n3A_44 : f32
    %mul3A_46 = arith.mulf %div3A_45, %get3A_36 : f32
    %add3A_47 = arith.addf %add3A_19, %mul3A_46 : f32
    %get3A_48 = arith.constant 0 : index
    %get3A_49 = arith.constant 32 : index
    %get3A_50 = vector.load %arg0[%get3A_48, %get3A_49] : memref<32x512xi32, #tpu.memory_space<vmem>>, vector<32x16xi32>
    %convert_element_type3A_51 = arith.sitofp %get3A_50 : vector<32x16xi32> to vector<32x16xf32>
    %reduce_sum3A_52 = vector.shape_cast %convert_element_type3A_51 : vector<32x16xf32> to vector<1x32x16xf32>
    %reduce_sum3A_53 = arith.constant dense<0.000000e+00> : vector<1xf32>
    %reduce_sum3A_54 = vector.multi_reduction <add>, %reduce_sum3A_52, %reduce_sum3A_53 [1, 2] : vector<1x32x16xf32> to vector<1xf32>
    %reduce_sum3A_55 = vector.shape_cast %reduce_sum3A_54 : vector<1xf32> to vector<1x1x1xf32>
    %reduce_sum3A_56 = vector.extract %reduce_sum3A_55[0, 0, 0] : f32 from vector<1x1x1xf32>
    %get3A_57 = arith.constant 0 : index
    %get3A_58 = arith.constant 2 : index
    %get3A_59 = vector.load %arg1[%get3A_57, %get3A_58] : memref<2x19xf32, #tpu.memory_space<vmem>>, vector<1x1xf32>
    %get3A_60 = vector.extract %get3A_59[0, 0] : f32 from vector<1x1xf32>
    %get3A_61 = arith.constant 1 : index
    %get3A_62 = arith.constant 2 : index
    %get3A_63 = vector.load %arg1[%get3A_61, %get3A_62] : memref<2x19xf32, #tpu.memory_space<vmem>>, vector<1x1xf32>
    %get3A_64 = vector.extract %get3A_63[0, 0] : f32 from vector<1x1xf32>
    %gt3A_65 = arith.constant 0.000000e+00 : f32
    %gt3A_66 = arith.cmpf ogt, %get3A_60, %gt3A_65 : f32
    %jit3A_67 = arith.constant 1.000000e+00 : f32
    %select_n3A_68 = arith.select %gt3A_66, %get3A_60, %jit3A_67 : f32
    %gt3A_69 = arith.constant 0.000000e+00 : f32
    %gt3A_70 = arith.cmpf ogt, %reduce_sum3A_56, %gt3A_69 : f32
    %jit3A_71 = arith.constant 1.000000e+00 : f32
    %select_n3A_72 = arith.select %gt3A_70, %reduce_sum3A_56, %jit3A_71 : f32
    %div3A_73 = arith.divf %select_n3A_68, %select_n3A_72 : f32
    %mul3A_74 = arith.mulf %div3A_73, %get3A_64 : f32
    %add3A_75 = arith.addf %add3A_47, %mul3A_74 : f32
    %get3A_76 = arith.constant 0 : index
    %get3A_77 = arith.constant 48 : index
    %get3A_78 = vector.load %arg0[%get3A_76, %get3A_77] : memref<32x512xi32, #tpu.memory_space<vmem>>, vector<32x16xi32>
    %convert_element_type3A_79 = arith.sitofp %get3A_78 : vector<32x16xi32> to vector<32x16xf32>
    %reduce_sum3A_80 = vector.shape_cast %convert_element_type3A_79 : vector<32x16xf32> to vector<1x32x16xf32>
    %reduce_sum3A_81 = arith.constant dense<0.000000e+00> : vector<1xf32>
    %reduce_sum3A_82 = vector.multi_reduction <add>, %reduce_sum3A_80, %reduce_sum3A_81 [1, 2] : vector<1x32x16xf32> to vector<1xf32>
    %reduce_sum3A_83 = vector.shape_cast %reduce_sum3A_82 : vector<1xf32> to vector<1x1x1xf32>
    %reduce_sum3A_84 = vector.extract %reduce_sum3A_83[0, 0, 0] : f32 from vector<1x1x1xf32>
    %get3A_85 = arith.constant 0 : index
    %get3A_86 = arith.constant 3 : index
    %get3A_87 = vector.load %arg1[%get3A_85, %get3A_86] : memref<2x19xf32, #tpu.memory_space<vmem>>, vector<1x1xf32>
    %get3A_88 = vector.extract %get3A_87[0, 0] : f32 from vector<1x1xf32>
    %get3A_89 = arith.constant 1 : index
    %get3A_90 = arith.constant 3 : index
    %get3A_91 = vector.load %arg1[%get3A_89, %get3A_90] : memref<2x19xf32, #tpu.memory_space<vmem>>, vector<1x1xf32>
    %get3A_92 = vector.extract %get3A_91[0, 0] : f32 from vector<1x1xf32>
    %gt3A_93 = arith.constant 0.000000e+00 : f32
    %gt3A_94 = arith.cmpf ogt, %get3A_88, %gt3A_93 : f32
    %jit3A_95 = arith.constant 1.000000e+00 : f32
    %select_n3A_96 = arith.select %gt3A_94, %get3A_88, %jit3A_95 : f32
    %gt3A_97 = arith.constant 0.000000e+00 : f32
    %gt3A_98 = arith.cmpf ogt, %reduce_sum3A_84, %gt3A_97 : f32
    %jit3A_99 = arith.constant 1.000000e+00 : f32
    %select_n3A_100 = arith.select %gt3A_98, %reduce_sum3A_84, %jit3A_99 : f32
    %div3A_101 = arith.divf %select_n3A_96, %select_n3A_100 : f32
    %mul3A_102 = arith.mulf %div3A_101, %get3A_92 : f32
    %add3A_103 = arith.addf %add3A_75, %mul3A_102 : f32
    %get3A_104 = arith.constant 0 : index
    %get3A_105 = arith.constant 64 : index
    %get3A_106 = vector.load %arg0[%get3A_104, %get3A_105] : memref<32x512xi32, #tpu.memory_space<vmem>>, vector<32x16xi32>
    %convert_element_type3A_107 = arith.sitofp %get3A_106 : vector<32x16xi32> to vector<32x16xf32>
    %reduce_sum3A_108 = vector.shape_cast %convert_element_type3A_107 : vector<32x16xf32> to vector<1x32x16xf32>
    %reduce_sum3A_109 = arith.constant dense<0.000000e+00> : vector<1xf32>
    %reduce_sum3A_110 = vector.multi_reduction <add>, %reduce_sum3A_108, %reduce_sum3A_109 [1, 2] : vector<1x32x16xf32> to vector<1xf32>
    %reduce_sum3A_111 = vector.shape_cast %reduce_sum3A_110 : vector<1xf32> to vector<1x1x1xf32>
    %reduce_sum3A_112 = vector.extract %reduce_sum3A_111[0, 0, 0] : f32 from vector<1x1x1xf32>
    %get3A_113 = arith.constant 0 : index
    %get3A_114 = arith.constant 4 : index
    %get3A_115 = vector.load %arg1[%get3A_113, %get3A_114] : memref<2x19xf32, #tpu.memory_space<vmem>>, vector<1x1xf32>
    %get3A_116 = vector.extract %get3A_115[0, 0] : f32 from vector<1x1xf32>
    %get3A_117 = arith.constant 1 : index
    %get3A_118 = arith.constant 4 : index
    %get3A_119 = vector.load %arg1[%get3A_117, %get3A_118] : memref<2x19xf32, #tpu.memory_space<vmem>>, vector<1x1xf32>
    %get3A_120 = vector.extract %get3A_119[0, 0] : f32 from vector<1x1xf32>
    %gt3A_121 = arith.constant 0.000000e+00 : f32
    %gt3A_122 = arith.cmpf ogt, %get3A_116, %gt3A_121 : f32
    %jit3A_123 = arith.constant 1.000000e+00 : f32
    %select_n3A_124 = arith.select %gt3A_122, %get3A_116, %jit3A_123 : f32
    %gt3A_125 = arith.constant 0.000000e+00 : f32
    %gt3A_126 = arith.cmpf ogt, %reduce_sum3A_112, %gt3A_125 : f32
    %jit3A_127 = arith.constant 1.000000e+00 : f32
    %select_n3A_128 = arith.select %gt3A_126, %reduce_sum3A_112, %jit3A_127 : f32
    %div3A_129 = arith.divf %select_n3A_124, %select_n3A_128 : f32
    %mul3A_130 = arith.mulf %div3A_129, %get3A_120 : f32
    %add3A_131 = arith.addf %add3A_103, %mul3A_130 : f32
    %get3A_132 = arith.constant 0 : index
    %get3A_133 = arith.constant 80 : index
    %get3A_134 = vector.load %arg0[%get3A_132, %get3A_133] : memref<32x512xi32, #tpu.memory_space<vmem>>, vector<32x16xi32>
    %convert_element_type3A_135 = arith.sitofp %get3A_134 : vector<32x16xi32> to vector<32x16xf32>
    %reduce_sum3A_136 = vector.shape_cast %convert_element_type3A_135 : vector<32x16xf32> to vector<1x32x16xf32>
    %reduce_sum3A_137 = arith.constant dense<0.000000e+00> : vector<1xf32>
    %reduce_sum3A_138 = vector.multi_reduction <add>, %reduce_sum3A_136, %reduce_sum3A_137 [1, 2] : vector<1x32x16xf32> to vector<1xf32>
    %reduce_sum3A_139 = vector.shape_cast %reduce_sum3A_138 : vector<1xf32> to vector<1x1x1xf32>
    %reduce_sum3A_140 = vector.extract %reduce_sum3A_139[0, 0, 0] : f32 from vector<1x1x1xf32>
    %get3A_141 = arith.constant 0 : index
    %get3A_142 = arith.constant 5 : index
    %get3A_143 = vector.load %arg1[%get3A_141, %get3A_142] : memref<2x19xf32, #tpu.memory_space<vmem>>, vector<1x1xf32>
    %get3A_144 = vector.extract %get3A_143[0, 0] : f32 from vector<1x1xf32>
    %get3A_145 = arith.constant 1 : index
    %get3A_146 = arith.constant 5 : index
    %get3A_147 = vector.load %arg1[%get3A_145, %get3A_146] : memref<2x19xf32, #tpu.memory_space<vmem>>, vector<1x1xf32>
    %get3A_148 = vector.extract %get3A_147[0, 0] : f32 from vector<1x1xf32>
    %gt3A_149 = arith.constant 0.000000e+00 : f32
    %gt3A_150 = arith.cmpf ogt, %get3A_144, %gt3A_149 : f32
    %jit3A_151 = arith.constant 1.000000e+00 : f32
    %select_n3A_152 = arith.select %gt3A_150, %get3A_144, %jit3A_151 : f32
    %gt3A_153 = arith.constant 0.000000e+00 : f32
    %gt3A_154 = arith.cmpf ogt, %reduce_sum3A_140, %gt3A_153 : f32
    %jit3A_155 = arith.constant 1.000000e+00 : f32
    %select_n3A_156 = arith.select %gt3A_154, %reduce_sum3A_140, %jit3A_155 : f32
    %div3A_157 = arith.divf %select_n3A_152, %select_n3A_156 : f32
    %mul3A_158 = arith.mulf %div3A_157, %get3A_148 : f32
    %add3A_159 = arith.addf %add3A_131, %mul3A_158 : f32
    %get3A_160 = arith.constant 0 : index
    %get3A_161 = arith.constant 96 : index
    %get3A_162 = vector.load %arg0[%get3A_160, %get3A_161] : memref<32x512xi32, #tpu.memory_space<vmem>>, vector<32x16xi32>
    %convert_element_type3A_163 = arith.sitofp %get3A_162 : vector<32x16xi32> to vector<32x16xf32>
    %reduce_sum3A_164 = vector.shape_cast %convert_element_type3A_163 : vector<32x16xf32> to vector<1x32x16xf32>
    %reduce_sum3A_165 = arith.constant dense<0.000000e+00> : vector<1xf32>
    %reduce_sum3A_166 = vector.multi_reduction <add>, %reduce_sum3A_164, %reduce_sum3A_165 [1, 2] : vector<1x32x16xf32> to vector<1xf32>
    %reduce_sum3A_167 = vector.shape_cast %reduce_sum3A_166 : vector<1xf32> to vector<1x1x1xf32>
    %reduce_sum3A_168 = vector.extract %reduce_sum3A_167[0, 0, 0] : f32 from vector<1x1x1xf32>
    %get3A_169 = arith.constant 0 : index
    %get3A_170 = arith.constant 6 : index
    %get3A_171 = vector.load %arg1[%get3A_169, %get3A_170] : memref<2x19xf32, #tpu.memory_space<vmem>>, vector<1x1xf32>
    %get3A_172 = vector.extract %get3A_171[0, 0] : f32 from vector<1x1xf32>
    %get3A_173 = arith.constant 1 : index
    %get3A_174 = arith.constant 6 : index
    %get3A_175 = vector.load %arg1[%get3A_173, %get3A_174] : memref<2x19xf32, #tpu.memory_space<vmem>>, vector<1x1xf32>
    %get3A_176 = vector.extract %get3A_175[0, 0] : f32 from vector<1x1xf32>
    %gt3A_177 = arith.constant 0.000000e+00 : f32
    %gt3A_178 = arith.cmpf ogt, %get3A_172, %gt3A_177 : f32
    %jit3A_179 = arith.constant 1.000000e+00 : f32
    %select_n3A_180 = arith.select %gt3A_178, %get3A_172, %jit3A_179 : f32
    %gt3A_181 = arith.constant 0.000000e+00 : f32
    %gt3A_182 = arith.cmpf ogt, %reduce_sum3A_168, %gt3A_181 : f32
    %jit3A_183 = arith.constant 1.000000e+00 : f32
    %select_n3A_184 = arith.select %gt3A_182, %reduce_sum3A_168, %jit3A_183 : f32
    %div3A_185 = arith.divf %select_n3A_180, %select_n3A_184 : f32
    %mul3A_186 = arith.mulf %div3A_185, %get3A_176 : f32
    %add3A_187 = arith.addf %add3A_159, %mul3A_186 : f32
    %get3A_188 = arith.constant 0 : index
    %get3A_189 = arith.constant 112 : index
    %get3A_190 = vector.load %arg0[%get3A_188, %get3A_189] : memref<32x512xi32, #tpu.memory_space<vmem>>, vector<32x16xi32>
    %convert_element_type3A_191 = arith.sitofp %get3A_190 : vector<32x16xi32> to vector<32x16xf32>
    %reduce_sum3A_192 = vector.shape_cast %convert_element_type3A_191 : vector<32x16xf32> to vector<1x32x16xf32>
    %reduce_sum3A_193 = arith.constant dense<0.000000e+00> : vector<1xf32>
    %reduce_sum3A_194 = vector.multi_reduction <add>, %reduce_sum3A_192, %reduce_sum3A_193 [1, 2] : vector<1x32x16xf32> to vector<1xf32>
    %reduce_sum3A_195 = vector.shape_cast %reduce_sum3A_194 : vector<1xf32> to vector<1x1x1xf32>
    %reduce_sum3A_196 = vector.extract %reduce_sum3A_195[0, 0, 0] : f32 from vector<1x1x1xf32>
    %get3A_197 = arith.constant 0 : index
    %get3A_198 = arith.constant 7 : index
    %get3A_199 = vector.load %arg1[%get3A_197, %get3A_198] : memref<2x19xf32, #tpu.memory_space<vmem>>, vector<1x1xf32>
    %get3A_200 = vector.extract %get3A_199[0, 0] : f32 from vector<1x1xf32>
    %get3A_201 = arith.constant 1 : index
    %get3A_202 = arith.constant 7 : index
    %get3A_203 = vector.load %arg1[%get3A_201, %get3A_202] : memref<2x19xf32, #tpu.memory_space<vmem>>, vector<1x1xf32>
    %get3A_204 = vector.extract %get3A_203[0, 0] : f32 from vector<1x1xf32>
    %gt3A_205 = arith.constant 0.000000e+00 : f32
    %gt3A_206 = arith.cmpf ogt, %get3A_200, %gt3A_205 : f32
    %jit3A_207 = arith.constant 1.000000e+00 : f32
    %select_n3A_208 = arith.select %gt3A_206, %get3A_200, %jit3A_207 : f32
    %gt3A_209 = arith.constant 0.000000e+00 : f32
    %gt3A_210 = arith.cmpf ogt, %reduce_sum3A_196, %gt3A_209 : f32
    %jit3A_211 = arith.constant 1.000000e+00 : f32
    %select_n3A_212 = arith.select %gt3A_210, %reduce_sum3A_196, %jit3A_211 : f32
    %div3A_213 = arith.divf %select_n3A_208, %select_n3A_212 : f32
    %mul3A_214 = arith.mulf %div3A_213, %get3A_204 : f32
    %add3A_215 = arith.addf %add3A_187, %mul3A_214 : f32
    %get3A_216 = arith.constant 0 : index
    %get3A_217 = arith.constant 128 : index
    %get3A_218 = vector.load %arg0[%get3A_216, %get3A_217] : memref<32x512xi32, #tpu.memory_space<vmem>>, vector<32x16xi32>
    %convert_element_type3A_219 = arith.sitofp %get3A_218 : vector<32x16xi32> to vector<32x16xf32>
    %reduce_sum3A_220 = vector.shape_cast %convert_element_type3A_219 : vector<32x16xf32> to vector<1x32x16xf32>
    %reduce_sum3A_221 = arith.constant dense<0.000000e+00> : vector<1xf32>
    %reduce_sum3A_222 = vector.multi_reduction <add>, %reduce_sum3A_220, %reduce_sum3A_221 [1, 2] : vector<1x32x16xf32> to vector<1xf32>
    %reduce_sum3A_223 = vector.shape_cast %reduce_sum3A_222 : vector<1xf32> to vector<1x1x1xf32>
    %reduce_sum3A_224 = vector.extract %reduce_sum3A_223[0, 0, 0] : f32 from vector<1x1x1xf32>
    %get3A_225 = arith.constant 0 : index
    %get3A_226 = arith.constant 8 : index
    %get3A_227 = vector.load %arg1[%get3A_225, %get3A_226] : memref<2x19xf32, #tpu.memory_space<vmem>>, vector<1x1xf32>
    %get3A_228 = vector.extract %get3A_227[0, 0] : f32 from vector<1x1xf32>
    %get3A_229 = arith.constant 1 : index
    %get3A_230 = arith.constant 8 : index
    %get3A_231 = vector.load %arg1[%get3A_229, %get3A_230] : memref<2x19xf32, #tpu.memory_space<vmem>>, vector<1x1xf32>
    %get3A_232 = vector.extract %get3A_231[0, 0] : f32 from vector<1x1xf32>
    %gt3A_233 = arith.constant 0.000000e+00 : f32
    %gt3A_234 = arith.cmpf ogt, %get3A_228, %gt3A_233 : f32
    %jit3A_235 = arith.constant 1.000000e+00 : f32
    %select_n3A_236 = arith.select %gt3A_234, %get3A_228, %jit3A_235 : f32
    %gt3A_237 = arith.constant 0.000000e+00 : f32
    %gt3A_238 = arith.cmpf ogt, %reduce_sum3A_224, %gt3A_237 : f32
    %jit3A_239 = arith.constant 1.000000e+00 : f32
    %select_n3A_240 = arith.select %gt3A_238, %reduce_sum3A_224, %jit3A_239 : f32
    %div3A_241 = arith.divf %select_n3A_236, %select_n3A_240 : f32
    %mul3A_242 = arith.mulf %div3A_241, %get3A_232 : f32
    %add3A_243 = arith.addf %add3A_215, %mul3A_242 : f32
    %get3A_244 = arith.constant 0 : index
    %get3A_245 = arith.constant 144 : index
    %get3A_246 = vector.load %arg0[%get3A_244, %get3A_245] : memref<32x512xi32, #tpu.memory_space<vmem>>, vector<32x16xi32>
    %convert_element_type3A_247 = arith.sitofp %get3A_246 : vector<32x16xi32> to vector<32x16xf32>
    %reduce_sum3A_248 = vector.shape_cast %convert_element_type3A_247 : vector<32x16xf32> to vector<1x32x16xf32>
    %reduce_sum3A_249 = arith.constant dense<0.000000e+00> : vector<1xf32>
    %reduce_sum3A_250 = vector.multi_reduction <add>, %reduce_sum3A_248, %reduce_sum3A_249 [1, 2] : vector<1x32x16xf32> to vector<1xf32>
    %reduce_sum3A_251 = vector.shape_cast %reduce_sum3A_250 : vector<1xf32> to vector<1x1x1xf32>
    %reduce_sum3A_252 = vector.extract %reduce_sum3A_251[0, 0, 0] : f32 from vector<1x1x1xf32>
    %get3A_253 = arith.constant 0 : index
    %get3A_254 = arith.constant 9 : index
    %get3A_255 = vector.load %arg1[%get3A_253, %get3A_254] : memref<2x19xf32, #tpu.memory_space<vmem>>, vector<1x1xf32>
    %get3A_256 = vector.extract %get3A_255[0, 0] : f32 from vector<1x1xf32>
    %get3A_257 = arith.constant 1 : index
    %get3A_258 = arith.constant 9 : index
    %get3A_259 = vector.load %arg1[%get3A_257, %get3A_258] : memref<2x19xf32, #tpu.memory_space<vmem>>, vector<1x1xf32>
    %get3A_260 = vector.extract %get3A_259[0, 0] : f32 from vector<1x1xf32>
    %gt3A_261 = arith.constant 0.000000e+00 : f32
    %gt3A_262 = arith.cmpf ogt, %get3A_256, %gt3A_261 : f32
    %jit3A_263 = arith.constant 1.000000e+00 : f32
    %select_n3A_264 = arith.select %gt3A_262, %get3A_256, %jit3A_263 : f32
    %gt3A_265 = arith.constant 0.000000e+00 : f32
    %gt3A_266 = arith.cmpf ogt, %reduce_sum3A_252, %gt3A_265 : f32
    %jit3A_267 = arith.constant 1.000000e+00 : f32
    %select_n3A_268 = arith.select %gt3A_266, %reduce_sum3A_252, %jit3A_267 : f32
    %div3A_269 = arith.divf %select_n3A_264, %select_n3A_268 : f32
    %mul3A_270 = arith.mulf %div3A_269, %get3A_260 : f32
    %add3A_271 = arith.addf %add3A_243, %mul3A_270 : f32
    %get3A_272 = arith.constant 0 : index
    %get3A_273 = arith.constant 160 : index
    %get3A_274 = vector.load %arg0[%get3A_272, %get3A_273] : memref<32x512xi32, #tpu.memory_space<vmem>>, vector<32x16xi32>
    %convert_element_type3A_275 = arith.sitofp %get3A_274 : vector<32x16xi32> to vector<32x16xf32>
    %reduce_sum3A_276 = vector.shape_cast %convert_element_type3A_275 : vector<32x16xf32> to vector<1x32x16xf32>
    %reduce_sum3A_277 = arith.constant dense<0.000000e+00> : vector<1xf32>
    %reduce_sum3A_278 = vector.multi_reduction <add>, %reduce_sum3A_276, %reduce_sum3A_277 [1, 2] : vector<1x32x16xf32> to vector<1xf32>
    %reduce_sum3A_279 = vector.shape_cast %reduce_sum3A_278 : vector<1xf32> to vector<1x1x1xf32>
    %reduce_sum3A_280 = vector.extract %reduce_sum3A_279[0, 0, 0] : f32 from vector<1x1x1xf32>
    %get3A_281 = arith.constant 0 : index
    %get3A_282 = arith.constant 10 : index
    %get3A_283 = vector.load %arg1[%get3A_281, %get3A_282] : memref<2x19xf32, #tpu.memory_space<vmem>>, vector<1x1xf32>
    %get3A_284 = vector.extract %get3A_283[0, 0] : f32 from vector<1x1xf32>
    %get3A_285 = arith.constant 1 : index
    %get3A_286 = arith.constant 10 : index
    %get3A_287 = vector.load %arg1[%get3A_285, %get3A_286] : memref<2x19xf32, #tpu.memory_space<vmem>>, vector<1x1xf32>
    %get3A_288 = vector.extract %get3A_287[0, 0] : f32 from vector<1x1xf32>
    %gt3A_289 = arith.constant 0.000000e+00 : f32
    %gt3A_290 = arith.cmpf ogt, %get3A_284, %gt3A_289 : f32
    %jit3A_291 = arith.constant 1.000000e+00 : f32
    %select_n3A_292 = arith.select %gt3A_290, %get3A_284, %jit3A_291 : f32
    %gt3A_293 = arith.constant 0.000000e+00 : f32
    %gt3A_294 = arith.cmpf ogt, %reduce_sum3A_280, %gt3A_293 : f32
    %jit3A_295 = arith.constant 1.000000e+00 : f32
    %select_n3A_296 = arith.select %gt3A_294, %reduce_sum3A_280, %jit3A_295 : f32
    %div3A_297 = arith.divf %select_n3A_292, %select_n3A_296 : f32
    %mul3A_298 = arith.mulf %div3A_297, %get3A_288 : f32
    %add3A_299 = arith.addf %add3A_271, %mul3A_298 : f32
    %get3A_300 = arith.constant 0 : index
    %get3A_301 = arith.constant 176 : index
    %get3A_302 = vector.load %arg0[%get3A_300, %get3A_301] : memref<32x512xi32, #tpu.memory_space<vmem>>, vector<32x16xi32>
    %convert_element_type3A_303 = arith.sitofp %get3A_302 : vector<32x16xi32> to vector<32x16xf32>
    %reduce_sum3A_304 = vector.shape_cast %convert_element_type3A_303 : vector<32x16xf32> to vector<1x32x16xf32>
    %reduce_sum3A_305 = arith.constant dense<0.000000e+00> : vector<1xf32>
    %reduce_sum3A_306 = vector.multi_reduction <add>, %reduce_sum3A_304, %reduce_sum3A_305 [1, 2] : vector<1x32x16xf32> to vector<1xf32>
    %reduce_sum3A_307 = vector.shape_cast %reduce_sum3A_306 : vector<1xf32> to vector<1x1x1xf32>
    %reduce_sum3A_308 = vector.extract %reduce_sum3A_307[0, 0, 0] : f32 from vector<1x1x1xf32>
    %get3A_309 = arith.constant 0 : index
    %get3A_310 = arith.constant 11 : index
    %get3A_311 = vector.load %arg1[%get3A_309, %get3A_310] : memref<2x19xf32, #tpu.memory_space<vmem>>, vector<1x1xf32>
    %get3A_312 = vector.extract %get3A_311[0, 0] : f32 from vector<1x1xf32>
    %get3A_313 = arith.constant 1 : index
    %get3A_314 = arith.constant 11 : index
    %get3A_315 = vector.load %arg1[%get3A_313, %get3A_314] : memref<2x19xf32, #tpu.memory_space<vmem>>, vector<1x1xf32>
    %get3A_316 = vector.extract %get3A_315[0, 0] : f32 from vector<1x1xf32>
    %gt3A_317 = arith.constant 0.000000e+00 : f32
    %gt3A_318 = arith.cmpf ogt, %get3A_312, %gt3A_317 : f32
    %jit3A_319 = arith.constant 1.000000e+00 : f32
    %select_n3A_320 = arith.select %gt3A_318, %get3A_312, %jit3A_319 : f32
    %gt3A_321 = arith.constant 0.000000e+00 : f32
    %gt3A_322 = arith.cmpf ogt, %reduce_sum3A_308, %gt3A_321 : f32
    %jit3A_323 = arith.constant 1.000000e+00 : f32
    %select_n3A_324 = arith.select %gt3A_322, %reduce_sum3A_308, %jit3A_323 : f32
    %div3A_325 = arith.divf %select_n3A_320, %select_n3A_324 : f32
    %mul3A_326 = arith.mulf %div3A_325, %get3A_316 : f32
    %add3A_327 = arith.addf %add3A_299, %mul3A_326 : f32
    %get3A_328 = arith.constant 0 : index
    %get3A_329 = arith.constant 192 : index
    %get3A_330 = vector.load %arg0[%get3A_328, %get3A_329] : memref<32x512xi32, #tpu.memory_space<vmem>>, vector<32x16xi32>
    %convert_element_type3A_331 = arith.sitofp %get3A_330 : vector<32x16xi32> to vector<32x16xf32>
    %reduce_sum3A_332 = vector.shape_cast %convert_element_type3A_331 : vector<32x16xf32> to vector<1x32x16xf32>
    %reduce_sum3A_333 = arith.constant dense<0.000000e+00> : vector<1xf32>
    %reduce_sum3A_334 = vector.multi_reduction <add>, %reduce_sum3A_332, %reduce_sum3A_333 [1, 2] : vector<1x32x16xf32> to vector<1xf32>
    %reduce_sum3A_335 = vector.shape_cast %reduce_sum3A_334 : vector<1xf32> to vector<1x1x1xf32>
    %reduce_sum3A_336 = vector.extract %reduce_sum3A_335[0, 0, 0] : f32 from vector<1x1x1xf32>
    %get3A_337 = arith.constant 0 : index
    %get3A_338 = arith.constant 12 : index
    %get3A_339 = vector.load %arg1[%get3A_337, %get3A_338] : memref<2x19xf32, #tpu.memory_space<vmem>>, vector<1x1xf32>
    %get3A_340 = vector.extract %get3A_339[0, 0] : f32 from vector<1x1xf32>
    %get3A_341 = arith.constant 1 : index
    %get3A_342 = arith.constant 12 : index
    %get3A_343 = vector.load %arg1[%get3A_341, %get3A_342] : memref<2x19xf32, #tpu.memory_space<vmem>>, vector<1x1xf32>
    %get3A_344 = vector.extract %get3A_343[0, 0] : f32 from vector<1x1xf32>
    %gt3A_345 = arith.constant 0.000000e+00 : f32
    %gt3A_346 = arith.cmpf ogt, %get3A_340, %gt3A_345 : f32
    %jit3A_347 = arith.constant 1.000000e+00 : f32
    %select_n3A_348 = arith.select %gt3A_346, %get3A_340, %jit3A_347 : f32
    %gt3A_349 = arith.constant 0.000000e+00 : f32
    %gt3A_350 = arith.cmpf ogt, %reduce_sum3A_336, %gt3A_349 : f32
    %jit3A_351 = arith.constant 1.000000e+00 : f32
    %select_n3A_352 = arith.select %gt3A_350, %reduce_sum3A_336, %jit3A_351 : f32
    %div3A_353 = arith.divf %select_n3A_348, %select_n3A_352 : f32
    %mul3A_354 = arith.mulf %div3A_353, %get3A_344 : f32
    %add3A_355 = arith.addf %add3A_327, %mul3A_354 : f32
    %get3A_356 = arith.constant 0 : index
    %get3A_357 = arith.constant 208 : index
    %get3A_358 = vector.load %arg0[%get3A_356, %get3A_357] : memref<32x512xi32, #tpu.memory_space<vmem>>, vector<32x16xi32>
    %convert_element_type3A_359 = arith.sitofp %get3A_358 : vector<32x16xi32> to vector<32x16xf32>
    %reduce_sum3A_360 = vector.shape_cast %convert_element_type3A_359 : vector<32x16xf32> to vector<1x32x16xf32>
    %reduce_sum3A_361 = arith.constant dense<0.000000e+00> : vector<1xf32>
    %reduce_sum3A_362 = vector.multi_reduction <add>, %reduce_sum3A_360, %reduce_sum3A_361 [1, 2] : vector<1x32x16xf32> to vector<1xf32>
    %reduce_sum3A_363 = vector.shape_cast %reduce_sum3A_362 : vector<1xf32> to vector<1x1x1xf32>
    %reduce_sum3A_364 = vector.extract %reduce_sum3A_363[0, 0, 0] : f32 from vector<1x1x1xf32>
    %get3A_365 = arith.constant 0 : index
    %get3A_366 = arith.constant 13 : index
    %get3A_367 = vector.load %arg1[%get3A_365, %get3A_366] : memref<2x19xf32, #tpu.memory_space<vmem>>, vector<1x1xf32>
    %get3A_368 = vector.extract %get3A_367[0, 0] : f32 from vector<1x1xf32>
    %get3A_369 = arith.constant 1 : index
    %get3A_370 = arith.constant 13 : index
    %get3A_371 = vector.load %arg1[%get3A_369, %get3A_370] : memref<2x19xf32, #tpu.memory_space<vmem>>, vector<1x1xf32>
    %get3A_372 = vector.extract %get3A_371[0, 0] : f32 from vector<1x1xf32>
    %gt3A_373 = arith.constant 0.000000e+00 : f32
    %gt3A_374 = arith.cmpf ogt, %get3A_368, %gt3A_373 : f32
    %jit3A_375 = arith.constant 1.000000e+00 : f32
    %select_n3A_376 = arith.select %gt3A_374, %get3A_368, %jit3A_375 : f32
    %gt3A_377 = arith.constant 0.000000e+00 : f32
    %gt3A_378 = arith.cmpf ogt, %reduce_sum3A_364, %gt3A_377 : f32
    %jit3A_379 = arith.constant 1.000000e+00 : f32
    %select_n3A_380 = arith.select %gt3A_378, %reduce_sum3A_364, %jit3A_379 : f32
    %div3A_381 = arith.divf %select_n3A_376, %select_n3A_380 : f32
    %mul3A_382 = arith.mulf %div3A_381, %get3A_372 : f32
    %add3A_383 = arith.addf %add3A_355, %mul3A_382 : f32
    %get3A_384 = arith.constant 0 : index
    %get3A_385 = arith.constant 224 : index
    %get3A_386 = vector.load %arg0[%get3A_384, %get3A_385] : memref<32x512xi32, #tpu.memory_space<vmem>>, vector<32x16xi32>
    %convert_element_type3A_387 = arith.sitofp %get3A_386 : vector<32x16xi32> to vector<32x16xf32>
    %reduce_sum3A_388 = vector.shape_cast %convert_element_type3A_387 : vector<32x16xf32> to vector<1x32x16xf32>
    %reduce_sum3A_389 = arith.constant dense<0.000000e+00> : vector<1xf32>
    %reduce_sum3A_390 = vector.multi_reduction <add>, %reduce_sum3A_388, %reduce_sum3A_389 [1, 2] : vector<1x32x16xf32> to vector<1xf32>
    %reduce_sum3A_391 = vector.shape_cast %reduce_sum3A_390 : vector<1xf32> to vector<1x1x1xf32>
    %reduce_sum3A_392 = vector.extract %reduce_sum3A_391[0, 0, 0] : f32 from vector<1x1x1xf32>
    %get3A_393 = arith.constant 0 : index
    %get3A_394 = arith.constant 14 : index
    %get3A_395 = vector.load %arg1[%get3A_393, %get3A_394] : memref<2x19xf32, #tpu.memory_space<vmem>>, vector<1x1xf32>
    %get3A_396 = vector.extract %get3A_395[0, 0] : f32 from vector<1x1xf32>
    %get3A_397 = arith.constant 1 : index
    %get3A_398 = arith.constant 14 : index
    %get3A_399 = vector.load %arg1[%get3A_397, %get3A_398] : memref<2x19xf32, #tpu.memory_space<vmem>>, vector<1x1xf32>
    %get3A_400 = vector.extract %get3A_399[0, 0] : f32 from vector<1x1xf32>
    %gt3A_401 = arith.constant 0.000000e+00 : f32
    %gt3A_402 = arith.cmpf ogt, %get3A_396, %gt3A_401 : f32
    %jit3A_403 = arith.constant 1.000000e+00 : f32
    %select_n3A_404 = arith.select %gt3A_402, %get3A_396, %jit3A_403 : f32
    %gt3A_405 = arith.constant 0.000000e+00 : f32
    %gt3A_406 = arith.cmpf ogt, %reduce_sum3A_392, %gt3A_405 : f32
    %jit3A_407 = arith.constant 1.000000e+00 : f32
    %select_n3A_408 = arith.select %gt3A_406, %reduce_sum3A_392, %jit3A_407 : f32
    %div3A_409 = arith.divf %select_n3A_404, %select_n3A_408 : f32
    %mul3A_410 = arith.mulf %div3A_409, %get3A_400 : f32
    %add3A_411 = arith.addf %add3A_383, %mul3A_410 : f32
    %get3A_412 = arith.constant 0 : index
    %get3A_413 = arith.constant 240 : index
    %get3A_414 = vector.load %arg0[%get3A_412, %get3A_413] : memref<32x512xi32, #tpu.memory_space<vmem>>, vector<32x16xi32>
    %convert_element_type3A_415 = arith.sitofp %get3A_414 : vector<32x16xi32> to vector<32x16xf32>
    %reduce_sum3A_416 = vector.shape_cast %convert_element_type3A_415 : vector<32x16xf32> to vector<1x32x16xf32>
    %reduce_sum3A_417 = arith.constant dense<0.000000e+00> : vector<1xf32>
    %reduce_sum3A_418 = vector.multi_reduction <add>, %reduce_sum3A_416, %reduce_sum3A_417 [1, 2] : vector<1x32x16xf32> to vector<1xf32>
    %reduce_sum3A_419 = vector.shape_cast %reduce_sum3A_418 : vector<1xf32> to vector<1x1x1xf32>
    %reduce_sum3A_420 = vector.extract %reduce_sum3A_419[0, 0, 0] : f32 from vector<1x1x1xf32>
    %get3A_421 = arith.constant 0 : index
    %get3A_422 = arith.constant 15 : index
    %get3A_423 = vector.load %arg1[%get3A_421, %get3A_422] : memref<2x19xf32, #tpu.memory_space<vmem>>, vector<1x1xf32>
    %get3A_424 = vector.extract %get3A_423[0, 0] : f32 from vector<1x1xf32>
    %get3A_425 = arith.constant 1 : index
    %get3A_426 = arith.constant 15 : index
    %get3A_427 = vector.load %arg1[%get3A_425, %get3A_426] : memref<2x19xf32, #tpu.memory_space<vmem>>, vector<1x1xf32>
    %get3A_428 = vector.extract %get3A_427[0, 0] : f32 from vector<1x1xf32>
    %gt3A_429 = arith.constant 0.000000e+00 : f32
    %gt3A_430 = arith.cmpf ogt, %get3A_424, %gt3A_429 : f32
    %jit3A_431 = arith.constant 1.000000e+00 : f32
    %select_n3A_432 = arith.select %gt3A_430, %get3A_424, %jit3A_431 : f32
    %gt3A_433 = arith.constant 0.000000e+00 : f32
    %gt3A_434 = arith.cmpf ogt, %reduce_sum3A_420, %gt3A_433 : f32
    %jit3A_435 = arith.constant 1.000000e+00 : f32
    %select_n3A_436 = arith.select %gt3A_434, %reduce_sum3A_420, %jit3A_435 : f32
    %div3A_437 = arith.divf %select_n3A_432, %select_n3A_436 : f32
    %mul3A_438 = arith.mulf %div3A_437, %get3A_428 : f32
    %add3A_439 = arith.addf %add3A_411, %mul3A_438 : f32
    %get3A_440 = arith.constant 0 : index
    %get3A_441 = arith.constant 256 : index
    %get3A_442 = vector.load %arg0[%get3A_440, %get3A_441] : memref<32x512xi32, #tpu.memory_space<vmem>>, vector<32x16xi32>
    %convert_element_type3A_443 = arith.sitofp %get3A_442 : vector<32x16xi32> to vector<32x16xf32>
    %reduce_sum3A_444 = vector.shape_cast %convert_element_type3A_443 : vector<32x16xf32> to vector<1x32x16xf32>
    %reduce_sum3A_445 = arith.constant dense<0.000000e+00> : vector<1xf32>
    %reduce_sum3A_446 = vector.multi_reduction <add>, %reduce_sum3A_444, %reduce_sum3A_445 [1, 2] : vector<1x32x16xf32> to vector<1xf32>
    %reduce_sum3A_447 = vector.shape_cast %reduce_sum3A_446 : vector<1xf32> to vector<1x1x1xf32>
    %reduce_sum3A_448 = vector.extract %reduce_sum3A_447[0, 0, 0] : f32 from vector<1x1x1xf32>
    %get3A_449 = arith.constant 0 : index
    %get3A_450 = arith.constant 16 : index
    %get3A_451 = vector.load %arg1[%get3A_449, %get3A_450] : memref<2x19xf32, #tpu.memory_space<vmem>>, vector<1x1xf32>
    %get3A_452 = vector.extract %get3A_451[0, 0] : f32 from vector<1x1xf32>
    %get3A_453 = arith.constant 1 : index
    %get3A_454 = arith.constant 16 : index
    %get3A_455 = vector.load %arg1[%get3A_453, %get3A_454] : memref<2x19xf32, #tpu.memory_space<vmem>>, vector<1x1xf32>
    %get3A_456 = vector.extract %get3A_455[0, 0] : f32 from vector<1x1xf32>
    %gt3A_457 = arith.constant 0.000000e+00 : f32
    %gt3A_458 = arith.cmpf ogt, %get3A_452, %gt3A_457 : f32
    %jit3A_459 = arith.constant 1.000000e+00 : f32
    %select_n3A_460 = arith.select %gt3A_458, %get3A_452, %jit3A_459 : f32
    %gt3A_461 = arith.constant 0.000000e+00 : f32
    %gt3A_462 = arith.cmpf ogt, %reduce_sum3A_448, %gt3A_461 : f32
    %jit3A_463 = arith.constant 1.000000e+00 : f32
    %select_n3A_464 = arith.select %gt3A_462, %reduce_sum3A_448, %jit3A_463 : f32
    %div3A_465 = arith.divf %select_n3A_460, %select_n3A_464 : f32
    %mul3A_466 = arith.mulf %div3A_465, %get3A_456 : f32
    %add3A_467 = arith.addf %add3A_439, %mul3A_466 : f32
    %get3A_468 = arith.constant 0 : index
    %get3A_469 = arith.constant 272 : index
    %get3A_470 = vector.load %arg0[%get3A_468, %get3A_469] : memref<32x512xi32, #tpu.memory_space<vmem>>, vector<32x16xi32>
    %convert_element_type3A_471 = arith.sitofp %get3A_470 : vector<32x16xi32> to vector<32x16xf32>
    %reduce_sum3A_472 = vector.shape_cast %convert_element_type3A_471 : vector<32x16xf32> to vector<1x32x16xf32>
    %reduce_sum3A_473 = arith.constant dense<0.000000e+00> : vector<1xf32>
    %reduce_sum3A_474 = vector.multi_reduction <add>, %reduce_sum3A_472, %reduce_sum3A_473 [1, 2] : vector<1x32x16xf32> to vector<1xf32>
    %reduce_sum3A_475 = vector.shape_cast %reduce_sum3A_474 : vector<1xf32> to vector<1x1x1xf32>
    %reduce_sum3A_476 = vector.extract %reduce_sum3A_475[0, 0, 0] : f32 from vector<1x1x1xf32>
    %get3A_477 = arith.constant 0 : index
    %get3A_478 = arith.constant 17 : index
    %get3A_479 = vector.load %arg1[%get3A_477, %get3A_478] : memref<2x19xf32, #tpu.memory_space<vmem>>, vector<1x1xf32>
    %get3A_480 = vector.extract %get3A_479[0, 0] : f32 from vector<1x1xf32>
    %get3A_481 = arith.constant 1 : index
    %get3A_482 = arith.constant 17 : index
    %get3A_483 = vector.load %arg1[%get3A_481, %get3A_482] : memref<2x19xf32, #tpu.memory_space<vmem>>, vector<1x1xf32>
    %get3A_484 = vector.extract %get3A_483[0, 0] : f32 from vector<1x1xf32>
    %gt3A_485 = arith.constant 0.000000e+00 : f32
    %gt3A_486 = arith.cmpf ogt, %get3A_480, %gt3A_485 : f32
    %jit3A_487 = arith.constant 1.000000e+00 : f32
    %select_n3A_488 = arith.select %gt3A_486, %get3A_480, %jit3A_487 : f32
    %gt3A_489 = arith.constant 0.000000e+00 : f32
    %gt3A_490 = arith.cmpf ogt, %reduce_sum3A_476, %gt3A_489 : f32
    %jit3A_491 = arith.constant 1.000000e+00 : f32
    %select_n3A_492 = arith.select %gt3A_490, %reduce_sum3A_476, %jit3A_491 : f32
    %div3A_493 = arith.divf %select_n3A_488, %select_n3A_492 : f32
    %mul3A_494 = arith.mulf %div3A_493, %get3A_484 : f32
    %add3A_495 = arith.addf %add3A_467, %mul3A_494 : f32
    %get3A_496 = arith.constant 0 : index
    %get3A_497 = arith.constant 288 : index
    %get3A_498 = vector.load %arg0[%get3A_496, %get3A_497] : memref<32x512xi32, #tpu.memory_space<vmem>>, vector<32x16xi32>
    %convert_element_type3A_499 = arith.sitofp %get3A_498 : vector<32x16xi32> to vector<32x16xf32>
    %reduce_sum3A_500 = vector.shape_cast %convert_element_type3A_499 : vector<32x16xf32> to vector<1x32x16xf32>
    %reduce_sum3A_501 = arith.constant dense<0.000000e+00> : vector<1xf32>
    %reduce_sum3A_502 = vector.multi_reduction <add>, %reduce_sum3A_500, %reduce_sum3A_501 [1, 2] : vector<1x32x16xf32> to vector<1xf32>
    %reduce_sum3A_503 = vector.shape_cast %reduce_sum3A_502 : vector<1xf32> to vector<1x1x1xf32>
    %reduce_sum3A_504 = vector.extract %reduce_sum3A_503[0, 0, 0] : f32 from vector<1x1x1xf32>
    %get3A_505 = arith.constant 0 : index
    %get3A_506 = arith.constant 18 : index
    %get3A_507 = vector.load %arg1[%get3A_505, %get3A_506] : memref<2x19xf32, #tpu.memory_space<vmem>>, vector<1x1xf32>
    %get3A_508 = vector.extract %get3A_507[0, 0] : f32 from vector<1x1xf32>
    %get3A_509 = arith.constant 1 : index
    %get3A_510 = arith.constant 18 : index
    %get3A_511 = vector.load %arg1[%get3A_509, %get3A_510] : memref<2x19xf32, #tpu.memory_space<vmem>>, vector<1x1xf32>
    %get3A_512 = vector.extract %get3A_511[0, 0] : f32 from vector<1x1xf32>
    %gt3A_513 = arith.constant 0.000000e+00 : f32
    %gt3A_514 = arith.cmpf ogt, %get3A_508, %gt3A_513 : f32
    %jit3A_515 = arith.constant 1.000000e+00 : f32
    %select_n3A_516 = arith.select %gt3A_514, %get3A_508, %jit3A_515 : f32
    %gt3A_517 = arith.constant 0.000000e+00 : f32
    %gt3A_518 = arith.cmpf ogt, %reduce_sum3A_504, %gt3A_517 : f32
    %jit3A_519 = arith.constant 1.000000e+00 : f32
    %select_n3A_520 = arith.select %gt3A_518, %reduce_sum3A_504, %jit3A_519 : f32
    %div3A_521 = arith.divf %select_n3A_516, %select_n3A_520 : f32
    %mul3A_522 = arith.mulf %div3A_521, %get3A_512 : f32
    %add3A_523 = arith.addf %add3A_495, %mul3A_522 : f32
    %div3A_524 = arith.constant 0x49800000 : f32
    %div3A_525 = arith.divf %add3A_523, %div3A_524 : f32
    %reshape3A = vector.broadcast %div3A_525 : f32 to vector<1x1xf32>
    %swap3A = arith.constant 0 : index
    %swap3A_526 = arith.constant 0 : index
    %swap3A_527 = vector.load %arg2[%swap3A, %swap3A_526] : memref<1x1xf32, #tpu.memory_space<vmem>>, vector<1x1xf32>
    tpu.vector_store %arg2[%swap3A, %swap3A_526], %reshape3A {strides = array<i32>} : memref<1x1xf32, #tpu.memory_space<vmem>>, vector<1x1xf32>,
    return
  }
}

module attributes {stable_mosaic.version = 14 : i64} {
  func.func @_main_kernel(%arg0: i32, %arg1: memref<1x19x64x512xf32, #tpu.memory_space<vmem>>, %arg2: memref<1x64x512xi32, #tpu.memory_space<vmem>>, %arg3: memref<2x19xf32, #tpu.memory_space<vmem>>, %arg4: memref<19x8x512xf32, #tpu.memory_space<vmem>>, %arg5: memref<19x8x512xi16, #tpu.memory_space<vmem>>) attributes {dimension_semantics = [#tpu.dimension_semantics<arbitrary>], iteration_bounds = array<i64: 32>, scalar_prefetch = 0 : i64, scratch_operands = 2 : i64, tpu.core_type = #tpu.core_type<tc>, window_params = [{transform_indices = @transform_0, window_bounds = array<i64: 1, 19, 64, 512>}, {transform_indices = @transform_1, window_bounds = array<i64: 1, 64, 512>}, {pipeline_mode = #tpu.pipeline_mode<synchronous>, transform_indices = @transform_2, window_bounds = array<i64: 2, 19>}]} {
    %eq3A = arith.constant 0 : i32
    %eq3A_0 = arith.cmpi eq, %arg0, %eq3A : i32
    %convert_element_type3A = arith.extui %eq3A_0 : i1 to i32
    %cond3A = arith.constant 0 : i32
    %cond3A_1 = arith.cmpi ne, %convert_element_type3A, %cond3A : i32
    scf.if %cond3A_1 {
      %broadcast_in_dim3A_1695 = arith.constant 0.000000e+00 : f32
      %broadcast_in_dim3A_1696 = vector.broadcast %broadcast_in_dim3A_1695 : f32 to vector<19x8x512xf32>
      %swap3A_1697 = arith.constant 0 : index
      %swap3A_1698 = arith.constant 0 : index
      %swap3A_1699 = arith.constant 0 : index
      %swap3A_1700 = vector.load %arg4[%swap3A_1697, %swap3A_1698, %swap3A_1699] : memref<19x8x512xf32, #tpu.memory_space<vmem>>, vector<19x8x512xf32>
      tpu.vector_store %arg4[%swap3A_1697, %swap3A_1698, %swap3A_1699], %broadcast_in_dim3A_1696 {strides = array<i32>} : memref<19x8x512xf32, #tpu.memory_space<vmem>>, vector<19x8x512xf32>,
      %broadcast_in_dim3A_1701 = arith.constant 0 : i16
      %broadcast_in_dim3A_1702 = vector.broadcast %broadcast_in_dim3A_1701 : i16 to vector<19x8x512xi16>
      %swap3A_1703 = arith.constant 0 : index
      %swap3A_1704 = arith.constant 0 : index
      %swap3A_1705 = arith.constant 0 : index
      %swap3A_1706 = vector.load %arg5[%swap3A_1703, %swap3A_1704, %swap3A_1705] : memref<19x8x512xi16, #tpu.memory_space<vmem>>, vector<19x8x512xi16>
      tpu.vector_store %arg5[%swap3A_1703, %swap3A_1704, %swap3A_1705], %broadcast_in_dim3A_1702 {strides = array<i32>} : memref<19x8x512xi16, #tpu.memory_space<vmem>>, vector<19x8x512xi16>,
    } else {
    }
    %get3A = arith.constant 0 : index
    %get3A_2 = arith.constant 0 : index
    %get3A_3 = arith.constant 0 : index
    %get3A_4 = vector.load %arg2[%get3A, %get3A_2, %get3A_3] : memref<1x64x512xi32, #tpu.memory_space<vmem>>, vector<1x64x512xi32>
    %get3A_5 = vector.shape_cast %get3A_4 : vector<1x64x512xi32> to vector<64x512xi32>
    %get3A_6 = arith.constant 0 : index
    %get3A_7 = arith.constant 0 : index
    %get3A_8 = arith.constant 0 : index
    %get3A_9 = arith.constant 0 : index
    %get3A_10 = vector.load %arg1[%get3A_6, %get3A_7, %get3A_8, %get3A_9] : memref<1x19x64x512xf32, #tpu.memory_space<vmem>>, vector<1x1x64x512xf32>
    %get3A_11 = vector.shape_cast %get3A_10 : vector<1x1x64x512xf32> to vector<64x512xf32>
    %get3A_12 = arith.constant 0 : index
    %get3A_13 = arith.constant 1 : index
    %get3A_14 = arith.constant 0 : index
    %get3A_15 = arith.constant 0 : index
    %get3A_16 = vector.load %arg1[%get3A_12, %get3A_13, %get3A_14, %get3A_15] : memref<1x19x64x512xf32, #tpu.memory_space<vmem>>, vector<1x1x64x512xf32>
    %get3A_17 = vector.shape_cast %get3A_16 : vector<1x1x64x512xf32> to vector<64x512xf32>
    %max3A = arith.maximumf %get3A_11, %get3A_17 : vector<64x512xf32>
    %get3A_18 = arith.constant 0 : index
    %get3A_19 = arith.constant 2 : index
    %get3A_20 = arith.constant 0 : index
    %get3A_21 = arith.constant 0 : index
    %get3A_22 = vector.load %arg1[%get3A_18, %get3A_19, %get3A_20, %get3A_21] : memref<1x19x64x512xf32, #tpu.memory_space<vmem>>, vector<1x1x64x512xf32>
    %get3A_23 = vector.shape_cast %get3A_22 : vector<1x1x64x512xf32> to vector<64x512xf32>
    %max3A_24 = arith.maximumf %max3A, %get3A_23 : vector<64x512xf32>
    %get3A_25 = arith.constant 0 : index
    %get3A_26 = arith.constant 3 : index
    %get3A_27 = arith.constant 0 : index
    %get3A_28 = arith.constant 0 : index
    %get3A_29 = vector.load %arg1[%get3A_25, %get3A_26, %get3A_27, %get3A_28] : memref<1x19x64x512xf32, #tpu.memory_space<vmem>>, vector<1x1x64x512xf32>
    %get3A_30 = vector.shape_cast %get3A_29 : vector<1x1x64x512xf32> to vector<64x512xf32>
    %max3A_31 = arith.maximumf %max3A_24, %get3A_30 : vector<64x512xf32>
    %get3A_32 = arith.constant 0 : index
    %get3A_33 = arith.constant 4 : index
    %get3A_34 = arith.constant 0 : index
    %get3A_35 = arith.constant 0 : index
    %get3A_36 = vector.load %arg1[%get3A_32, %get3A_33, %get3A_34, %get3A_35] : memref<1x19x64x512xf32, #tpu.memory_space<vmem>>, vector<1x1x64x512xf32>
    %get3A_37 = vector.shape_cast %get3A_36 : vector<1x1x64x512xf32> to vector<64x512xf32>
    %max3A_38 = arith.maximumf %max3A_31, %get3A_37 : vector<64x512xf32>
    %get3A_39 = arith.constant 0 : index
    %get3A_40 = arith.constant 5 : index
    %get3A_41 = arith.constant 0 : index
    %get3A_42 = arith.constant 0 : index
    %get3A_43 = vector.load %arg1[%get3A_39, %get3A_40, %get3A_41, %get3A_42] : memref<1x19x64x512xf32, #tpu.memory_space<vmem>>, vector<1x1x64x512xf32>
    %get3A_44 = vector.shape_cast %get3A_43 : vector<1x1x64x512xf32> to vector<64x512xf32>
    %max3A_45 = arith.maximumf %max3A_38, %get3A_44 : vector<64x512xf32>
    %get3A_46 = arith.constant 0 : index
    %get3A_47 = arith.constant 6 : index
    %get3A_48 = arith.constant 0 : index
    %get3A_49 = arith.constant 0 : index
    %get3A_50 = vector.load %arg1[%get3A_46, %get3A_47, %get3A_48, %get3A_49] : memref<1x19x64x512xf32, #tpu.memory_space<vmem>>, vector<1x1x64x512xf32>
    %get3A_51 = vector.shape_cast %get3A_50 : vector<1x1x64x512xf32> to vector<64x512xf32>
    %max3A_52 = arith.maximumf %max3A_45, %get3A_51 : vector<64x512xf32>
    %get3A_53 = arith.constant 0 : index
    %get3A_54 = arith.constant 7 : index
    %get3A_55 = arith.constant 0 : index
    %get3A_56 = arith.constant 0 : index
    %get3A_57 = vector.load %arg1[%get3A_53, %get3A_54, %get3A_55, %get3A_56] : memref<1x19x64x512xf32, #tpu.memory_space<vmem>>, vector<1x1x64x512xf32>
    %get3A_58 = vector.shape_cast %get3A_57 : vector<1x1x64x512xf32> to vector<64x512xf32>
    %max3A_59 = arith.maximumf %max3A_52, %get3A_58 : vector<64x512xf32>
    %get3A_60 = arith.constant 0 : index
    %get3A_61 = arith.constant 8 : index
    %get3A_62 = arith.constant 0 : index
    %get3A_63 = arith.constant 0 : index
    %get3A_64 = vector.load %arg1[%get3A_60, %get3A_61, %get3A_62, %get3A_63] : memref<1x19x64x512xf32, #tpu.memory_space<vmem>>, vector<1x1x64x512xf32>
    %get3A_65 = vector.shape_cast %get3A_64 : vector<1x1x64x512xf32> to vector<64x512xf32>
    %max3A_66 = arith.maximumf %max3A_59, %get3A_65 : vector<64x512xf32>
    %get3A_67 = arith.constant 0 : index
    %get3A_68 = arith.constant 9 : index
    %get3A_69 = arith.constant 0 : index
    %get3A_70 = arith.constant 0 : index
    %get3A_71 = vector.load %arg1[%get3A_67, %get3A_68, %get3A_69, %get3A_70] : memref<1x19x64x512xf32, #tpu.memory_space<vmem>>, vector<1x1x64x512xf32>
    %get3A_72 = vector.shape_cast %get3A_71 : vector<1x1x64x512xf32> to vector<64x512xf32>
    %max3A_73 = arith.maximumf %max3A_66, %get3A_72 : vector<64x512xf32>
    %get3A_74 = arith.constant 0 : index
    %get3A_75 = arith.constant 10 : index
    %get3A_76 = arith.constant 0 : index
    %get3A_77 = arith.constant 0 : index
    %get3A_78 = vector.load %arg1[%get3A_74, %get3A_75, %get3A_76, %get3A_77] : memref<1x19x64x512xf32, #tpu.memory_space<vmem>>, vector<1x1x64x512xf32>
    %get3A_79 = vector.shape_cast %get3A_78 : vector<1x1x64x512xf32> to vector<64x512xf32>
    %max3A_80 = arith.maximumf %max3A_73, %get3A_79 : vector<64x512xf32>
    %get3A_81 = arith.constant 0 : index
    %get3A_82 = arith.constant 11 : index
    %get3A_83 = arith.constant 0 : index
    %get3A_84 = arith.constant 0 : index
    %get3A_85 = vector.load %arg1[%get3A_81, %get3A_82, %get3A_83, %get3A_84] : memref<1x19x64x512xf32, #tpu.memory_space<vmem>>, vector<1x1x64x512xf32>
    %get3A_86 = vector.shape_cast %get3A_85 : vector<1x1x64x512xf32> to vector<64x512xf32>
    %max3A_87 = arith.maximumf %max3A_80, %get3A_86 : vector<64x512xf32>
    %get3A_88 = arith.constant 0 : index
    %get3A_89 = arith.constant 12 : index
    %get3A_90 = arith.constant 0 : index
    %get3A_91 = arith.constant 0 : index
    %get3A_92 = vector.load %arg1[%get3A_88, %get3A_89, %get3A_90, %get3A_91] : memref<1x19x64x512xf32, #tpu.memory_space<vmem>>, vector<1x1x64x512xf32>
    %get3A_93 = vector.shape_cast %get3A_92 : vector<1x1x64x512xf32> to vector<64x512xf32>
    %max3A_94 = arith.maximumf %max3A_87, %get3A_93 : vector<64x512xf32>
    %get3A_95 = arith.constant 0 : index
    %get3A_96 = arith.constant 13 : index
    %get3A_97 = arith.constant 0 : index
    %get3A_98 = arith.constant 0 : index
    %get3A_99 = vector.load %arg1[%get3A_95, %get3A_96, %get3A_97, %get3A_98] : memref<1x19x64x512xf32, #tpu.memory_space<vmem>>, vector<1x1x64x512xf32>
    %get3A_100 = vector.shape_cast %get3A_99 : vector<1x1x64x512xf32> to vector<64x512xf32>
    %max3A_101 = arith.maximumf %max3A_94, %get3A_100 : vector<64x512xf32>
    %get3A_102 = arith.constant 0 : index
    %get3A_103 = arith.constant 14 : index
    %get3A_104 = arith.constant 0 : index
    %get3A_105 = arith.constant 0 : index
    %get3A_106 = vector.load %arg1[%get3A_102, %get3A_103, %get3A_104, %get3A_105] : memref<1x19x64x512xf32, #tpu.memory_space<vmem>>, vector<1x1x64x512xf32>
    %get3A_107 = vector.shape_cast %get3A_106 : vector<1x1x64x512xf32> to vector<64x512xf32>
    %max3A_108 = arith.maximumf %max3A_101, %get3A_107 : vector<64x512xf32>
    %get3A_109 = arith.constant 0 : index
    %get3A_110 = arith.constant 15 : index
    %get3A_111 = arith.constant 0 : index
    %get3A_112 = arith.constant 0 : index
    %get3A_113 = vector.load %arg1[%get3A_109, %get3A_110, %get3A_111, %get3A_112] : memref<1x19x64x512xf32, #tpu.memory_space<vmem>>, vector<1x1x64x512xf32>
    %get3A_114 = vector.shape_cast %get3A_113 : vector<1x1x64x512xf32> to vector<64x512xf32>
    %max3A_115 = arith.maximumf %max3A_108, %get3A_114 : vector<64x512xf32>
    %get3A_116 = arith.constant 0 : index
    %get3A_117 = arith.constant 16 : index
    %get3A_118 = arith.constant 0 : index
    %get3A_119 = arith.constant 0 : index
    %get3A_120 = vector.load %arg1[%get3A_116, %get3A_117, %get3A_118, %get3A_119] : memref<1x19x64x512xf32, #tpu.memory_space<vmem>>, vector<1x1x64x512xf32>
    %get3A_121 = vector.shape_cast %get3A_120 : vector<1x1x64x512xf32> to vector<64x512xf32>
    %max3A_122 = arith.maximumf %max3A_115, %get3A_121 : vector<64x512xf32>
    %get3A_123 = arith.constant 0 : index
    %get3A_124 = arith.constant 17 : index
    %get3A_125 = arith.constant 0 : index
    %get3A_126 = arith.constant 0 : index
    %get3A_127 = vector.load %arg1[%get3A_123, %get3A_124, %get3A_125, %get3A_126] : memref<1x19x64x512xf32, #tpu.memory_space<vmem>>, vector<1x1x64x512xf32>
    %get3A_128 = vector.shape_cast %get3A_127 : vector<1x1x64x512xf32> to vector<64x512xf32>
    %max3A_129 = arith.maximumf %max3A_122, %get3A_128 : vector<64x512xf32>
    %get3A_130 = arith.constant 0 : index
    %get3A_131 = arith.constant 18 : index
    %get3A_132 = arith.constant 0 : index
    %get3A_133 = arith.constant 0 : index
    %get3A_134 = vector.load %arg1[%get3A_130, %get3A_131, %get3A_132, %get3A_133] : memref<1x19x64x512xf32, #tpu.memory_space<vmem>>, vector<1x1x64x512xf32>
    %get3A_135 = vector.shape_cast %get3A_134 : vector<1x1x64x512xf32> to vector<64x512xf32>
    %max3A_136 = arith.maximumf %max3A_129, %get3A_135 : vector<64x512xf32>
    %broadcast_in_dim3A = arith.constant 19 : i32
    %broadcast_in_dim3A_137 = vector.broadcast %broadcast_in_dim3A : i32 to vector<64x512xi32>
    %broadcast_in_dim3A_138 = arith.constant 0.000000e+00 : f32
    %broadcast_in_dim3A_139 = vector.broadcast %broadcast_in_dim3A_138 : f32 to vector<64x512xf32>
    %get3A_140 = arith.constant 0 : index
    %get3A_141 = arith.constant 18 : index
    %get3A_142 = arith.constant 0 : index
    %get3A_143 = arith.constant 0 : index
    %get3A_144 = vector.load %arg1[%get3A_140, %get3A_141, %get3A_142, %get3A_143] : memref<1x19x64x512xf32, #tpu.memory_space<vmem>>, vector<1x1x64x512xf32>
    %get3A_145 = vector.shape_cast %get3A_144 : vector<1x1x64x512xf32> to vector<64x512xf32>
    %sub3A = arith.subf %get3A_145, %max3A_136 : vector<64x512xf32>
    %exp3A = math.exp %sub3A : vector<64x512xf32>
    %add3A = arith.addf %broadcast_in_dim3A_139, %exp3A : vector<64x512xf32>
    %eq3A_146 = arith.cmpf oeq, %get3A_145, %max3A_136 : vector<64x512xf32>
    %jit3A = arith.constant 18 : i32
    %broadcast_in_dim3A_147 = vector.broadcast %jit3A : i32 to vector<64x512xi32>
    %select_n3A = arith.select %eq3A_146, %broadcast_in_dim3A_147, %broadcast_in_dim3A_137 : vector<64x512xi1>, vector<64x512xi32>
    %get3A_148 = arith.constant 0 : index
    %get3A_149 = arith.constant 17 : index
    %get3A_150 = arith.constant 0 : index
    %get3A_151 = arith.constant 0 : index
    %get3A_152 = vector.load %arg1[%get3A_148, %get3A_149, %get3A_150, %get3A_151] : memref<1x19x64x512xf32, #tpu.memory_space<vmem>>, vector<1x1x64x512xf32>
    %get3A_153 = vector.shape_cast %get3A_152 : vector<1x1x64x512xf32> to vector<64x512xf32>
    %sub3A_154 = arith.subf %get3A_153, %max3A_136 : vector<64x512xf32>
    %exp3A_155 = math.exp %sub3A_154 : vector<64x512xf32>
    %add3A_156 = arith.addf %add3A, %exp3A_155 : vector<64x512xf32>
    %eq3A_157 = arith.cmpf oeq, %get3A_153, %max3A_136 : vector<64x512xf32>
    %jit3A_158 = arith.constant 17 : i32
    %broadcast_in_dim3A_159 = vector.broadcast %jit3A_158 : i32 to vector<64x512xi32>
    %select_n3A_160 = arith.select %eq3A_157, %broadcast_in_dim3A_159, %select_n3A : vector<64x512xi1>, vector<64x512xi32>
    %get3A_161 = arith.constant 0 : index
    %get3A_162 = arith.constant 16 : index
    %get3A_163 = arith.constant 0 : index
    %get3A_164 = arith.constant 0 : index
    %get3A_165 = vector.load %arg1[%get3A_161, %get3A_162, %get3A_163, %get3A_164] : memref<1x19x64x512xf32, #tpu.memory_space<vmem>>, vector<1x1x64x512xf32>
    %get3A_166 = vector.shape_cast %get3A_165 : vector<1x1x64x512xf32> to vector<64x512xf32>
    %sub3A_167 = arith.subf %get3A_166, %max3A_136 : vector<64x512xf32>
    %exp3A_168 = math.exp %sub3A_167 : vector<64x512xf32>
    %add3A_169 = arith.addf %add3A_156, %exp3A_168 : vector<64x512xf32>
    %eq3A_170 = arith.cmpf oeq, %get3A_166, %max3A_136 : vector<64x512xf32>
    %jit3A_171 = arith.constant 16 : i32
    %broadcast_in_dim3A_172 = vector.broadcast %jit3A_171 : i32 to vector<64x512xi32>
    %select_n3A_173 = arith.select %eq3A_170, %broadcast_in_dim3A_172, %select_n3A_160 : vector<64x512xi1>, vector<64x512xi32>
    %get3A_174 = arith.constant 0 : index
    %get3A_175 = arith.constant 15 : index
    %get3A_176 = arith.constant 0 : index
    %get3A_177 = arith.constant 0 : index
    %get3A_178 = vector.load %arg1[%get3A_174, %get3A_175, %get3A_176, %get3A_177] : memref<1x19x64x512xf32, #tpu.memory_space<vmem>>, vector<1x1x64x512xf32>
    %get3A_179 = vector.shape_cast %get3A_178 : vector<1x1x64x512xf32> to vector<64x512xf32>
    %sub3A_180 = arith.subf %get3A_179, %max3A_136 : vector<64x512xf32>
    %exp3A_181 = math.exp %sub3A_180 : vector<64x512xf32>
    %add3A_182 = arith.addf %add3A_169, %exp3A_181 : vector<64x512xf32>
    %eq3A_183 = arith.cmpf oeq, %get3A_179, %max3A_136 : vector<64x512xf32>
    %jit3A_184 = arith.constant 15 : i32
    %broadcast_in_dim3A_185 = vector.broadcast %jit3A_184 : i32 to vector<64x512xi32>
    %select_n3A_186 = arith.select %eq3A_183, %broadcast_in_dim3A_185, %select_n3A_173 : vector<64x512xi1>, vector<64x512xi32>
    %get3A_187 = arith.constant 0 : index
    %get3A_188 = arith.constant 14 : index
    %get3A_189 = arith.constant 0 : index
    %get3A_190 = arith.constant 0 : index
    %get3A_191 = vector.load %arg1[%get3A_187, %get3A_188, %get3A_189, %get3A_190] : memref<1x19x64x512xf32, #tpu.memory_space<vmem>>, vector<1x1x64x512xf32>
    %get3A_192 = vector.shape_cast %get3A_191 : vector<1x1x64x512xf32> to vector<64x512xf32>
    %sub3A_193 = arith.subf %get3A_192, %max3A_136 : vector<64x512xf32>
    %exp3A_194 = math.exp %sub3A_193 : vector<64x512xf32>
    %add3A_195 = arith.addf %add3A_182, %exp3A_194 : vector<64x512xf32>
    %eq3A_196 = arith.cmpf oeq, %get3A_192, %max3A_136 : vector<64x512xf32>
    %jit3A_197 = arith.constant 14 : i32
    %broadcast_in_dim3A_198 = vector.broadcast %jit3A_197 : i32 to vector<64x512xi32>
    %select_n3A_199 = arith.select %eq3A_196, %broadcast_in_dim3A_198, %select_n3A_186 : vector<64x512xi1>, vector<64x512xi32>
    %get3A_200 = arith.constant 0 : index
    %get3A_201 = arith.constant 13 : index
    %get3A_202 = arith.constant 0 : index
    %get3A_203 = arith.constant 0 : index
    %get3A_204 = vector.load %arg1[%get3A_200, %get3A_201, %get3A_202, %get3A_203] : memref<1x19x64x512xf32, #tpu.memory_space<vmem>>, vector<1x1x64x512xf32>
    %get3A_205 = vector.shape_cast %get3A_204 : vector<1x1x64x512xf32> to vector<64x512xf32>
    %sub3A_206 = arith.subf %get3A_205, %max3A_136 : vector<64x512xf32>
    %exp3A_207 = math.exp %sub3A_206 : vector<64x512xf32>
    %add3A_208 = arith.addf %add3A_195, %exp3A_207 : vector<64x512xf32>
    %eq3A_209 = arith.cmpf oeq, %get3A_205, %max3A_136 : vector<64x512xf32>
    %jit3A_210 = arith.constant 13 : i32
    %broadcast_in_dim3A_211 = vector.broadcast %jit3A_210 : i32 to vector<64x512xi32>
    %select_n3A_212 = arith.select %eq3A_209, %broadcast_in_dim3A_211, %select_n3A_199 : vector<64x512xi1>, vector<64x512xi32>
    %get3A_213 = arith.constant 0 : index
    %get3A_214 = arith.constant 12 : index
    %get3A_215 = arith.constant 0 : index
    %get3A_216 = arith.constant 0 : index
    %get3A_217 = vector.load %arg1[%get3A_213, %get3A_214, %get3A_215, %get3A_216] : memref<1x19x64x512xf32, #tpu.memory_space<vmem>>, vector<1x1x64x512xf32>
    %get3A_218 = vector.shape_cast %get3A_217 : vector<1x1x64x512xf32> to vector<64x512xf32>
    %sub3A_219 = arith.subf %get3A_218, %max3A_136 : vector<64x512xf32>
    %exp3A_220 = math.exp %sub3A_219 : vector<64x512xf32>
    %add3A_221 = arith.addf %add3A_208, %exp3A_220 : vector<64x512xf32>
    %eq3A_222 = arith.cmpf oeq, %get3A_218, %max3A_136 : vector<64x512xf32>
    %jit3A_223 = arith.constant 12 : i32
    %broadcast_in_dim3A_224 = vector.broadcast %jit3A_223 : i32 to vector<64x512xi32>
    %select_n3A_225 = arith.select %eq3A_222, %broadcast_in_dim3A_224, %select_n3A_212 : vector<64x512xi1>, vector<64x512xi32>
    %get3A_226 = arith.constant 0 : index
    %get3A_227 = arith.constant 11 : index
    %get3A_228 = arith.constant 0 : index
    %get3A_229 = arith.constant 0 : index
    %get3A_230 = vector.load %arg1[%get3A_226, %get3A_227, %get3A_228, %get3A_229] : memref<1x19x64x512xf32, #tpu.memory_space<vmem>>, vector<1x1x64x512xf32>
    %get3A_231 = vector.shape_cast %get3A_230 : vector<1x1x64x512xf32> to vector<64x512xf32>
    %sub3A_232 = arith.subf %get3A_231, %max3A_136 : vector<64x512xf32>
    %exp3A_233 = math.exp %sub3A_232 : vector<64x512xf32>
    %add3A_234 = arith.addf %add3A_221, %exp3A_233 : vector<64x512xf32>
    %eq3A_235 = arith.cmpf oeq, %get3A_231, %max3A_136 : vector<64x512xf32>
    %jit3A_236 = arith.constant 11 : i32
    %broadcast_in_dim3A_237 = vector.broadcast %jit3A_236 : i32 to vector<64x512xi32>
    %select_n3A_238 = arith.select %eq3A_235, %broadcast_in_dim3A_237, %select_n3A_225 : vector<64x512xi1>, vector<64x512xi32>
    %get3A_239 = arith.constant 0 : index
    %get3A_240 = arith.constant 10 : index
    %get3A_241 = arith.constant 0 : index
    %get3A_242 = arith.constant 0 : index
    %get3A_243 = vector.load %arg1[%get3A_239, %get3A_240, %get3A_241, %get3A_242] : memref<1x19x64x512xf32, #tpu.memory_space<vmem>>, vector<1x1x64x512xf32>
    %get3A_244 = vector.shape_cast %get3A_243 : vector<1x1x64x512xf32> to vector<64x512xf32>
    %sub3A_245 = arith.subf %get3A_244, %max3A_136 : vector<64x512xf32>
    %exp3A_246 = math.exp %sub3A_245 : vector<64x512xf32>
    %add3A_247 = arith.addf %add3A_234, %exp3A_246 : vector<64x512xf32>
    %eq3A_248 = arith.cmpf oeq, %get3A_244, %max3A_136 : vector<64x512xf32>
    %jit3A_249 = arith.constant 10 : i32
    %broadcast_in_dim3A_250 = vector.broadcast %jit3A_249 : i32 to vector<64x512xi32>
    %select_n3A_251 = arith.select %eq3A_248, %broadcast_in_dim3A_250, %select_n3A_238 : vector<64x512xi1>, vector<64x512xi32>
    %get3A_252 = arith.constant 0 : index
    %get3A_253 = arith.constant 9 : index
    %get3A_254 = arith.constant 0 : index
    %get3A_255 = arith.constant 0 : index
    %get3A_256 = vector.load %arg1[%get3A_252, %get3A_253, %get3A_254, %get3A_255] : memref<1x19x64x512xf32, #tpu.memory_space<vmem>>, vector<1x1x64x512xf32>
    %get3A_257 = vector.shape_cast %get3A_256 : vector<1x1x64x512xf32> to vector<64x512xf32>
    %sub3A_258 = arith.subf %get3A_257, %max3A_136 : vector<64x512xf32>
    %exp3A_259 = math.exp %sub3A_258 : vector<64x512xf32>
    %add3A_260 = arith.addf %add3A_247, %exp3A_259 : vector<64x512xf32>
    %eq3A_261 = arith.cmpf oeq, %get3A_257, %max3A_136 : vector<64x512xf32>
    %jit3A_262 = arith.constant 9 : i32
    %broadcast_in_dim3A_263 = vector.broadcast %jit3A_262 : i32 to vector<64x512xi32>
    %select_n3A_264 = arith.select %eq3A_261, %broadcast_in_dim3A_263, %select_n3A_251 : vector<64x512xi1>, vector<64x512xi32>
    %get3A_265 = arith.constant 0 : index
    %get3A_266 = arith.constant 8 : index
    %get3A_267 = arith.constant 0 : index
    %get3A_268 = arith.constant 0 : index
    %get3A_269 = vector.load %arg1[%get3A_265, %get3A_266, %get3A_267, %get3A_268] : memref<1x19x64x512xf32, #tpu.memory_space<vmem>>, vector<1x1x64x512xf32>
    %get3A_270 = vector.shape_cast %get3A_269 : vector<1x1x64x512xf32> to vector<64x512xf32>
    %sub3A_271 = arith.subf %get3A_270, %max3A_136 : vector<64x512xf32>
    %exp3A_272 = math.exp %sub3A_271 : vector<64x512xf32>
    %add3A_273 = arith.addf %add3A_260, %exp3A_272 : vector<64x512xf32>
    %eq3A_274 = arith.cmpf oeq, %get3A_270, %max3A_136 : vector<64x512xf32>
    %jit3A_275 = arith.constant 8 : i32
    %broadcast_in_dim3A_276 = vector.broadcast %jit3A_275 : i32 to vector<64x512xi32>
    %select_n3A_277 = arith.select %eq3A_274, %broadcast_in_dim3A_276, %select_n3A_264 : vector<64x512xi1>, vector<64x512xi32>
    %get3A_278 = arith.constant 0 : index
    %get3A_279 = arith.constant 7 : index
    %get3A_280 = arith.constant 0 : index
    %get3A_281 = arith.constant 0 : index
    %get3A_282 = vector.load %arg1[%get3A_278, %get3A_279, %get3A_280, %get3A_281] : memref<1x19x64x512xf32, #tpu.memory_space<vmem>>, vector<1x1x64x512xf32>
    %get3A_283 = vector.shape_cast %get3A_282 : vector<1x1x64x512xf32> to vector<64x512xf32>
    %sub3A_284 = arith.subf %get3A_283, %max3A_136 : vector<64x512xf32>
    %exp3A_285 = math.exp %sub3A_284 : vector<64x512xf32>
    %add3A_286 = arith.addf %add3A_273, %exp3A_285 : vector<64x512xf32>
    %eq3A_287 = arith.cmpf oeq, %get3A_283, %max3A_136 : vector<64x512xf32>
    %jit3A_288 = arith.constant 7 : i32
    %broadcast_in_dim3A_289 = vector.broadcast %jit3A_288 : i32 to vector<64x512xi32>
    %select_n3A_290 = arith.select %eq3A_287, %broadcast_in_dim3A_289, %select_n3A_277 : vector<64x512xi1>, vector<64x512xi32>
    %get3A_291 = arith.constant 0 : index
    %get3A_292 = arith.constant 6 : index
    %get3A_293 = arith.constant 0 : index
    %get3A_294 = arith.constant 0 : index
    %get3A_295 = vector.load %arg1[%get3A_291, %get3A_292, %get3A_293, %get3A_294] : memref<1x19x64x512xf32, #tpu.memory_space<vmem>>, vector<1x1x64x512xf32>
    %get3A_296 = vector.shape_cast %get3A_295 : vector<1x1x64x512xf32> to vector<64x512xf32>
    %sub3A_297 = arith.subf %get3A_296, %max3A_136 : vector<64x512xf32>
    %exp3A_298 = math.exp %sub3A_297 : vector<64x512xf32>
    %add3A_299 = arith.addf %add3A_286, %exp3A_298 : vector<64x512xf32>
    %eq3A_300 = arith.cmpf oeq, %get3A_296, %max3A_136 : vector<64x512xf32>
    %jit3A_301 = arith.constant 6 : i32
    %broadcast_in_dim3A_302 = vector.broadcast %jit3A_301 : i32 to vector<64x512xi32>
    %select_n3A_303 = arith.select %eq3A_300, %broadcast_in_dim3A_302, %select_n3A_290 : vector<64x512xi1>, vector<64x512xi32>
    %get3A_304 = arith.constant 0 : index
    %get3A_305 = arith.constant 5 : index
    %get3A_306 = arith.constant 0 : index
    %get3A_307 = arith.constant 0 : index
    %get3A_308 = vector.load %arg1[%get3A_304, %get3A_305, %get3A_306, %get3A_307] : memref<1x19x64x512xf32, #tpu.memory_space<vmem>>, vector<1x1x64x512xf32>
    %get3A_309 = vector.shape_cast %get3A_308 : vector<1x1x64x512xf32> to vector<64x512xf32>
    %sub3A_310 = arith.subf %get3A_309, %max3A_136 : vector<64x512xf32>
    %exp3A_311 = math.exp %sub3A_310 : vector<64x512xf32>
    %add3A_312 = arith.addf %add3A_299, %exp3A_311 : vector<64x512xf32>
    %eq3A_313 = arith.cmpf oeq, %get3A_309, %max3A_136 : vector<64x512xf32>
    %jit3A_314 = arith.constant 5 : i32
    %broadcast_in_dim3A_315 = vector.broadcast %jit3A_314 : i32 to vector<64x512xi32>
    %select_n3A_316 = arith.select %eq3A_313, %broadcast_in_dim3A_315, %select_n3A_303 : vector<64x512xi1>, vector<64x512xi32>
    %get3A_317 = arith.constant 0 : index
    %get3A_318 = arith.constant 4 : index
    %get3A_319 = arith.constant 0 : index
    %get3A_320 = arith.constant 0 : index
    %get3A_321 = vector.load %arg1[%get3A_317, %get3A_318, %get3A_319, %get3A_320] : memref<1x19x64x512xf32, #tpu.memory_space<vmem>>, vector<1x1x64x512xf32>
    %get3A_322 = vector.shape_cast %get3A_321 : vector<1x1x64x512xf32> to vector<64x512xf32>
    %sub3A_323 = arith.subf %get3A_322, %max3A_136 : vector<64x512xf32>
    %exp3A_324 = math.exp %sub3A_323 : vector<64x512xf32>
    %add3A_325 = arith.addf %add3A_312, %exp3A_324 : vector<64x512xf32>
    %eq3A_326 = arith.cmpf oeq, %get3A_322, %max3A_136 : vector<64x512xf32>
    %jit3A_327 = arith.constant 4 : i32
    %broadcast_in_dim3A_328 = vector.broadcast %jit3A_327 : i32 to vector<64x512xi32>
    %select_n3A_329 = arith.select %eq3A_326, %broadcast_in_dim3A_328, %select_n3A_316 : vector<64x512xi1>, vector<64x512xi32>
    %get3A_330 = arith.constant 0 : index
    %get3A_331 = arith.constant 3 : index
    %get3A_332 = arith.constant 0 : index
    %get3A_333 = arith.constant 0 : index
    %get3A_334 = vector.load %arg1[%get3A_330, %get3A_331, %get3A_332, %get3A_333] : memref<1x19x64x512xf32, #tpu.memory_space<vmem>>, vector<1x1x64x512xf32>
    %get3A_335 = vector.shape_cast %get3A_334 : vector<1x1x64x512xf32> to vector<64x512xf32>
    %sub3A_336 = arith.subf %get3A_335, %max3A_136 : vector<64x512xf32>
    %exp3A_337 = math.exp %sub3A_336 : vector<64x512xf32>
    %add3A_338 = arith.addf %add3A_325, %exp3A_337 : vector<64x512xf32>
    %eq3A_339 = arith.cmpf oeq, %get3A_335, %max3A_136 : vector<64x512xf32>
    %jit3A_340 = arith.constant 3 : i32
    %broadcast_in_dim3A_341 = vector.broadcast %jit3A_340 : i32 to vector<64x512xi32>
    %select_n3A_342 = arith.select %eq3A_339, %broadcast_in_dim3A_341, %select_n3A_329 : vector<64x512xi1>, vector<64x512xi32>
    %get3A_343 = arith.constant 0 : index
    %get3A_344 = arith.constant 2 : index
    %get3A_345 = arith.constant 0 : index
    %get3A_346 = arith.constant 0 : index
    %get3A_347 = vector.load %arg1[%get3A_343, %get3A_344, %get3A_345, %get3A_346] : memref<1x19x64x512xf32, #tpu.memory_space<vmem>>, vector<1x1x64x512xf32>
    %get3A_348 = vector.shape_cast %get3A_347 : vector<1x1x64x512xf32> to vector<64x512xf32>
    %sub3A_349 = arith.subf %get3A_348, %max3A_136 : vector<64x512xf32>
    %exp3A_350 = math.exp %sub3A_349 : vector<64x512xf32>
    %add3A_351 = arith.addf %add3A_338, %exp3A_350 : vector<64x512xf32>
    %eq3A_352 = arith.cmpf oeq, %get3A_348, %max3A_136 : vector<64x512xf32>
    %jit3A_353 = arith.constant 2 : i32
    %broadcast_in_dim3A_354 = vector.broadcast %jit3A_353 : i32 to vector<64x512xi32>
    %select_n3A_355 = arith.select %eq3A_352, %broadcast_in_dim3A_354, %select_n3A_342 : vector<64x512xi1>, vector<64x512xi32>
    %get3A_356 = arith.constant 0 : index
    %get3A_357 = arith.constant 1 : index
    %get3A_358 = arith.constant 0 : index
    %get3A_359 = arith.constant 0 : index
    %get3A_360 = vector.load %arg1[%get3A_356, %get3A_357, %get3A_358, %get3A_359] : memref<1x19x64x512xf32, #tpu.memory_space<vmem>>, vector<1x1x64x512xf32>
    %get3A_361 = vector.shape_cast %get3A_360 : vector<1x1x64x512xf32> to vector<64x512xf32>
    %sub3A_362 = arith.subf %get3A_361, %max3A_136 : vector<64x512xf32>
    %exp3A_363 = math.exp %sub3A_362 : vector<64x512xf32>
    %add3A_364 = arith.addf %add3A_351, %exp3A_363 : vector<64x512xf32>
    %eq3A_365 = arith.cmpf oeq, %get3A_361, %max3A_136 : vector<64x512xf32>
    %jit3A_366 = arith.constant 1 : i32
    %broadcast_in_dim3A_367 = vector.broadcast %jit3A_366 : i32 to vector<64x512xi32>
    %select_n3A_368 = arith.select %eq3A_365, %broadcast_in_dim3A_367, %select_n3A_355 : vector<64x512xi1>, vector<64x512xi32>
    %get3A_369 = arith.constant 0 : index
    %get3A_370 = arith.constant 0 : index
    %get3A_371 = arith.constant 0 : index
    %get3A_372 = arith.constant 0 : index
    %get3A_373 = vector.load %arg1[%get3A_369, %get3A_370, %get3A_371, %get3A_372] : memref<1x19x64x512xf32, #tpu.memory_space<vmem>>, vector<1x1x64x512xf32>
    %get3A_374 = vector.shape_cast %get3A_373 : vector<1x1x64x512xf32> to vector<64x512xf32>
    %sub3A_375 = arith.subf %get3A_374, %max3A_136 : vector<64x512xf32>
    %exp3A_376 = math.exp %sub3A_375 : vector<64x512xf32>
    %add3A_377 = arith.addf %add3A_364, %exp3A_376 : vector<64x512xf32>
    %eq3A_378 = arith.cmpf oeq, %get3A_374, %max3A_136 : vector<64x512xf32>
    %jit3A_379 = arith.constant 0 : i32
    %broadcast_in_dim3A_380 = vector.broadcast %jit3A_379 : i32 to vector<64x512xi32>
    %select_n3A_381 = arith.select %eq3A_378, %broadcast_in_dim3A_380, %select_n3A_368 : vector<64x512xi1>, vector<64x512xi32>
    %log3A = math.log %add3A_377 : vector<64x512xf32>
    %add3A_382 = arith.addf %log3A, %max3A_136 : vector<64x512xf32>
    %convert_element_type3A_383 = arith.trunci %get3A_5 : vector<64x512xi32> to vector<64x512xi16>
    %ne3A = arith.cmpi ne, %select_n3A_381, %get3A_5 : vector<64x512xi32>
    %convert_element_type3A_384 = arith.extui %ne3A : vector<64x512xi1> to vector<64x512xi16>
    %eq3A_385 = arith.constant 0 : i16
    %eq3A_386 = vector.broadcast %eq3A_385 : i16 to vector<64x512xi16>
    %eq3A_387 = arith.cmpi eq, %convert_element_type3A_383, %eq3A_386 : vector<64x512xi16>
    %convert_element_type3A_388 = arith.extui %eq3A_387 : vector<64x512xi1> to vector<64x512xi16>
    %get3A_389 = arith.constant 0 : index
    %get3A_390 = arith.constant 0 : index
    %get3A_391 = arith.constant 0 : index
    %get3A_392 = vector.load %arg5[%get3A_389, %get3A_390, %get3A_391] : memref<19x8x512xi16, #tpu.memory_space<vmem>>, vector<1x8x512xi16>
    %get3A_393 = vector.shape_cast %get3A_392 : vector<1x8x512xi16> to vector<8x512xi16>
    %mul3A = arith.muli %convert_element_type3A_388, %convert_element_type3A_384 : vector<64x512xi16>
    %reshape3A = vector.shape_cast %mul3A : vector<64x512xi16> to vector<8x8x512xi16>
    %slice3A = vector.extract_strided_slice %reshape3A {offsets = [0, 0, 0], sizes = [1, 8, 512], strides = [1, 1, 1]} : vector<8x8x512xi16> to vector<1x8x512xi16>
    %squeeze3A = vector.shape_cast %slice3A : vector<1x8x512xi16> to vector<8x512xi16>
    %slice3A_394 = vector.extract_strided_slice %reshape3A {offsets = [1, 0, 0], sizes = [1, 8, 512], strides = [1, 1, 1]} : vector<8x8x512xi16> to vector<1x8x512xi16>
    %squeeze3A_395 = vector.shape_cast %slice3A_394 : vector<1x8x512xi16> to vector<8x512xi16>
    %add3A_396 = arith.addi %squeeze3A, %squeeze3A_395 : vector<8x512xi16>
    %slice3A_397 = vector.extract_strided_slice %reshape3A {offsets = [2, 0, 0], sizes = [1, 8, 512], strides = [1, 1, 1]} : vector<8x8x512xi16> to vector<1x8x512xi16>
    %squeeze3A_398 = vector.shape_cast %slice3A_397 : vector<1x8x512xi16> to vector<8x512xi16>
    %add3A_399 = arith.addi %add3A_396, %squeeze3A_398 : vector<8x512xi16>
    %slice3A_400 = vector.extract_strided_slice %reshape3A {offsets = [3, 0, 0], sizes = [1, 8, 512], strides = [1, 1, 1]} : vector<8x8x512xi16> to vector<1x8x512xi16>
    %squeeze3A_401 = vector.shape_cast %slice3A_400 : vector<1x8x512xi16> to vector<8x512xi16>
    %add3A_402 = arith.addi %add3A_399, %squeeze3A_401 : vector<8x512xi16>
    %slice3A_403 = vector.extract_strided_slice %reshape3A {offsets = [4, 0, 0], sizes = [1, 8, 512], strides = [1, 1, 1]} : vector<8x8x512xi16> to vector<1x8x512xi16>
    %squeeze3A_404 = vector.shape_cast %slice3A_403 : vector<1x8x512xi16> to vector<8x512xi16>
    %add3A_405 = arith.addi %add3A_402, %squeeze3A_404 : vector<8x512xi16>
    %slice3A_406 = vector.extract_strided_slice %reshape3A {offsets = [5, 0, 0], sizes = [1, 8, 512], strides = [1, 1, 1]} : vector<8x8x512xi16> to vector<1x8x512xi16>
    %squeeze3A_407 = vector.shape_cast %slice3A_406 : vector<1x8x512xi16> to vector<8x512xi16>
    %add3A_408 = arith.addi %add3A_405, %squeeze3A_407 : vector<8x512xi16>
    %slice3A_409 = vector.extract_strided_slice %reshape3A {offsets = [6, 0, 0], sizes = [1, 8, 512], strides = [1, 1, 1]} : vector<8x8x512xi16> to vector<1x8x512xi16>
    %squeeze3A_410 = vector.shape_cast %slice3A_409 : vector<1x8x512xi16> to vector<8x512xi16>
    %add3A_411 = arith.addi %add3A_408, %squeeze3A_410 : vector<8x512xi16>
    %slice3A_412 = vector.extract_strided_slice %reshape3A {offsets = [7, 0, 0], sizes = [1, 8, 512], strides = [1, 1, 1]} : vector<8x8x512xi16> to vector<1x8x512xi16>
    %squeeze3A_413 = vector.shape_cast %slice3A_412 : vector<1x8x512xi16> to vector<8x512xi16>
    %add3A_414 = arith.addi %add3A_411, %squeeze3A_413 : vector<8x512xi16>
    %add3A_415 = arith.addi %get3A_393, %add3A_414 : vector<8x512xi16>
    %swap3A = arith.constant 0 : index
    %swap3A_416 = arith.constant 0 : index
    %swap3A_417 = arith.constant 0 : index
    %swap3A_418 = vector.load %arg5[%swap3A, %swap3A_416, %swap3A_417] : memref<19x8x512xi16, #tpu.memory_space<vmem>>, vector<1x8x512xi16>
    %swap3A_419 = vector.shape_cast %swap3A_418 : vector<1x8x512xi16> to vector<8x512xi16>
    %swap3A_420 = vector.shape_cast %add3A_415 : vector<8x512xi16> to vector<1x8x512xi16>
    tpu.vector_store %arg5[%swap3A, %swap3A_416, %swap3A_417], %swap3A_420 {strides = array<i32>} : memref<19x8x512xi16, #tpu.memory_space<vmem>>, vector<1x8x512xi16>,
    %get3A_421 = arith.constant 0 : index
    %get3A_422 = arith.constant 0 : index
    %get3A_423 = arith.constant 0 : index
    %get3A_424 = vector.load %arg4[%get3A_421, %get3A_422, %get3A_423] : memref<19x8x512xf32, #tpu.memory_space<vmem>>, vector<1x8x512xf32>
    %get3A_425 = vector.shape_cast %get3A_424 : vector<1x8x512xf32> to vector<8x512xf32>
    %eq3A_426 = arith.constant 0 : i32
    %eq3A_427 = vector.broadcast %eq3A_426 : i32 to vector<64x512xi32>
    %eq3A_428 = arith.cmpi eq, %get3A_5, %eq3A_427 : vector<64x512xi32>
    %get3A_429 = arith.constant 0 : index
    %get3A_430 = arith.constant 0 : index
    %get3A_431 = arith.constant 0 : index
    %get3A_432 = arith.constant 0 : index
    %get3A_433 = vector.load %arg1[%get3A_429, %get3A_430, %get3A_431, %get3A_432] : memref<1x19x64x512xf32, #tpu.memory_space<vmem>>, vector<1x1x64x512xf32>
    %get3A_434 = vector.shape_cast %get3A_433 : vector<1x1x64x512xf32> to vector<64x512xf32>
    %sub3A_435 = arith.subf %add3A_382, %get3A_434 : vector<64x512xf32>
    %jit3A_436 = arith.constant 0.000000e+00 : f32
    %broadcast_in_dim3A_437 = vector.broadcast %jit3A_436 : f32 to vector<64x512xf32>
    %select_n3A_438 = arith.select %eq3A_428, %sub3A_435, %broadcast_in_dim3A_437 : vector<64x512xi1>, vector<64x512xf32>
    %reshape3A_439 = vector.shape_cast %select_n3A_438 : vector<64x512xf32> to vector<8x8x512xf32>
    %reduce_sum3A = arith.constant dense<0.000000e+00> : vector<8x512xf32>
    %reduce_sum3A_440 = vector.multi_reduction <add>, %reshape3A_439, %reduce_sum3A [0] : vector<8x8x512xf32> to vector<8x512xf32>
    %add3A_441 = arith.addf %get3A_425, %reduce_sum3A_440 : vector<8x512xf32>
    %swap3A_442 = arith.constant 0 : index
    %swap3A_443 = arith.constant 0 : index
    %swap3A_444 = arith.constant 0 : index
    %swap3A_445 = vector.load %arg4[%swap3A_442, %swap3A_443, %swap3A_444] : memref<19x8x512xf32, #tpu.memory_space<vmem>>, vector<1x8x512xf32>
    %swap3A_446 = vector.shape_cast %swap3A_445 : vector<1x8x512xf32> to vector<8x512xf32>
    %swap3A_447 = vector.shape_cast %add3A_441 : vector<8x512xf32> to vector<1x8x512xf32>
    tpu.vector_store %arg4[%swap3A_442, %swap3A_443, %swap3A_444], %swap3A_447 {strides = array<i32>} : memref<19x8x512xf32, #tpu.memory_space<vmem>>, vector<1x8x512xf32>,
    %eq3A_448 = arith.constant 1 : i16
    %eq3A_449 = vector.broadcast %eq3A_448 : i16 to vector<64x512xi16>
    %eq3A_450 = arith.cmpi eq, %convert_element_type3A_383, %eq3A_449 : vector<64x512xi16>
    %convert_element_type3A_451 = arith.extui %eq3A_450 : vector<64x512xi1> to vector<64x512xi16>
    %get3A_452 = arith.constant 1 : index
    %get3A_453 = arith.constant 0 : index
    %get3A_454 = arith.constant 0 : index
    %get3A_455 = vector.load %arg5[%get3A_452, %get3A_453, %get3A_454] : memref<19x8x512xi16, #tpu.memory_space<vmem>>, vector<1x8x512xi16>
    %get3A_456 = vector.shape_cast %get3A_455 : vector<1x8x512xi16> to vector<8x512xi16>
    %mul3A_457 = arith.muli %convert_element_type3A_451, %convert_element_type3A_384 : vector<64x512xi16>
    %reshape3A_458 = vector.shape_cast %mul3A_457 : vector<64x512xi16> to vector<8x8x512xi16>
    %slice3A_459 = vector.extract_strided_slice %reshape3A_458 {offsets = [0, 0, 0], sizes = [1, 8, 512], strides = [1, 1, 1]} : vector<8x8x512xi16> to vector<1x8x512xi16>
    %squeeze3A_460 = vector.shape_cast %slice3A_459 : vector<1x8x512xi16> to vector<8x512xi16>
    %slice3A_461 = vector.extract_strided_slice %reshape3A_458 {offsets = [1, 0, 0], sizes = [1, 8, 512], strides = [1, 1, 1]} : vector<8x8x512xi16> to vector<1x8x512xi16>
    %squeeze3A_462 = vector.shape_cast %slice3A_461 : vector<1x8x512xi16> to vector<8x512xi16>
    %add3A_463 = arith.addi %squeeze3A_460, %squeeze3A_462 : vector<8x512xi16>
    %slice3A_464 = vector.extract_strided_slice %reshape3A_458 {offsets = [2, 0, 0], sizes = [1, 8, 512], strides = [1, 1, 1]} : vector<8x8x512xi16> to vector<1x8x512xi16>
    %squeeze3A_465 = vector.shape_cast %slice3A_464 : vector<1x8x512xi16> to vector<8x512xi16>
    %add3A_466 = arith.addi %add3A_463, %squeeze3A_465 : vector<8x512xi16>
    %slice3A_467 = vector.extract_strided_slice %reshape3A_458 {offsets = [3, 0, 0], sizes = [1, 8, 512], strides = [1, 1, 1]} : vector<8x8x512xi16> to vector<1x8x512xi16>
    %squeeze3A_468 = vector.shape_cast %slice3A_467 : vector<1x8x512xi16> to vector<8x512xi16>
    %add3A_469 = arith.addi %add3A_466, %squeeze3A_468 : vector<8x512xi16>
    %slice3A_470 = vector.extract_strided_slice %reshape3A_458 {offsets = [4, 0, 0], sizes = [1, 8, 512], strides = [1, 1, 1]} : vector<8x8x512xi16> to vector<1x8x512xi16>
    %squeeze3A_471 = vector.shape_cast %slice3A_470 : vector<1x8x512xi16> to vector<8x512xi16>
    %add3A_472 = arith.addi %add3A_469, %squeeze3A_471 : vector<8x512xi16>
    %slice3A_473 = vector.extract_strided_slice %reshape3A_458 {offsets = [5, 0, 0], sizes = [1, 8, 512], strides = [1, 1, 1]} : vector<8x8x512xi16> to vector<1x8x512xi16>
    %squeeze3A_474 = vector.shape_cast %slice3A_473 : vector<1x8x512xi16> to vector<8x512xi16>
    %add3A_475 = arith.addi %add3A_472, %squeeze3A_474 : vector<8x512xi16>
    %slice3A_476 = vector.extract_strided_slice %reshape3A_458 {offsets = [6, 0, 0], sizes = [1, 8, 512], strides = [1, 1, 1]} : vector<8x8x512xi16> to vector<1x8x512xi16>
    %squeeze3A_477 = vector.shape_cast %slice3A_476 : vector<1x8x512xi16> to vector<8x512xi16>
    %add3A_478 = arith.addi %add3A_475, %squeeze3A_477 : vector<8x512xi16>
    %slice3A_479 = vector.extract_strided_slice %reshape3A_458 {offsets = [7, 0, 0], sizes = [1, 8, 512], strides = [1, 1, 1]} : vector<8x8x512xi16> to vector<1x8x512xi16>
    %squeeze3A_480 = vector.shape_cast %slice3A_479 : vector<1x8x512xi16> to vector<8x512xi16>
    %add3A_481 = arith.addi %add3A_478, %squeeze3A_480 : vector<8x512xi16>
    %add3A_482 = arith.addi %get3A_456, %add3A_481 : vector<8x512xi16>
    %swap3A_483 = arith.constant 1 : index
    %swap3A_484 = arith.constant 0 : index
    %swap3A_485 = arith.constant 0 : index
    %swap3A_486 = vector.load %arg5[%swap3A_483, %swap3A_484, %swap3A_485] : memref<19x8x512xi16, #tpu.memory_space<vmem>>, vector<1x8x512xi16>
    %swap3A_487 = vector.shape_cast %swap3A_486 : vector<1x8x512xi16> to vector<8x512xi16>
    %swap3A_488 = vector.shape_cast %add3A_482 : vector<8x512xi16> to vector<1x8x512xi16>
    tpu.vector_store %arg5[%swap3A_483, %swap3A_484, %swap3A_485], %swap3A_488 {strides = array<i32>} : memref<19x8x512xi16, #tpu.memory_space<vmem>>, vector<1x8x512xi16>,
    %get3A_489 = arith.constant 1 : index
    %get3A_490 = arith.constant 0 : index
    %get3A_491 = arith.constant 0 : index
    %get3A_492 = vector.load %arg4[%get3A_489, %get3A_490, %get3A_491] : memref<19x8x512xf32, #tpu.memory_space<vmem>>, vector<1x8x512xf32>
    %get3A_493 = vector.shape_cast %get3A_492 : vector<1x8x512xf32> to vector<8x512xf32>
    %eq3A_494 = arith.constant 1 : i32
    %eq3A_495 = vector.broadcast %eq3A_494 : i32 to vector<64x512xi32>
    %eq3A_496 = arith.cmpi eq, %get3A_5, %eq3A_495 : vector<64x512xi32>
    %get3A_497 = arith.constant 0 : index
    %get3A_498 = arith.constant 1 : index
    %get3A_499 = arith.constant 0 : index
    %get3A_500 = arith.constant 0 : index
    %get3A_501 = vector.load %arg1[%get3A_497, %get3A_498, %get3A_499, %get3A_500] : memref<1x19x64x512xf32, #tpu.memory_space<vmem>>, vector<1x1x64x512xf32>
    %get3A_502 = vector.shape_cast %get3A_501 : vector<1x1x64x512xf32> to vector<64x512xf32>
    %sub3A_503 = arith.subf %add3A_382, %get3A_502 : vector<64x512xf32>
    %jit3A_504 = arith.constant 0.000000e+00 : f32
    %broadcast_in_dim3A_505 = vector.broadcast %jit3A_504 : f32 to vector<64x512xf32>
    %select_n3A_506 = arith.select %eq3A_496, %sub3A_503, %broadcast_in_dim3A_505 : vector<64x512xi1>, vector<64x512xf32>
    %reshape3A_507 = vector.shape_cast %select_n3A_506 : vector<64x512xf32> to vector<8x8x512xf32>
    %reduce_sum3A_508 = arith.constant dense<0.000000e+00> : vector<8x512xf32>
    %reduce_sum3A_509 = vector.multi_reduction <add>, %reshape3A_507, %reduce_sum3A_508 [0] : vector<8x8x512xf32> to vector<8x512xf32>
    %add3A_510 = arith.addf %get3A_493, %reduce_sum3A_509 : vector<8x512xf32>
    %swap3A_511 = arith.constant 1 : index
    %swap3A_512 = arith.constant 0 : index
    %swap3A_513 = arith.constant 0 : index
    %swap3A_514 = vector.load %arg4[%swap3A_511, %swap3A_512, %swap3A_513] : memref<19x8x512xf32, #tpu.memory_space<vmem>>, vector<1x8x512xf32>
    %swap3A_515 = vector.shape_cast %swap3A_514 : vector<1x8x512xf32> to vector<8x512xf32>
    %swap3A_516 = vector.shape_cast %add3A_510 : vector<8x512xf32> to vector<1x8x512xf32>
    tpu.vector_store %arg4[%swap3A_511, %swap3A_512, %swap3A_513], %swap3A_516 {strides = array<i32>} : memref<19x8x512xf32, #tpu.memory_space<vmem>>, vector<1x8x512xf32>,
    %eq3A_517 = arith.constant 2 : i16
    %eq3A_518 = vector.broadcast %eq3A_517 : i16 to vector<64x512xi16>
    %eq3A_519 = arith.cmpi eq, %convert_element_type3A_383, %eq3A_518 : vector<64x512xi16>
    %convert_element_type3A_520 = arith.extui %eq3A_519 : vector<64x512xi1> to vector<64x512xi16>
    %get3A_521 = arith.constant 2 : index
    %get3A_522 = arith.constant 0 : index
    %get3A_523 = arith.constant 0 : index
    %get3A_524 = vector.load %arg5[%get3A_521, %get3A_522, %get3A_523] : memref<19x8x512xi16, #tpu.memory_space<vmem>>, vector<1x8x512xi16>
    %get3A_525 = vector.shape_cast %get3A_524 : vector<1x8x512xi16> to vector<8x512xi16>
    %mul3A_526 = arith.muli %convert_element_type3A_520, %convert_element_type3A_384 : vector<64x512xi16>
    %reshape3A_527 = vector.shape_cast %mul3A_526 : vector<64x512xi16> to vector<8x8x512xi16>
    %slice3A_528 = vector.extract_strided_slice %reshape3A_527 {offsets = [0, 0, 0], sizes = [1, 8, 512], strides = [1, 1, 1]} : vector<8x8x512xi16> to vector<1x8x512xi16>
    %squeeze3A_529 = vector.shape_cast %slice3A_528 : vector<1x8x512xi16> to vector<8x512xi16>
    %slice3A_530 = vector.extract_strided_slice %reshape3A_527 {offsets = [1, 0, 0], sizes = [1, 8, 512], strides = [1, 1, 1]} : vector<8x8x512xi16> to vector<1x8x512xi16>
    %squeeze3A_531 = vector.shape_cast %slice3A_530 : vector<1x8x512xi16> to vector<8x512xi16>
    %add3A_532 = arith.addi %squeeze3A_529, %squeeze3A_531 : vector<8x512xi16>
    %slice3A_533 = vector.extract_strided_slice %reshape3A_527 {offsets = [2, 0, 0], sizes = [1, 8, 512], strides = [1, 1, 1]} : vector<8x8x512xi16> to vector<1x8x512xi16>
    %squeeze3A_534 = vector.shape_cast %slice3A_533 : vector<1x8x512xi16> to vector<8x512xi16>
    %add3A_535 = arith.addi %add3A_532, %squeeze3A_534 : vector<8x512xi16>
    %slice3A_536 = vector.extract_strided_slice %reshape3A_527 {offsets = [3, 0, 0], sizes = [1, 8, 512], strides = [1, 1, 1]} : vector<8x8x512xi16> to vector<1x8x512xi16>
    %squeeze3A_537 = vector.shape_cast %slice3A_536 : vector<1x8x512xi16> to vector<8x512xi16>
    %add3A_538 = arith.addi %add3A_535, %squeeze3A_537 : vector<8x512xi16>
    %slice3A_539 = vector.extract_strided_slice %reshape3A_527 {offsets = [4, 0, 0], sizes = [1, 8, 512], strides = [1, 1, 1]} : vector<8x8x512xi16> to vector<1x8x512xi16>
    %squeeze3A_540 = vector.shape_cast %slice3A_539 : vector<1x8x512xi16> to vector<8x512xi16>
    %add3A_541 = arith.addi %add3A_538, %squeeze3A_540 : vector<8x512xi16>
    %slice3A_542 = vector.extract_strided_slice %reshape3A_527 {offsets = [5, 0, 0], sizes = [1, 8, 512], strides = [1, 1, 1]} : vector<8x8x512xi16> to vector<1x8x512xi16>
    %squeeze3A_543 = vector.shape_cast %slice3A_542 : vector<1x8x512xi16> to vector<8x512xi16>
    %add3A_544 = arith.addi %add3A_541, %squeeze3A_543 : vector<8x512xi16>
    %slice3A_545 = vector.extract_strided_slice %reshape3A_527 {offsets = [6, 0, 0], sizes = [1, 8, 512], strides = [1, 1, 1]} : vector<8x8x512xi16> to vector<1x8x512xi16>
    %squeeze3A_546 = vector.shape_cast %slice3A_545 : vector<1x8x512xi16> to vector<8x512xi16>
    %add3A_547 = arith.addi %add3A_544, %squeeze3A_546 : vector<8x512xi16>
    %slice3A_548 = vector.extract_strided_slice %reshape3A_527 {offsets = [7, 0, 0], sizes = [1, 8, 512], strides = [1, 1, 1]} : vector<8x8x512xi16> to vector<1x8x512xi16>
    %squeeze3A_549 = vector.shape_cast %slice3A_548 : vector<1x8x512xi16> to vector<8x512xi16>
    %add3A_550 = arith.addi %add3A_547, %squeeze3A_549 : vector<8x512xi16>
    %add3A_551 = arith.addi %get3A_525, %add3A_550 : vector<8x512xi16>
    %swap3A_552 = arith.constant 2 : index
    %swap3A_553 = arith.constant 0 : index
    %swap3A_554 = arith.constant 0 : index
    %swap3A_555 = vector.load %arg5[%swap3A_552, %swap3A_553, %swap3A_554] : memref<19x8x512xi16, #tpu.memory_space<vmem>>, vector<1x8x512xi16>
    %swap3A_556 = vector.shape_cast %swap3A_555 : vector<1x8x512xi16> to vector<8x512xi16>
    %swap3A_557 = vector.shape_cast %add3A_551 : vector<8x512xi16> to vector<1x8x512xi16>
    tpu.vector_store %arg5[%swap3A_552, %swap3A_553, %swap3A_554], %swap3A_557 {strides = array<i32>} : memref<19x8x512xi16, #tpu.memory_space<vmem>>, vector<1x8x512xi16>,
    %get3A_558 = arith.constant 2 : index
    %get3A_559 = arith.constant 0 : index
    %get3A_560 = arith.constant 0 : index
    %get3A_561 = vector.load %arg4[%get3A_558, %get3A_559, %get3A_560] : memref<19x8x512xf32, #tpu.memory_space<vmem>>, vector<1x8x512xf32>
    %get3A_562 = vector.shape_cast %get3A_561 : vector<1x8x512xf32> to vector<8x512xf32>
    %eq3A_563 = arith.constant 2 : i32
    %eq3A_564 = vector.broadcast %eq3A_563 : i32 to vector<64x512xi32>
    %eq3A_565 = arith.cmpi eq, %get3A_5, %eq3A_564 : vector<64x512xi32>
    %get3A_566 = arith.constant 0 : index
    %get3A_567 = arith.constant 2 : index
    %get3A_568 = arith.constant 0 : index
    %get3A_569 = arith.constant 0 : index
    %get3A_570 = vector.load %arg1[%get3A_566, %get3A_567, %get3A_568, %get3A_569] : memref<1x19x64x512xf32, #tpu.memory_space<vmem>>, vector<1x1x64x512xf32>
    %get3A_571 = vector.shape_cast %get3A_570 : vector<1x1x64x512xf32> to vector<64x512xf32>
    %sub3A_572 = arith.subf %add3A_382, %get3A_571 : vector<64x512xf32>
    %jit3A_573 = arith.constant 0.000000e+00 : f32
    %broadcast_in_dim3A_574 = vector.broadcast %jit3A_573 : f32 to vector<64x512xf32>
    %select_n3A_575 = arith.select %eq3A_565, %sub3A_572, %broadcast_in_dim3A_574 : vector<64x512xi1>, vector<64x512xf32>
    %reshape3A_576 = vector.shape_cast %select_n3A_575 : vector<64x512xf32> to vector<8x8x512xf32>
    %reduce_sum3A_577 = arith.constant dense<0.000000e+00> : vector<8x512xf32>
    %reduce_sum3A_578 = vector.multi_reduction <add>, %reshape3A_576, %reduce_sum3A_577 [0] : vector<8x8x512xf32> to vector<8x512xf32>
    %add3A_579 = arith.addf %get3A_562, %reduce_sum3A_578 : vector<8x512xf32>
    %swap3A_580 = arith.constant 2 : index
    %swap3A_581 = arith.constant 0 : index
    %swap3A_582 = arith.constant 0 : index
    %swap3A_583 = vector.load %arg4[%swap3A_580, %swap3A_581, %swap3A_582] : memref<19x8x512xf32, #tpu.memory_space<vmem>>, vector<1x8x512xf32>
    %swap3A_584 = vector.shape_cast %swap3A_583 : vector<1x8x512xf32> to vector<8x512xf32>
    %swap3A_585 = vector.shape_cast %add3A_579 : vector<8x512xf32> to vector<1x8x512xf32>
    tpu.vector_store %arg4[%swap3A_580, %swap3A_581, %swap3A_582], %swap3A_585 {strides = array<i32>} : memref<19x8x512xf32, #tpu.memory_space<vmem>>, vector<1x8x512xf32>,
    %eq3A_586 = arith.constant 3 : i16
    %eq3A_587 = vector.broadcast %eq3A_586 : i16 to vector<64x512xi16>
    %eq3A_588 = arith.cmpi eq, %convert_element_type3A_383, %eq3A_587 : vector<64x512xi16>
    %convert_element_type3A_589 = arith.extui %eq3A_588 : vector<64x512xi1> to vector<64x512xi16>
    %get3A_590 = arith.constant 3 : index
    %get3A_591 = arith.constant 0 : index
    %get3A_592 = arith.constant 0 : index
    %get3A_593 = vector.load %arg5[%get3A_590, %get3A_591, %get3A_592] : memref<19x8x512xi16, #tpu.memory_space<vmem>>, vector<1x8x512xi16>
    %get3A_594 = vector.shape_cast %get3A_593 : vector<1x8x512xi16> to vector<8x512xi16>
    %mul3A_595 = arith.muli %convert_element_type3A_589, %convert_element_type3A_384 : vector<64x512xi16>
    %reshape3A_596 = vector.shape_cast %mul3A_595 : vector<64x512xi16> to vector<8x8x512xi16>
    %slice3A_597 = vector.extract_strided_slice %reshape3A_596 {offsets = [0, 0, 0], sizes = [1, 8, 512], strides = [1, 1, 1]} : vector<8x8x512xi16> to vector<1x8x512xi16>
    %squeeze3A_598 = vector.shape_cast %slice3A_597 : vector<1x8x512xi16> to vector<8x512xi16>
    %slice3A_599 = vector.extract_strided_slice %reshape3A_596 {offsets = [1, 0, 0], sizes = [1, 8, 512], strides = [1, 1, 1]} : vector<8x8x512xi16> to vector<1x8x512xi16>
    %squeeze3A_600 = vector.shape_cast %slice3A_599 : vector<1x8x512xi16> to vector<8x512xi16>
    %add3A_601 = arith.addi %squeeze3A_598, %squeeze3A_600 : vector<8x512xi16>
    %slice3A_602 = vector.extract_strided_slice %reshape3A_596 {offsets = [2, 0, 0], sizes = [1, 8, 512], strides = [1, 1, 1]} : vector<8x8x512xi16> to vector<1x8x512xi16>
    %squeeze3A_603 = vector.shape_cast %slice3A_602 : vector<1x8x512xi16> to vector<8x512xi16>
    %add3A_604 = arith.addi %add3A_601, %squeeze3A_603 : vector<8x512xi16>
    %slice3A_605 = vector.extract_strided_slice %reshape3A_596 {offsets = [3, 0, 0], sizes = [1, 8, 512], strides = [1, 1, 1]} : vector<8x8x512xi16> to vector<1x8x512xi16>
    %squeeze3A_606 = vector.shape_cast %slice3A_605 : vector<1x8x512xi16> to vector<8x512xi16>
    %add3A_607 = arith.addi %add3A_604, %squeeze3A_606 : vector<8x512xi16>
    %slice3A_608 = vector.extract_strided_slice %reshape3A_596 {offsets = [4, 0, 0], sizes = [1, 8, 512], strides = [1, 1, 1]} : vector<8x8x512xi16> to vector<1x8x512xi16>
    %squeeze3A_609 = vector.shape_cast %slice3A_608 : vector<1x8x512xi16> to vector<8x512xi16>
    %add3A_610 = arith.addi %add3A_607, %squeeze3A_609 : vector<8x512xi16>
    %slice3A_611 = vector.extract_strided_slice %reshape3A_596 {offsets = [5, 0, 0], sizes = [1, 8, 512], strides = [1, 1, 1]} : vector<8x8x512xi16> to vector<1x8x512xi16>
    %squeeze3A_612 = vector.shape_cast %slice3A_611 : vector<1x8x512xi16> to vector<8x512xi16>
    %add3A_613 = arith.addi %add3A_610, %squeeze3A_612 : vector<8x512xi16>
    %slice3A_614 = vector.extract_strided_slice %reshape3A_596 {offsets = [6, 0, 0], sizes = [1, 8, 512], strides = [1, 1, 1]} : vector<8x8x512xi16> to vector<1x8x512xi16>
    %squeeze3A_615 = vector.shape_cast %slice3A_614 : vector<1x8x512xi16> to vector<8x512xi16>
    %add3A_616 = arith.addi %add3A_613, %squeeze3A_615 : vector<8x512xi16>
    %slice3A_617 = vector.extract_strided_slice %reshape3A_596 {offsets = [7, 0, 0], sizes = [1, 8, 512], strides = [1, 1, 1]} : vector<8x8x512xi16> to vector<1x8x512xi16>
    %squeeze3A_618 = vector.shape_cast %slice3A_617 : vector<1x8x512xi16> to vector<8x512xi16>
    %add3A_619 = arith.addi %add3A_616, %squeeze3A_618 : vector<8x512xi16>
    %add3A_620 = arith.addi %get3A_594, %add3A_619 : vector<8x512xi16>
    %swap3A_621 = arith.constant 3 : index
    %swap3A_622 = arith.constant 0 : index
    %swap3A_623 = arith.constant 0 : index
    %swap3A_624 = vector.load %arg5[%swap3A_621, %swap3A_622, %swap3A_623] : memref<19x8x512xi16, #tpu.memory_space<vmem>>, vector<1x8x512xi16>
    %swap3A_625 = vector.shape_cast %swap3A_624 : vector<1x8x512xi16> to vector<8x512xi16>
    %swap3A_626 = vector.shape_cast %add3A_620 : vector<8x512xi16> to vector<1x8x512xi16>
    tpu.vector_store %arg5[%swap3A_621, %swap3A_622, %swap3A_623], %swap3A_626 {strides = array<i32>} : memref<19x8x512xi16, #tpu.memory_space<vmem>>, vector<1x8x512xi16>,
    %get3A_627 = arith.constant 3 : index
    %get3A_628 = arith.constant 0 : index
    %get3A_629 = arith.constant 0 : index
    %get3A_630 = vector.load %arg4[%get3A_627, %get3A_628, %get3A_629] : memref<19x8x512xf32, #tpu.memory_space<vmem>>, vector<1x8x512xf32>
    %get3A_631 = vector.shape_cast %get3A_630 : vector<1x8x512xf32> to vector<8x512xf32>
    %eq3A_632 = arith.constant 3 : i32
    %eq3A_633 = vector.broadcast %eq3A_632 : i32 to vector<64x512xi32>
    %eq3A_634 = arith.cmpi eq, %get3A_5, %eq3A_633 : vector<64x512xi32>
    %get3A_635 = arith.constant 0 : index
    %get3A_636 = arith.constant 3 : index
    %get3A_637 = arith.constant 0 : index
    %get3A_638 = arith.constant 0 : index
    %get3A_639 = vector.load %arg1[%get3A_635, %get3A_636, %get3A_637, %get3A_638] : memref<1x19x64x512xf32, #tpu.memory_space<vmem>>, vector<1x1x64x512xf32>
    %get3A_640 = vector.shape_cast %get3A_639 : vector<1x1x64x512xf32> to vector<64x512xf32>
    %sub3A_641 = arith.subf %add3A_382, %get3A_640 : vector<64x512xf32>
    %jit3A_642 = arith.constant 0.000000e+00 : f32
    %broadcast_in_dim3A_643 = vector.broadcast %jit3A_642 : f32 to vector<64x512xf32>
    %select_n3A_644 = arith.select %eq3A_634, %sub3A_641, %broadcast_in_dim3A_643 : vector<64x512xi1>, vector<64x512xf32>
    %reshape3A_645 = vector.shape_cast %select_n3A_644 : vector<64x512xf32> to vector<8x8x512xf32>
    %reduce_sum3A_646 = arith.constant dense<0.000000e+00> : vector<8x512xf32>
    %reduce_sum3A_647 = vector.multi_reduction <add>, %reshape3A_645, %reduce_sum3A_646 [0] : vector<8x8x512xf32> to vector<8x512xf32>
    %add3A_648 = arith.addf %get3A_631, %reduce_sum3A_647 : vector<8x512xf32>
    %swap3A_649 = arith.constant 3 : index
    %swap3A_650 = arith.constant 0 : index
    %swap3A_651 = arith.constant 0 : index
    %swap3A_652 = vector.load %arg4[%swap3A_649, %swap3A_650, %swap3A_651] : memref<19x8x512xf32, #tpu.memory_space<vmem>>, vector<1x8x512xf32>
    %swap3A_653 = vector.shape_cast %swap3A_652 : vector<1x8x512xf32> to vector<8x512xf32>
    %swap3A_654 = vector.shape_cast %add3A_648 : vector<8x512xf32> to vector<1x8x512xf32>
    tpu.vector_store %arg4[%swap3A_649, %swap3A_650, %swap3A_651], %swap3A_654 {strides = array<i32>} : memref<19x8x512xf32, #tpu.memory_space<vmem>>, vector<1x8x512xf32>,
    %eq3A_655 = arith.constant 4 : i16
    %eq3A_656 = vector.broadcast %eq3A_655 : i16 to vector<64x512xi16>
    %eq3A_657 = arith.cmpi eq, %convert_element_type3A_383, %eq3A_656 : vector<64x512xi16>
    %convert_element_type3A_658 = arith.extui %eq3A_657 : vector<64x512xi1> to vector<64x512xi16>
    %get3A_659 = arith.constant 4 : index
    %get3A_660 = arith.constant 0 : index
    %get3A_661 = arith.constant 0 : index
    %get3A_662 = vector.load %arg5[%get3A_659, %get3A_660, %get3A_661] : memref<19x8x512xi16, #tpu.memory_space<vmem>>, vector<1x8x512xi16>
    %get3A_663 = vector.shape_cast %get3A_662 : vector<1x8x512xi16> to vector<8x512xi16>
    %mul3A_664 = arith.muli %convert_element_type3A_658, %convert_element_type3A_384 : vector<64x512xi16>
    %reshape3A_665 = vector.shape_cast %mul3A_664 : vector<64x512xi16> to vector<8x8x512xi16>
    %slice3A_666 = vector.extract_strided_slice %reshape3A_665 {offsets = [0, 0, 0], sizes = [1, 8, 512], strides = [1, 1, 1]} : vector<8x8x512xi16> to vector<1x8x512xi16>
    %squeeze3A_667 = vector.shape_cast %slice3A_666 : vector<1x8x512xi16> to vector<8x512xi16>
    %slice3A_668 = vector.extract_strided_slice %reshape3A_665 {offsets = [1, 0, 0], sizes = [1, 8, 512], strides = [1, 1, 1]} : vector<8x8x512xi16> to vector<1x8x512xi16>
    %squeeze3A_669 = vector.shape_cast %slice3A_668 : vector<1x8x512xi16> to vector<8x512xi16>
    %add3A_670 = arith.addi %squeeze3A_667, %squeeze3A_669 : vector<8x512xi16>
    %slice3A_671 = vector.extract_strided_slice %reshape3A_665 {offsets = [2, 0, 0], sizes = [1, 8, 512], strides = [1, 1, 1]} : vector<8x8x512xi16> to vector<1x8x512xi16>
    %squeeze3A_672 = vector.shape_cast %slice3A_671 : vector<1x8x512xi16> to vector<8x512xi16>
    %add3A_673 = arith.addi %add3A_670, %squeeze3A_672 : vector<8x512xi16>
    %slice3A_674 = vector.extract_strided_slice %reshape3A_665 {offsets = [3, 0, 0], sizes = [1, 8, 512], strides = [1, 1, 1]} : vector<8x8x512xi16> to vector<1x8x512xi16>
    %squeeze3A_675 = vector.shape_cast %slice3A_674 : vector<1x8x512xi16> to vector<8x512xi16>
    %add3A_676 = arith.addi %add3A_673, %squeeze3A_675 : vector<8x512xi16>
    %slice3A_677 = vector.extract_strided_slice %reshape3A_665 {offsets = [4, 0, 0], sizes = [1, 8, 512], strides = [1, 1, 1]} : vector<8x8x512xi16> to vector<1x8x512xi16>
    %squeeze3A_678 = vector.shape_cast %slice3A_677 : vector<1x8x512xi16> to vector<8x512xi16>
    %add3A_679 = arith.addi %add3A_676, %squeeze3A_678 : vector<8x512xi16>
    %slice3A_680 = vector.extract_strided_slice %reshape3A_665 {offsets = [5, 0, 0], sizes = [1, 8, 512], strides = [1, 1, 1]} : vector<8x8x512xi16> to vector<1x8x512xi16>
    %squeeze3A_681 = vector.shape_cast %slice3A_680 : vector<1x8x512xi16> to vector<8x512xi16>
    %add3A_682 = arith.addi %add3A_679, %squeeze3A_681 : vector<8x512xi16>
    %slice3A_683 = vector.extract_strided_slice %reshape3A_665 {offsets = [6, 0, 0], sizes = [1, 8, 512], strides = [1, 1, 1]} : vector<8x8x512xi16> to vector<1x8x512xi16>
    %squeeze3A_684 = vector.shape_cast %slice3A_683 : vector<1x8x512xi16> to vector<8x512xi16>
    %add3A_685 = arith.addi %add3A_682, %squeeze3A_684 : vector<8x512xi16>
    %slice3A_686 = vector.extract_strided_slice %reshape3A_665 {offsets = [7, 0, 0], sizes = [1, 8, 512], strides = [1, 1, 1]} : vector<8x8x512xi16> to vector<1x8x512xi16>
    %squeeze3A_687 = vector.shape_cast %slice3A_686 : vector<1x8x512xi16> to vector<8x512xi16>
    %add3A_688 = arith.addi %add3A_685, %squeeze3A_687 : vector<8x512xi16>
    %add3A_689 = arith.addi %get3A_663, %add3A_688 : vector<8x512xi16>
    %swap3A_690 = arith.constant 4 : index
    %swap3A_691 = arith.constant 0 : index
    %swap3A_692 = arith.constant 0 : index
    %swap3A_693 = vector.load %arg5[%swap3A_690, %swap3A_691, %swap3A_692] : memref<19x8x512xi16, #tpu.memory_space<vmem>>, vector<1x8x512xi16>
    %swap3A_694 = vector.shape_cast %swap3A_693 : vector<1x8x512xi16> to vector<8x512xi16>
    %swap3A_695 = vector.shape_cast %add3A_689 : vector<8x512xi16> to vector<1x8x512xi16>
    tpu.vector_store %arg5[%swap3A_690, %swap3A_691, %swap3A_692], %swap3A_695 {strides = array<i32>} : memref<19x8x512xi16, #tpu.memory_space<vmem>>, vector<1x8x512xi16>,
    %get3A_696 = arith.constant 4 : index
    %get3A_697 = arith.constant 0 : index
    %get3A_698 = arith.constant 0 : index
    %get3A_699 = vector.load %arg4[%get3A_696, %get3A_697, %get3A_698] : memref<19x8x512xf32, #tpu.memory_space<vmem>>, vector<1x8x512xf32>
    %get3A_700 = vector.shape_cast %get3A_699 : vector<1x8x512xf32> to vector<8x512xf32>
    %eq3A_701 = arith.constant 4 : i32
    %eq3A_702 = vector.broadcast %eq3A_701 : i32 to vector<64x512xi32>
    %eq3A_703 = arith.cmpi eq, %get3A_5, %eq3A_702 : vector<64x512xi32>
    %get3A_704 = arith.constant 0 : index
    %get3A_705 = arith.constant 4 : index
    %get3A_706 = arith.constant 0 : index
    %get3A_707 = arith.constant 0 : index
    %get3A_708 = vector.load %arg1[%get3A_704, %get3A_705, %get3A_706, %get3A_707] : memref<1x19x64x512xf32, #tpu.memory_space<vmem>>, vector<1x1x64x512xf32>
    %get3A_709 = vector.shape_cast %get3A_708 : vector<1x1x64x512xf32> to vector<64x512xf32>
    %sub3A_710 = arith.subf %add3A_382, %get3A_709 : vector<64x512xf32>
    %jit3A_711 = arith.constant 0.000000e+00 : f32
    %broadcast_in_dim3A_712 = vector.broadcast %jit3A_711 : f32 to vector<64x512xf32>
    %select_n3A_713 = arith.select %eq3A_703, %sub3A_710, %broadcast_in_dim3A_712 : vector<64x512xi1>, vector<64x512xf32>
    %reshape3A_714 = vector.shape_cast %select_n3A_713 : vector<64x512xf32> to vector<8x8x512xf32>
    %reduce_sum3A_715 = arith.constant dense<0.000000e+00> : vector<8x512xf32>
    %reduce_sum3A_716 = vector.multi_reduction <add>, %reshape3A_714, %reduce_sum3A_715 [0] : vector<8x8x512xf32> to vector<8x512xf32>
    %add3A_717 = arith.addf %get3A_700, %reduce_sum3A_716 : vector<8x512xf32>
    %swap3A_718 = arith.constant 4 : index
    %swap3A_719 = arith.constant 0 : index
    %swap3A_720 = arith.constant 0 : index
    %swap3A_721 = vector.load %arg4[%swap3A_718, %swap3A_719, %swap3A_720] : memref<19x8x512xf32, #tpu.memory_space<vmem>>, vector<1x8x512xf32>
    %swap3A_722 = vector.shape_cast %swap3A_721 : vector<1x8x512xf32> to vector<8x512xf32>
    %swap3A_723 = vector.shape_cast %add3A_717 : vector<8x512xf32> to vector<1x8x512xf32>
    tpu.vector_store %arg4[%swap3A_718, %swap3A_719, %swap3A_720], %swap3A_723 {strides = array<i32>} : memref<19x8x512xf32, #tpu.memory_space<vmem>>, vector<1x8x512xf32>,
    %eq3A_724 = arith.constant 5 : i16
    %eq3A_725 = vector.broadcast %eq3A_724 : i16 to vector<64x512xi16>
    %eq3A_726 = arith.cmpi eq, %convert_element_type3A_383, %eq3A_725 : vector<64x512xi16>
    %convert_element_type3A_727 = arith.extui %eq3A_726 : vector<64x512xi1> to vector<64x512xi16>
    %get3A_728 = arith.constant 5 : index
    %get3A_729 = arith.constant 0 : index
    %get3A_730 = arith.constant 0 : index
    %get3A_731 = vector.load %arg5[%get3A_728, %get3A_729, %get3A_730] : memref<19x8x512xi16, #tpu.memory_space<vmem>>, vector<1x8x512xi16>
    %get3A_732 = vector.shape_cast %get3A_731 : vector<1x8x512xi16> to vector<8x512xi16>
    %mul3A_733 = arith.muli %convert_element_type3A_727, %convert_element_type3A_384 : vector<64x512xi16>
    %reshape3A_734 = vector.shape_cast %mul3A_733 : vector<64x512xi16> to vector<8x8x512xi16>
    %slice3A_735 = vector.extract_strided_slice %reshape3A_734 {offsets = [0, 0, 0], sizes = [1, 8, 512], strides = [1, 1, 1]} : vector<8x8x512xi16> to vector<1x8x512xi16>
    %squeeze3A_736 = vector.shape_cast %slice3A_735 : vector<1x8x512xi16> to vector<8x512xi16>
    %slice3A_737 = vector.extract_strided_slice %reshape3A_734 {offsets = [1, 0, 0], sizes = [1, 8, 512], strides = [1, 1, 1]} : vector<8x8x512xi16> to vector<1x8x512xi16>
    %squeeze3A_738 = vector.shape_cast %slice3A_737 : vector<1x8x512xi16> to vector<8x512xi16>
    %add3A_739 = arith.addi %squeeze3A_736, %squeeze3A_738 : vector<8x512xi16>
    %slice3A_740 = vector.extract_strided_slice %reshape3A_734 {offsets = [2, 0, 0], sizes = [1, 8, 512], strides = [1, 1, 1]} : vector<8x8x512xi16> to vector<1x8x512xi16>
    %squeeze3A_741 = vector.shape_cast %slice3A_740 : vector<1x8x512xi16> to vector<8x512xi16>
    %add3A_742 = arith.addi %add3A_739, %squeeze3A_741 : vector<8x512xi16>
    %slice3A_743 = vector.extract_strided_slice %reshape3A_734 {offsets = [3, 0, 0], sizes = [1, 8, 512], strides = [1, 1, 1]} : vector<8x8x512xi16> to vector<1x8x512xi16>
    %squeeze3A_744 = vector.shape_cast %slice3A_743 : vector<1x8x512xi16> to vector<8x512xi16>
    %add3A_745 = arith.addi %add3A_742, %squeeze3A_744 : vector<8x512xi16>
    %slice3A_746 = vector.extract_strided_slice %reshape3A_734 {offsets = [4, 0, 0], sizes = [1, 8, 512], strides = [1, 1, 1]} : vector<8x8x512xi16> to vector<1x8x512xi16>
    %squeeze3A_747 = vector.shape_cast %slice3A_746 : vector<1x8x512xi16> to vector<8x512xi16>
    %add3A_748 = arith.addi %add3A_745, %squeeze3A_747 : vector<8x512xi16>
    %slice3A_749 = vector.extract_strided_slice %reshape3A_734 {offsets = [5, 0, 0], sizes = [1, 8, 512], strides = [1, 1, 1]} : vector<8x8x512xi16> to vector<1x8x512xi16>
    %squeeze3A_750 = vector.shape_cast %slice3A_749 : vector<1x8x512xi16> to vector<8x512xi16>
    %add3A_751 = arith.addi %add3A_748, %squeeze3A_750 : vector<8x512xi16>
    %slice3A_752 = vector.extract_strided_slice %reshape3A_734 {offsets = [6, 0, 0], sizes = [1, 8, 512], strides = [1, 1, 1]} : vector<8x8x512xi16> to vector<1x8x512xi16>
    %squeeze3A_753 = vector.shape_cast %slice3A_752 : vector<1x8x512xi16> to vector<8x512xi16>
    %add3A_754 = arith.addi %add3A_751, %squeeze3A_753 : vector<8x512xi16>
    %slice3A_755 = vector.extract_strided_slice %reshape3A_734 {offsets = [7, 0, 0], sizes = [1, 8, 512], strides = [1, 1, 1]} : vector<8x8x512xi16> to vector<1x8x512xi16>
    %squeeze3A_756 = vector.shape_cast %slice3A_755 : vector<1x8x512xi16> to vector<8x512xi16>
    %add3A_757 = arith.addi %add3A_754, %squeeze3A_756 : vector<8x512xi16>
    %add3A_758 = arith.addi %get3A_732, %add3A_757 : vector<8x512xi16>
    %swap3A_759 = arith.constant 5 : index
    %swap3A_760 = arith.constant 0 : index
    %swap3A_761 = arith.constant 0 : index
    %swap3A_762 = vector.load %arg5[%swap3A_759, %swap3A_760, %swap3A_761] : memref<19x8x512xi16, #tpu.memory_space<vmem>>, vector<1x8x512xi16>
    %swap3A_763 = vector.shape_cast %swap3A_762 : vector<1x8x512xi16> to vector<8x512xi16>
    %swap3A_764 = vector.shape_cast %add3A_758 : vector<8x512xi16> to vector<1x8x512xi16>
    tpu.vector_store %arg5[%swap3A_759, %swap3A_760, %swap3A_761], %swap3A_764 {strides = array<i32>} : memref<19x8x512xi16, #tpu.memory_space<vmem>>, vector<1x8x512xi16>,
    %get3A_765 = arith.constant 5 : index
    %get3A_766 = arith.constant 0 : index
    %get3A_767 = arith.constant 0 : index
    %get3A_768 = vector.load %arg4[%get3A_765, %get3A_766, %get3A_767] : memref<19x8x512xf32, #tpu.memory_space<vmem>>, vector<1x8x512xf32>
    %get3A_769 = vector.shape_cast %get3A_768 : vector<1x8x512xf32> to vector<8x512xf32>
    %eq3A_770 = arith.constant 5 : i32
    %eq3A_771 = vector.broadcast %eq3A_770 : i32 to vector<64x512xi32>
    %eq3A_772 = arith.cmpi eq, %get3A_5, %eq3A_771 : vector<64x512xi32>
    %get3A_773 = arith.constant 0 : index
    %get3A_774 = arith.constant 5 : index
    %get3A_775 = arith.constant 0 : index
    %get3A_776 = arith.constant 0 : index
    %get3A_777 = vector.load %arg1[%get3A_773, %get3A_774, %get3A_775, %get3A_776] : memref<1x19x64x512xf32, #tpu.memory_space<vmem>>, vector<1x1x64x512xf32>
    %get3A_778 = vector.shape_cast %get3A_777 : vector<1x1x64x512xf32> to vector<64x512xf32>
    %sub3A_779 = arith.subf %add3A_382, %get3A_778 : vector<64x512xf32>
    %jit3A_780 = arith.constant 0.000000e+00 : f32
    %broadcast_in_dim3A_781 = vector.broadcast %jit3A_780 : f32 to vector<64x512xf32>
    %select_n3A_782 = arith.select %eq3A_772, %sub3A_779, %broadcast_in_dim3A_781 : vector<64x512xi1>, vector<64x512xf32>
    %reshape3A_783 = vector.shape_cast %select_n3A_782 : vector<64x512xf32> to vector<8x8x512xf32>
    %reduce_sum3A_784 = arith.constant dense<0.000000e+00> : vector<8x512xf32>
    %reduce_sum3A_785 = vector.multi_reduction <add>, %reshape3A_783, %reduce_sum3A_784 [0] : vector<8x8x512xf32> to vector<8x512xf32>
    %add3A_786 = arith.addf %get3A_769, %reduce_sum3A_785 : vector<8x512xf32>
    %swap3A_787 = arith.constant 5 : index
    %swap3A_788 = arith.constant 0 : index
    %swap3A_789 = arith.constant 0 : index
    %swap3A_790 = vector.load %arg4[%swap3A_787, %swap3A_788, %swap3A_789] : memref<19x8x512xf32, #tpu.memory_space<vmem>>, vector<1x8x512xf32>
    %swap3A_791 = vector.shape_cast %swap3A_790 : vector<1x8x512xf32> to vector<8x512xf32>
    %swap3A_792 = vector.shape_cast %add3A_786 : vector<8x512xf32> to vector<1x8x512xf32>
    tpu.vector_store %arg4[%swap3A_787, %swap3A_788, %swap3A_789], %swap3A_792 {strides = array<i32>} : memref<19x8x512xf32, #tpu.memory_space<vmem>>, vector<1x8x512xf32>,
    %eq3A_793 = arith.constant 6 : i16
    %eq3A_794 = vector.broadcast %eq3A_793 : i16 to vector<64x512xi16>
    %eq3A_795 = arith.cmpi eq, %convert_element_type3A_383, %eq3A_794 : vector<64x512xi16>
    %convert_element_type3A_796 = arith.extui %eq3A_795 : vector<64x512xi1> to vector<64x512xi16>
    %get3A_797 = arith.constant 6 : index
    %get3A_798 = arith.constant 0 : index
    %get3A_799 = arith.constant 0 : index
    %get3A_800 = vector.load %arg5[%get3A_797, %get3A_798, %get3A_799] : memref<19x8x512xi16, #tpu.memory_space<vmem>>, vector<1x8x512xi16>
    %get3A_801 = vector.shape_cast %get3A_800 : vector<1x8x512xi16> to vector<8x512xi16>
    %mul3A_802 = arith.muli %convert_element_type3A_796, %convert_element_type3A_384 : vector<64x512xi16>
    %reshape3A_803 = vector.shape_cast %mul3A_802 : vector<64x512xi16> to vector<8x8x512xi16>
    %slice3A_804 = vector.extract_strided_slice %reshape3A_803 {offsets = [0, 0, 0], sizes = [1, 8, 512], strides = [1, 1, 1]} : vector<8x8x512xi16> to vector<1x8x512xi16>
    %squeeze3A_805 = vector.shape_cast %slice3A_804 : vector<1x8x512xi16> to vector<8x512xi16>
    %slice3A_806 = vector.extract_strided_slice %reshape3A_803 {offsets = [1, 0, 0], sizes = [1, 8, 512], strides = [1, 1, 1]} : vector<8x8x512xi16> to vector<1x8x512xi16>
    %squeeze3A_807 = vector.shape_cast %slice3A_806 : vector<1x8x512xi16> to vector<8x512xi16>
    %add3A_808 = arith.addi %squeeze3A_805, %squeeze3A_807 : vector<8x512xi16>
    %slice3A_809 = vector.extract_strided_slice %reshape3A_803 {offsets = [2, 0, 0], sizes = [1, 8, 512], strides = [1, 1, 1]} : vector<8x8x512xi16> to vector<1x8x512xi16>
    %squeeze3A_810 = vector.shape_cast %slice3A_809 : vector<1x8x512xi16> to vector<8x512xi16>
    %add3A_811 = arith.addi %add3A_808, %squeeze3A_810 : vector<8x512xi16>
    %slice3A_812 = vector.extract_strided_slice %reshape3A_803 {offsets = [3, 0, 0], sizes = [1, 8, 512], strides = [1, 1, 1]} : vector<8x8x512xi16> to vector<1x8x512xi16>
    %squeeze3A_813 = vector.shape_cast %slice3A_812 : vector<1x8x512xi16> to vector<8x512xi16>
    %add3A_814 = arith.addi %add3A_811, %squeeze3A_813 : vector<8x512xi16>
    %slice3A_815 = vector.extract_strided_slice %reshape3A_803 {offsets = [4, 0, 0], sizes = [1, 8, 512], strides = [1, 1, 1]} : vector<8x8x512xi16> to vector<1x8x512xi16>
    %squeeze3A_816 = vector.shape_cast %slice3A_815 : vector<1x8x512xi16> to vector<8x512xi16>
    %add3A_817 = arith.addi %add3A_814, %squeeze3A_816 : vector<8x512xi16>
    %slice3A_818 = vector.extract_strided_slice %reshape3A_803 {offsets = [5, 0, 0], sizes = [1, 8, 512], strides = [1, 1, 1]} : vector<8x8x512xi16> to vector<1x8x512xi16>
    %squeeze3A_819 = vector.shape_cast %slice3A_818 : vector<1x8x512xi16> to vector<8x512xi16>
    %add3A_820 = arith.addi %add3A_817, %squeeze3A_819 : vector<8x512xi16>
    %slice3A_821 = vector.extract_strided_slice %reshape3A_803 {offsets = [6, 0, 0], sizes = [1, 8, 512], strides = [1, 1, 1]} : vector<8x8x512xi16> to vector<1x8x512xi16>
    %squeeze3A_822 = vector.shape_cast %slice3A_821 : vector<1x8x512xi16> to vector<8x512xi16>
    %add3A_823 = arith.addi %add3A_820, %squeeze3A_822 : vector<8x512xi16>
    %slice3A_824 = vector.extract_strided_slice %reshape3A_803 {offsets = [7, 0, 0], sizes = [1, 8, 512], strides = [1, 1, 1]} : vector<8x8x512xi16> to vector<1x8x512xi16>
    %squeeze3A_825 = vector.shape_cast %slice3A_824 : vector<1x8x512xi16> to vector<8x512xi16>
    %add3A_826 = arith.addi %add3A_823, %squeeze3A_825 : vector<8x512xi16>
    %add3A_827 = arith.addi %get3A_801, %add3A_826 : vector<8x512xi16>
    %swap3A_828 = arith.constant 6 : index
    %swap3A_829 = arith.constant 0 : index
    %swap3A_830 = arith.constant 0 : index
    %swap3A_831 = vector.load %arg5[%swap3A_828, %swap3A_829, %swap3A_830] : memref<19x8x512xi16, #tpu.memory_space<vmem>>, vector<1x8x512xi16>
    %swap3A_832 = vector.shape_cast %swap3A_831 : vector<1x8x512xi16> to vector<8x512xi16>
    %swap3A_833 = vector.shape_cast %add3A_827 : vector<8x512xi16> to vector<1x8x512xi16>
    tpu.vector_store %arg5[%swap3A_828, %swap3A_829, %swap3A_830], %swap3A_833 {strides = array<i32>} : memref<19x8x512xi16, #tpu.memory_space<vmem>>, vector<1x8x512xi16>,
    %get3A_834 = arith.constant 6 : index
    %get3A_835 = arith.constant 0 : index
    %get3A_836 = arith.constant 0 : index
    %get3A_837 = vector.load %arg4[%get3A_834, %get3A_835, %get3A_836] : memref<19x8x512xf32, #tpu.memory_space<vmem>>, vector<1x8x512xf32>
    %get3A_838 = vector.shape_cast %get3A_837 : vector<1x8x512xf32> to vector<8x512xf32>
    %eq3A_839 = arith.constant 6 : i32
    %eq3A_840 = vector.broadcast %eq3A_839 : i32 to vector<64x512xi32>
    %eq3A_841 = arith.cmpi eq, %get3A_5, %eq3A_840 : vector<64x512xi32>
    %get3A_842 = arith.constant 0 : index
    %get3A_843 = arith.constant 6 : index
    %get3A_844 = arith.constant 0 : index
    %get3A_845 = arith.constant 0 : index
    %get3A_846 = vector.load %arg1[%get3A_842, %get3A_843, %get3A_844, %get3A_845] : memref<1x19x64x512xf32, #tpu.memory_space<vmem>>, vector<1x1x64x512xf32>
    %get3A_847 = vector.shape_cast %get3A_846 : vector<1x1x64x512xf32> to vector<64x512xf32>
    %sub3A_848 = arith.subf %add3A_382, %get3A_847 : vector<64x512xf32>
    %jit3A_849 = arith.constant 0.000000e+00 : f32
    %broadcast_in_dim3A_850 = vector.broadcast %jit3A_849 : f32 to vector<64x512xf32>
    %select_n3A_851 = arith.select %eq3A_841, %sub3A_848, %broadcast_in_dim3A_850 : vector<64x512xi1>, vector<64x512xf32>
    %reshape3A_852 = vector.shape_cast %select_n3A_851 : vector<64x512xf32> to vector<8x8x512xf32>
    %reduce_sum3A_853 = arith.constant dense<0.000000e+00> : vector<8x512xf32>
    %reduce_sum3A_854 = vector.multi_reduction <add>, %reshape3A_852, %reduce_sum3A_853 [0] : vector<8x8x512xf32> to vector<8x512xf32>
    %add3A_855 = arith.addf %get3A_838, %reduce_sum3A_854 : vector<8x512xf32>
    %swap3A_856 = arith.constant 6 : index
    %swap3A_857 = arith.constant 0 : index
    %swap3A_858 = arith.constant 0 : index
    %swap3A_859 = vector.load %arg4[%swap3A_856, %swap3A_857, %swap3A_858] : memref<19x8x512xf32, #tpu.memory_space<vmem>>, vector<1x8x512xf32>
    %swap3A_860 = vector.shape_cast %swap3A_859 : vector<1x8x512xf32> to vector<8x512xf32>
    %swap3A_861 = vector.shape_cast %add3A_855 : vector<8x512xf32> to vector<1x8x512xf32>
    tpu.vector_store %arg4[%swap3A_856, %swap3A_857, %swap3A_858], %swap3A_861 {strides = array<i32>} : memref<19x8x512xf32, #tpu.memory_space<vmem>>, vector<1x8x512xf32>,
    %eq3A_862 = arith.constant 7 : i16
    %eq3A_863 = vector.broadcast %eq3A_862 : i16 to vector<64x512xi16>
    %eq3A_864 = arith.cmpi eq, %convert_element_type3A_383, %eq3A_863 : vector<64x512xi16>
    %convert_element_type3A_865 = arith.extui %eq3A_864 : vector<64x512xi1> to vector<64x512xi16>
    %get3A_866 = arith.constant 7 : index
    %get3A_867 = arith.constant 0 : index
    %get3A_868 = arith.constant 0 : index
    %get3A_869 = vector.load %arg5[%get3A_866, %get3A_867, %get3A_868] : memref<19x8x512xi16, #tpu.memory_space<vmem>>, vector<1x8x512xi16>
    %get3A_870 = vector.shape_cast %get3A_869 : vector<1x8x512xi16> to vector<8x512xi16>
    %mul3A_871 = arith.muli %convert_element_type3A_865, %convert_element_type3A_384 : vector<64x512xi16>
    %reshape3A_872 = vector.shape_cast %mul3A_871 : vector<64x512xi16> to vector<8x8x512xi16>
    %slice3A_873 = vector.extract_strided_slice %reshape3A_872 {offsets = [0, 0, 0], sizes = [1, 8, 512], strides = [1, 1, 1]} : vector<8x8x512xi16> to vector<1x8x512xi16>
    %squeeze3A_874 = vector.shape_cast %slice3A_873 : vector<1x8x512xi16> to vector<8x512xi16>
    %slice3A_875 = vector.extract_strided_slice %reshape3A_872 {offsets = [1, 0, 0], sizes = [1, 8, 512], strides = [1, 1, 1]} : vector<8x8x512xi16> to vector<1x8x512xi16>
    %squeeze3A_876 = vector.shape_cast %slice3A_875 : vector<1x8x512xi16> to vector<8x512xi16>
    %add3A_877 = arith.addi %squeeze3A_874, %squeeze3A_876 : vector<8x512xi16>
    %slice3A_878 = vector.extract_strided_slice %reshape3A_872 {offsets = [2, 0, 0], sizes = [1, 8, 512], strides = [1, 1, 1]} : vector<8x8x512xi16> to vector<1x8x512xi16>
    %squeeze3A_879 = vector.shape_cast %slice3A_878 : vector<1x8x512xi16> to vector<8x512xi16>
    %add3A_880 = arith.addi %add3A_877, %squeeze3A_879 : vector<8x512xi16>
    %slice3A_881 = vector.extract_strided_slice %reshape3A_872 {offsets = [3, 0, 0], sizes = [1, 8, 512], strides = [1, 1, 1]} : vector<8x8x512xi16> to vector<1x8x512xi16>
    %squeeze3A_882 = vector.shape_cast %slice3A_881 : vector<1x8x512xi16> to vector<8x512xi16>
    %add3A_883 = arith.addi %add3A_880, %squeeze3A_882 : vector<8x512xi16>
    %slice3A_884 = vector.extract_strided_slice %reshape3A_872 {offsets = [4, 0, 0], sizes = [1, 8, 512], strides = [1, 1, 1]} : vector<8x8x512xi16> to vector<1x8x512xi16>
    %squeeze3A_885 = vector.shape_cast %slice3A_884 : vector<1x8x512xi16> to vector<8x512xi16>
    %add3A_886 = arith.addi %add3A_883, %squeeze3A_885 : vector<8x512xi16>
    %slice3A_887 = vector.extract_strided_slice %reshape3A_872 {offsets = [5, 0, 0], sizes = [1, 8, 512], strides = [1, 1, 1]} : vector<8x8x512xi16> to vector<1x8x512xi16>
    %squeeze3A_888 = vector.shape_cast %slice3A_887 : vector<1x8x512xi16> to vector<8x512xi16>
    %add3A_889 = arith.addi %add3A_886, %squeeze3A_888 : vector<8x512xi16>
    %slice3A_890 = vector.extract_strided_slice %reshape3A_872 {offsets = [6, 0, 0], sizes = [1, 8, 512], strides = [1, 1, 1]} : vector<8x8x512xi16> to vector<1x8x512xi16>
    %squeeze3A_891 = vector.shape_cast %slice3A_890 : vector<1x8x512xi16> to vector<8x512xi16>
    %add3A_892 = arith.addi %add3A_889, %squeeze3A_891 : vector<8x512xi16>
    %slice3A_893 = vector.extract_strided_slice %reshape3A_872 {offsets = [7, 0, 0], sizes = [1, 8, 512], strides = [1, 1, 1]} : vector<8x8x512xi16> to vector<1x8x512xi16>
    %squeeze3A_894 = vector.shape_cast %slice3A_893 : vector<1x8x512xi16> to vector<8x512xi16>
    %add3A_895 = arith.addi %add3A_892, %squeeze3A_894 : vector<8x512xi16>
    %add3A_896 = arith.addi %get3A_870, %add3A_895 : vector<8x512xi16>
    %swap3A_897 = arith.constant 7 : index
    %swap3A_898 = arith.constant 0 : index
    %swap3A_899 = arith.constant 0 : index
    %swap3A_900 = vector.load %arg5[%swap3A_897, %swap3A_898, %swap3A_899] : memref<19x8x512xi16, #tpu.memory_space<vmem>>, vector<1x8x512xi16>
    %swap3A_901 = vector.shape_cast %swap3A_900 : vector<1x8x512xi16> to vector<8x512xi16>
    %swap3A_902 = vector.shape_cast %add3A_896 : vector<8x512xi16> to vector<1x8x512xi16>
    tpu.vector_store %arg5[%swap3A_897, %swap3A_898, %swap3A_899], %swap3A_902 {strides = array<i32>} : memref<19x8x512xi16, #tpu.memory_space<vmem>>, vector<1x8x512xi16>,
    %get3A_903 = arith.constant 7 : index
    %get3A_904 = arith.constant 0 : index
    %get3A_905 = arith.constant 0 : index
    %get3A_906 = vector.load %arg4[%get3A_903, %get3A_904, %get3A_905] : memref<19x8x512xf32, #tpu.memory_space<vmem>>, vector<1x8x512xf32>
    %get3A_907 = vector.shape_cast %get3A_906 : vector<1x8x512xf32> to vector<8x512xf32>
    %eq3A_908 = arith.constant 7 : i32
    %eq3A_909 = vector.broadcast %eq3A_908 : i32 to vector<64x512xi32>
    %eq3A_910 = arith.cmpi eq, %get3A_5, %eq3A_909 : vector<64x512xi32>
    %get3A_911 = arith.constant 0 : index
    %get3A_912 = arith.constant 7 : index
    %get3A_913 = arith.constant 0 : index
    %get3A_914 = arith.constant 0 : index
    %get3A_915 = vector.load %arg1[%get3A_911, %get3A_912, %get3A_913, %get3A_914] : memref<1x19x64x512xf32, #tpu.memory_space<vmem>>, vector<1x1x64x512xf32>
    %get3A_916 = vector.shape_cast %get3A_915 : vector<1x1x64x512xf32> to vector<64x512xf32>
    %sub3A_917 = arith.subf %add3A_382, %get3A_916 : vector<64x512xf32>
    %jit3A_918 = arith.constant 0.000000e+00 : f32
    %broadcast_in_dim3A_919 = vector.broadcast %jit3A_918 : f32 to vector<64x512xf32>
    %select_n3A_920 = arith.select %eq3A_910, %sub3A_917, %broadcast_in_dim3A_919 : vector<64x512xi1>, vector<64x512xf32>
    %reshape3A_921 = vector.shape_cast %select_n3A_920 : vector<64x512xf32> to vector<8x8x512xf32>
    %reduce_sum3A_922 = arith.constant dense<0.000000e+00> : vector<8x512xf32>
    %reduce_sum3A_923 = vector.multi_reduction <add>, %reshape3A_921, %reduce_sum3A_922 [0] : vector<8x8x512xf32> to vector<8x512xf32>
    %add3A_924 = arith.addf %get3A_907, %reduce_sum3A_923 : vector<8x512xf32>
    %swap3A_925 = arith.constant 7 : index
    %swap3A_926 = arith.constant 0 : index
    %swap3A_927 = arith.constant 0 : index
    %swap3A_928 = vector.load %arg4[%swap3A_925, %swap3A_926, %swap3A_927] : memref<19x8x512xf32, #tpu.memory_space<vmem>>, vector<1x8x512xf32>
    %swap3A_929 = vector.shape_cast %swap3A_928 : vector<1x8x512xf32> to vector<8x512xf32>
    %swap3A_930 = vector.shape_cast %add3A_924 : vector<8x512xf32> to vector<1x8x512xf32>
    tpu.vector_store %arg4[%swap3A_925, %swap3A_926, %swap3A_927], %swap3A_930 {strides = array<i32>} : memref<19x8x512xf32, #tpu.memory_space<vmem>>, vector<1x8x512xf32>,
    %eq3A_931 = arith.constant 8 : i16
    %eq3A_932 = vector.broadcast %eq3A_931 : i16 to vector<64x512xi16>
    %eq3A_933 = arith.cmpi eq, %convert_element_type3A_383, %eq3A_932 : vector<64x512xi16>
    %convert_element_type3A_934 = arith.extui %eq3A_933 : vector<64x512xi1> to vector<64x512xi16>
    %get3A_935 = arith.constant 8 : index
    %get3A_936 = arith.constant 0 : index
    %get3A_937 = arith.constant 0 : index
    %get3A_938 = vector.load %arg5[%get3A_935, %get3A_936, %get3A_937] : memref<19x8x512xi16, #tpu.memory_space<vmem>>, vector<1x8x512xi16>
    %get3A_939 = vector.shape_cast %get3A_938 : vector<1x8x512xi16> to vector<8x512xi16>
    %mul3A_940 = arith.muli %convert_element_type3A_934, %convert_element_type3A_384 : vector<64x512xi16>
    %reshape3A_941 = vector.shape_cast %mul3A_940 : vector<64x512xi16> to vector<8x8x512xi16>
    %slice3A_942 = vector.extract_strided_slice %reshape3A_941 {offsets = [0, 0, 0], sizes = [1, 8, 512], strides = [1, 1, 1]} : vector<8x8x512xi16> to vector<1x8x512xi16>
    %squeeze3A_943 = vector.shape_cast %slice3A_942 : vector<1x8x512xi16> to vector<8x512xi16>
    %slice3A_944 = vector.extract_strided_slice %reshape3A_941 {offsets = [1, 0, 0], sizes = [1, 8, 512], strides = [1, 1, 1]} : vector<8x8x512xi16> to vector<1x8x512xi16>
    %squeeze3A_945 = vector.shape_cast %slice3A_944 : vector<1x8x512xi16> to vector<8x512xi16>
    %add3A_946 = arith.addi %squeeze3A_943, %squeeze3A_945 : vector<8x512xi16>
    %slice3A_947 = vector.extract_strided_slice %reshape3A_941 {offsets = [2, 0, 0], sizes = [1, 8, 512], strides = [1, 1, 1]} : vector<8x8x512xi16> to vector<1x8x512xi16>
    %squeeze3A_948 = vector.shape_cast %slice3A_947 : vector<1x8x512xi16> to vector<8x512xi16>
    %add3A_949 = arith.addi %add3A_946, %squeeze3A_948 : vector<8x512xi16>
    %slice3A_950 = vector.extract_strided_slice %reshape3A_941 {offsets = [3, 0, 0], sizes = [1, 8, 512], strides = [1, 1, 1]} : vector<8x8x512xi16> to vector<1x8x512xi16>
    %squeeze3A_951 = vector.shape_cast %slice3A_950 : vector<1x8x512xi16> to vector<8x512xi16>
    %add3A_952 = arith.addi %add3A_949, %squeeze3A_951 : vector<8x512xi16>
    %slice3A_953 = vector.extract_strided_slice %reshape3A_941 {offsets = [4, 0, 0], sizes = [1, 8, 512], strides = [1, 1, 1]} : vector<8x8x512xi16> to vector<1x8x512xi16>
    %squeeze3A_954 = vector.shape_cast %slice3A_953 : vector<1x8x512xi16> to vector<8x512xi16>
    %add3A_955 = arith.addi %add3A_952, %squeeze3A_954 : vector<8x512xi16>
    %slice3A_956 = vector.extract_strided_slice %reshape3A_941 {offsets = [5, 0, 0], sizes = [1, 8, 512], strides = [1, 1, 1]} : vector<8x8x512xi16> to vector<1x8x512xi16>
    %squeeze3A_957 = vector.shape_cast %slice3A_956 : vector<1x8x512xi16> to vector<8x512xi16>
    %add3A_958 = arith.addi %add3A_955, %squeeze3A_957 : vector<8x512xi16>
    %slice3A_959 = vector.extract_strided_slice %reshape3A_941 {offsets = [6, 0, 0], sizes = [1, 8, 512], strides = [1, 1, 1]} : vector<8x8x512xi16> to vector<1x8x512xi16>
    %squeeze3A_960 = vector.shape_cast %slice3A_959 : vector<1x8x512xi16> to vector<8x512xi16>
    %add3A_961 = arith.addi %add3A_958, %squeeze3A_960 : vector<8x512xi16>
    %slice3A_962 = vector.extract_strided_slice %reshape3A_941 {offsets = [7, 0, 0], sizes = [1, 8, 512], strides = [1, 1, 1]} : vector<8x8x512xi16> to vector<1x8x512xi16>
    %squeeze3A_963 = vector.shape_cast %slice3A_962 : vector<1x8x512xi16> to vector<8x512xi16>
    %add3A_964 = arith.addi %add3A_961, %squeeze3A_963 : vector<8x512xi16>
    %add3A_965 = arith.addi %get3A_939, %add3A_964 : vector<8x512xi16>
    %swap3A_966 = arith.constant 8 : index
    %swap3A_967 = arith.constant 0 : index
    %swap3A_968 = arith.constant 0 : index
    %swap3A_969 = vector.load %arg5[%swap3A_966, %swap3A_967, %swap3A_968] : memref<19x8x512xi16, #tpu.memory_space<vmem>>, vector<1x8x512xi16>
    %swap3A_970 = vector.shape_cast %swap3A_969 : vector<1x8x512xi16> to vector<8x512xi16>
    %swap3A_971 = vector.shape_cast %add3A_965 : vector<8x512xi16> to vector<1x8x512xi16>
    tpu.vector_store %arg5[%swap3A_966, %swap3A_967, %swap3A_968], %swap3A_971 {strides = array<i32>} : memref<19x8x512xi16, #tpu.memory_space<vmem>>, vector<1x8x512xi16>,
    %get3A_972 = arith.constant 8 : index
    %get3A_973 = arith.constant 0 : index
    %get3A_974 = arith.constant 0 : index
    %get3A_975 = vector.load %arg4[%get3A_972, %get3A_973, %get3A_974] : memref<19x8x512xf32, #tpu.memory_space<vmem>>, vector<1x8x512xf32>
    %get3A_976 = vector.shape_cast %get3A_975 : vector<1x8x512xf32> to vector<8x512xf32>
    %eq3A_977 = arith.constant 8 : i32
    %eq3A_978 = vector.broadcast %eq3A_977 : i32 to vector<64x512xi32>
    %eq3A_979 = arith.cmpi eq, %get3A_5, %eq3A_978 : vector<64x512xi32>
    %get3A_980 = arith.constant 0 : index
    %get3A_981 = arith.constant 8 : index
    %get3A_982 = arith.constant 0 : index
    %get3A_983 = arith.constant 0 : index
    %get3A_984 = vector.load %arg1[%get3A_980, %get3A_981, %get3A_982, %get3A_983] : memref<1x19x64x512xf32, #tpu.memory_space<vmem>>, vector<1x1x64x512xf32>
    %get3A_985 = vector.shape_cast %get3A_984 : vector<1x1x64x512xf32> to vector<64x512xf32>
    %sub3A_986 = arith.subf %add3A_382, %get3A_985 : vector<64x512xf32>
    %jit3A_987 = arith.constant 0.000000e+00 : f32
    %broadcast_in_dim3A_988 = vector.broadcast %jit3A_987 : f32 to vector<64x512xf32>
    %select_n3A_989 = arith.select %eq3A_979, %sub3A_986, %broadcast_in_dim3A_988 : vector<64x512xi1>, vector<64x512xf32>
    %reshape3A_990 = vector.shape_cast %select_n3A_989 : vector<64x512xf32> to vector<8x8x512xf32>
    %reduce_sum3A_991 = arith.constant dense<0.000000e+00> : vector<8x512xf32>
    %reduce_sum3A_992 = vector.multi_reduction <add>, %reshape3A_990, %reduce_sum3A_991 [0] : vector<8x8x512xf32> to vector<8x512xf32>
    %add3A_993 = arith.addf %get3A_976, %reduce_sum3A_992 : vector<8x512xf32>
    %swap3A_994 = arith.constant 8 : index
    %swap3A_995 = arith.constant 0 : index
    %swap3A_996 = arith.constant 0 : index
    %swap3A_997 = vector.load %arg4[%swap3A_994, %swap3A_995, %swap3A_996] : memref<19x8x512xf32, #tpu.memory_space<vmem>>, vector<1x8x512xf32>
    %swap3A_998 = vector.shape_cast %swap3A_997 : vector<1x8x512xf32> to vector<8x512xf32>
    %swap3A_999 = vector.shape_cast %add3A_993 : vector<8x512xf32> to vector<1x8x512xf32>
    tpu.vector_store %arg4[%swap3A_994, %swap3A_995, %swap3A_996], %swap3A_999 {strides = array<i32>} : memref<19x8x512xf32, #tpu.memory_space<vmem>>, vector<1x8x512xf32>,
    %eq3A_1000 = arith.constant 9 : i16
    %eq3A_1001 = vector.broadcast %eq3A_1000 : i16 to vector<64x512xi16>
    %eq3A_1002 = arith.cmpi eq, %convert_element_type3A_383, %eq3A_1001 : vector<64x512xi16>
    %convert_element_type3A_1003 = arith.extui %eq3A_1002 : vector<64x512xi1> to vector<64x512xi16>
    %get3A_1004 = arith.constant 9 : index
    %get3A_1005 = arith.constant 0 : index
    %get3A_1006 = arith.constant 0 : index
    %get3A_1007 = vector.load %arg5[%get3A_1004, %get3A_1005, %get3A_1006] : memref<19x8x512xi16, #tpu.memory_space<vmem>>, vector<1x8x512xi16>
    %get3A_1008 = vector.shape_cast %get3A_1007 : vector<1x8x512xi16> to vector<8x512xi16>
    %mul3A_1009 = arith.muli %convert_element_type3A_1003, %convert_element_type3A_384 : vector<64x512xi16>
    %reshape3A_1010 = vector.shape_cast %mul3A_1009 : vector<64x512xi16> to vector<8x8x512xi16>
    %slice3A_1011 = vector.extract_strided_slice %reshape3A_1010 {offsets = [0, 0, 0], sizes = [1, 8, 512], strides = [1, 1, 1]} : vector<8x8x512xi16> to vector<1x8x512xi16>
    %squeeze3A_1012 = vector.shape_cast %slice3A_1011 : vector<1x8x512xi16> to vector<8x512xi16>
    %slice3A_1013 = vector.extract_strided_slice %reshape3A_1010 {offsets = [1, 0, 0], sizes = [1, 8, 512], strides = [1, 1, 1]} : vector<8x8x512xi16> to vector<1x8x512xi16>
    %squeeze3A_1014 = vector.shape_cast %slice3A_1013 : vector<1x8x512xi16> to vector<8x512xi16>
    %add3A_1015 = arith.addi %squeeze3A_1012, %squeeze3A_1014 : vector<8x512xi16>
    %slice3A_1016 = vector.extract_strided_slice %reshape3A_1010 {offsets = [2, 0, 0], sizes = [1, 8, 512], strides = [1, 1, 1]} : vector<8x8x512xi16> to vector<1x8x512xi16>
    %squeeze3A_1017 = vector.shape_cast %slice3A_1016 : vector<1x8x512xi16> to vector<8x512xi16>
    %add3A_1018 = arith.addi %add3A_1015, %squeeze3A_1017 : vector<8x512xi16>
    %slice3A_1019 = vector.extract_strided_slice %reshape3A_1010 {offsets = [3, 0, 0], sizes = [1, 8, 512], strides = [1, 1, 1]} : vector<8x8x512xi16> to vector<1x8x512xi16>
    %squeeze3A_1020 = vector.shape_cast %slice3A_1019 : vector<1x8x512xi16> to vector<8x512xi16>
    %add3A_1021 = arith.addi %add3A_1018, %squeeze3A_1020 : vector<8x512xi16>
    %slice3A_1022 = vector.extract_strided_slice %reshape3A_1010 {offsets = [4, 0, 0], sizes = [1, 8, 512], strides = [1, 1, 1]} : vector<8x8x512xi16> to vector<1x8x512xi16>
    %squeeze3A_1023 = vector.shape_cast %slice3A_1022 : vector<1x8x512xi16> to vector<8x512xi16>
    %add3A_1024 = arith.addi %add3A_1021, %squeeze3A_1023 : vector<8x512xi16>
    %slice3A_1025 = vector.extract_strided_slice %reshape3A_1010 {offsets = [5, 0, 0], sizes = [1, 8, 512], strides = [1, 1, 1]} : vector<8x8x512xi16> to vector<1x8x512xi16>
    %squeeze3A_1026 = vector.shape_cast %slice3A_1025 : vector<1x8x512xi16> to vector<8x512xi16>
    %add3A_1027 = arith.addi %add3A_1024, %squeeze3A_1026 : vector<8x512xi16>
    %slice3A_1028 = vector.extract_strided_slice %reshape3A_1010 {offsets = [6, 0, 0], sizes = [1, 8, 512], strides = [1, 1, 1]} : vector<8x8x512xi16> to vector<1x8x512xi16>
    %squeeze3A_1029 = vector.shape_cast %slice3A_1028 : vector<1x8x512xi16> to vector<8x512xi16>
    %add3A_1030 = arith.addi %add3A_1027, %squeeze3A_1029 : vector<8x512xi16>
    %slice3A_1031 = vector.extract_strided_slice %reshape3A_1010 {offsets = [7, 0, 0], sizes = [1, 8, 512], strides = [1, 1, 1]} : vector<8x8x512xi16> to vector<1x8x512xi16>
    %squeeze3A_1032 = vector.shape_cast %slice3A_1031 : vector<1x8x512xi16> to vector<8x512xi16>
    %add3A_1033 = arith.addi %add3A_1030, %squeeze3A_1032 : vector<8x512xi16>
    %add3A_1034 = arith.addi %get3A_1008, %add3A_1033 : vector<8x512xi16>
    %swap3A_1035 = arith.constant 9 : index
    %swap3A_1036 = arith.constant 0 : index
    %swap3A_1037 = arith.constant 0 : index
    %swap3A_1038 = vector.load %arg5[%swap3A_1035, %swap3A_1036, %swap3A_1037] : memref<19x8x512xi16, #tpu.memory_space<vmem>>, vector<1x8x512xi16>
    %swap3A_1039 = vector.shape_cast %swap3A_1038 : vector<1x8x512xi16> to vector<8x512xi16>
    %swap3A_1040 = vector.shape_cast %add3A_1034 : vector<8x512xi16> to vector<1x8x512xi16>
    tpu.vector_store %arg5[%swap3A_1035, %swap3A_1036, %swap3A_1037], %swap3A_1040 {strides = array<i32>} : memref<19x8x512xi16, #tpu.memory_space<vmem>>, vector<1x8x512xi16>,
    %get3A_1041 = arith.constant 9 : index
    %get3A_1042 = arith.constant 0 : index
    %get3A_1043 = arith.constant 0 : index
    %get3A_1044 = vector.load %arg4[%get3A_1041, %get3A_1042, %get3A_1043] : memref<19x8x512xf32, #tpu.memory_space<vmem>>, vector<1x8x512xf32>
    %get3A_1045 = vector.shape_cast %get3A_1044 : vector<1x8x512xf32> to vector<8x512xf32>
    %eq3A_1046 = arith.constant 9 : i32
    %eq3A_1047 = vector.broadcast %eq3A_1046 : i32 to vector<64x512xi32>
    %eq3A_1048 = arith.cmpi eq, %get3A_5, %eq3A_1047 : vector<64x512xi32>
    %get3A_1049 = arith.constant 0 : index
    %get3A_1050 = arith.constant 9 : index
    %get3A_1051 = arith.constant 0 : index
    %get3A_1052 = arith.constant 0 : index
    %get3A_1053 = vector.load %arg1[%get3A_1049, %get3A_1050, %get3A_1051, %get3A_1052] : memref<1x19x64x512xf32, #tpu.memory_space<vmem>>, vector<1x1x64x512xf32>
    %get3A_1054 = vector.shape_cast %get3A_1053 : vector<1x1x64x512xf32> to vector<64x512xf32>
    %sub3A_1055 = arith.subf %add3A_382, %get3A_1054 : vector<64x512xf32>
    %jit3A_1056 = arith.constant 0.000000e+00 : f32
    %broadcast_in_dim3A_1057 = vector.broadcast %jit3A_1056 : f32 to vector<64x512xf32>
    %select_n3A_1058 = arith.select %eq3A_1048, %sub3A_1055, %broadcast_in_dim3A_1057 : vector<64x512xi1>, vector<64x512xf32>
    %reshape3A_1059 = vector.shape_cast %select_n3A_1058 : vector<64x512xf32> to vector<8x8x512xf32>
    %reduce_sum3A_1060 = arith.constant dense<0.000000e+00> : vector<8x512xf32>
    %reduce_sum3A_1061 = vector.multi_reduction <add>, %reshape3A_1059, %reduce_sum3A_1060 [0] : vector<8x8x512xf32> to vector<8x512xf32>
    %add3A_1062 = arith.addf %get3A_1045, %reduce_sum3A_1061 : vector<8x512xf32>
    %swap3A_1063 = arith.constant 9 : index
    %swap3A_1064 = arith.constant 0 : index
    %swap3A_1065 = arith.constant 0 : index
    %swap3A_1066 = vector.load %arg4[%swap3A_1063, %swap3A_1064, %swap3A_1065] : memref<19x8x512xf32, #tpu.memory_space<vmem>>, vector<1x8x512xf32>
    %swap3A_1067 = vector.shape_cast %swap3A_1066 : vector<1x8x512xf32> to vector<8x512xf32>
    %swap3A_1068 = vector.shape_cast %add3A_1062 : vector<8x512xf32> to vector<1x8x512xf32>
    tpu.vector_store %arg4[%swap3A_1063, %swap3A_1064, %swap3A_1065], %swap3A_1068 {strides = array<i32>} : memref<19x8x512xf32, #tpu.memory_space<vmem>>, vector<1x8x512xf32>,
    %eq3A_1069 = arith.constant 10 : i16
    %eq3A_1070 = vector.broadcast %eq3A_1069 : i16 to vector<64x512xi16>
    %eq3A_1071 = arith.cmpi eq, %convert_element_type3A_383, %eq3A_1070 : vector<64x512xi16>
    %convert_element_type3A_1072 = arith.extui %eq3A_1071 : vector<64x512xi1> to vector<64x512xi16>
    %get3A_1073 = arith.constant 10 : index
    %get3A_1074 = arith.constant 0 : index
    %get3A_1075 = arith.constant 0 : index
    %get3A_1076 = vector.load %arg5[%get3A_1073, %get3A_1074, %get3A_1075] : memref<19x8x512xi16, #tpu.memory_space<vmem>>, vector<1x8x512xi16>
    %get3A_1077 = vector.shape_cast %get3A_1076 : vector<1x8x512xi16> to vector<8x512xi16>
    %mul3A_1078 = arith.muli %convert_element_type3A_1072, %convert_element_type3A_384 : vector<64x512xi16>
    %reshape3A_1079 = vector.shape_cast %mul3A_1078 : vector<64x512xi16> to vector<8x8x512xi16>
    %slice3A_1080 = vector.extract_strided_slice %reshape3A_1079 {offsets = [0, 0, 0], sizes = [1, 8, 512], strides = [1, 1, 1]} : vector<8x8x512xi16> to vector<1x8x512xi16>
    %squeeze3A_1081 = vector.shape_cast %slice3A_1080 : vector<1x8x512xi16> to vector<8x512xi16>
    %slice3A_1082 = vector.extract_strided_slice %reshape3A_1079 {offsets = [1, 0, 0], sizes = [1, 8, 512], strides = [1, 1, 1]} : vector<8x8x512xi16> to vector<1x8x512xi16>
    %squeeze3A_1083 = vector.shape_cast %slice3A_1082 : vector<1x8x512xi16> to vector<8x512xi16>
    %add3A_1084 = arith.addi %squeeze3A_1081, %squeeze3A_1083 : vector<8x512xi16>
    %slice3A_1085 = vector.extract_strided_slice %reshape3A_1079 {offsets = [2, 0, 0], sizes = [1, 8, 512], strides = [1, 1, 1]} : vector<8x8x512xi16> to vector<1x8x512xi16>
    %squeeze3A_1086 = vector.shape_cast %slice3A_1085 : vector<1x8x512xi16> to vector<8x512xi16>
    %add3A_1087 = arith.addi %add3A_1084, %squeeze3A_1086 : vector<8x512xi16>
    %slice3A_1088 = vector.extract_strided_slice %reshape3A_1079 {offsets = [3, 0, 0], sizes = [1, 8, 512], strides = [1, 1, 1]} : vector<8x8x512xi16> to vector<1x8x512xi16>
    %squeeze3A_1089 = vector.shape_cast %slice3A_1088 : vector<1x8x512xi16> to vector<8x512xi16>
    %add3A_1090 = arith.addi %add3A_1087, %squeeze3A_1089 : vector<8x512xi16>
    %slice3A_1091 = vector.extract_strided_slice %reshape3A_1079 {offsets = [4, 0, 0], sizes = [1, 8, 512], strides = [1, 1, 1]} : vector<8x8x512xi16> to vector<1x8x512xi16>
    %squeeze3A_1092 = vector.shape_cast %slice3A_1091 : vector<1x8x512xi16> to vector<8x512xi16>
    %add3A_1093 = arith.addi %add3A_1090, %squeeze3A_1092 : vector<8x512xi16>
    %slice3A_1094 = vector.extract_strided_slice %reshape3A_1079 {offsets = [5, 0, 0], sizes = [1, 8, 512], strides = [1, 1, 1]} : vector<8x8x512xi16> to vector<1x8x512xi16>
    %squeeze3A_1095 = vector.shape_cast %slice3A_1094 : vector<1x8x512xi16> to vector<8x512xi16>
    %add3A_1096 = arith.addi %add3A_1093, %squeeze3A_1095 : vector<8x512xi16>
    %slice3A_1097 = vector.extract_strided_slice %reshape3A_1079 {offsets = [6, 0, 0], sizes = [1, 8, 512], strides = [1, 1, 1]} : vector<8x8x512xi16> to vector<1x8x512xi16>
    %squeeze3A_1098 = vector.shape_cast %slice3A_1097 : vector<1x8x512xi16> to vector<8x512xi16>
    %add3A_1099 = arith.addi %add3A_1096, %squeeze3A_1098 : vector<8x512xi16>
    %slice3A_1100 = vector.extract_strided_slice %reshape3A_1079 {offsets = [7, 0, 0], sizes = [1, 8, 512], strides = [1, 1, 1]} : vector<8x8x512xi16> to vector<1x8x512xi16>
    %squeeze3A_1101 = vector.shape_cast %slice3A_1100 : vector<1x8x512xi16> to vector<8x512xi16>
    %add3A_1102 = arith.addi %add3A_1099, %squeeze3A_1101 : vector<8x512xi16>
    %add3A_1103 = arith.addi %get3A_1077, %add3A_1102 : vector<8x512xi16>
    %swap3A_1104 = arith.constant 10 : index
    %swap3A_1105 = arith.constant 0 : index
    %swap3A_1106 = arith.constant 0 : index
    %swap3A_1107 = vector.load %arg5[%swap3A_1104, %swap3A_1105, %swap3A_1106] : memref<19x8x512xi16, #tpu.memory_space<vmem>>, vector<1x8x512xi16>
    %swap3A_1108 = vector.shape_cast %swap3A_1107 : vector<1x8x512xi16> to vector<8x512xi16>
    %swap3A_1109 = vector.shape_cast %add3A_1103 : vector<8x512xi16> to vector<1x8x512xi16>
    tpu.vector_store %arg5[%swap3A_1104, %swap3A_1105, %swap3A_1106], %swap3A_1109 {strides = array<i32>} : memref<19x8x512xi16, #tpu.memory_space<vmem>>, vector<1x8x512xi16>,
    %get3A_1110 = arith.constant 10 : index
    %get3A_1111 = arith.constant 0 : index
    %get3A_1112 = arith.constant 0 : index
    %get3A_1113 = vector.load %arg4[%get3A_1110, %get3A_1111, %get3A_1112] : memref<19x8x512xf32, #tpu.memory_space<vmem>>, vector<1x8x512xf32>
    %get3A_1114 = vector.shape_cast %get3A_1113 : vector<1x8x512xf32> to vector<8x512xf32>
    %eq3A_1115 = arith.constant 10 : i32
    %eq3A_1116 = vector.broadcast %eq3A_1115 : i32 to vector<64x512xi32>
    %eq3A_1117 = arith.cmpi eq, %get3A_5, %eq3A_1116 : vector<64x512xi32>
    %get3A_1118 = arith.constant 0 : index
    %get3A_1119 = arith.constant 10 : index
    %get3A_1120 = arith.constant 0 : index
    %get3A_1121 = arith.constant 0 : index
    %get3A_1122 = vector.load %arg1[%get3A_1118, %get3A_1119, %get3A_1120, %get3A_1121] : memref<1x19x64x512xf32, #tpu.memory_space<vmem>>, vector<1x1x64x512xf32>
    %get3A_1123 = vector.shape_cast %get3A_1122 : vector<1x1x64x512xf32> to vector<64x512xf32>
    %sub3A_1124 = arith.subf %add3A_382, %get3A_1123 : vector<64x512xf32>
    %jit3A_1125 = arith.constant 0.000000e+00 : f32
    %broadcast_in_dim3A_1126 = vector.broadcast %jit3A_1125 : f32 to vector<64x512xf32>
    %select_n3A_1127 = arith.select %eq3A_1117, %sub3A_1124, %broadcast_in_dim3A_1126 : vector<64x512xi1>, vector<64x512xf32>
    %reshape3A_1128 = vector.shape_cast %select_n3A_1127 : vector<64x512xf32> to vector<8x8x512xf32>
    %reduce_sum3A_1129 = arith.constant dense<0.000000e+00> : vector<8x512xf32>
    %reduce_sum3A_1130 = vector.multi_reduction <add>, %reshape3A_1128, %reduce_sum3A_1129 [0] : vector<8x8x512xf32> to vector<8x512xf32>
    %add3A_1131 = arith.addf %get3A_1114, %reduce_sum3A_1130 : vector<8x512xf32>
    %swap3A_1132 = arith.constant 10 : index
    %swap3A_1133 = arith.constant 0 : index
    %swap3A_1134 = arith.constant 0 : index
    %swap3A_1135 = vector.load %arg4[%swap3A_1132, %swap3A_1133, %swap3A_1134] : memref<19x8x512xf32, #tpu.memory_space<vmem>>, vector<1x8x512xf32>
    %swap3A_1136 = vector.shape_cast %swap3A_1135 : vector<1x8x512xf32> to vector<8x512xf32>
    %swap3A_1137 = vector.shape_cast %add3A_1131 : vector<8x512xf32> to vector<1x8x512xf32>
    tpu.vector_store %arg4[%swap3A_1132, %swap3A_1133, %swap3A_1134], %swap3A_1137 {strides = array<i32>} : memref<19x8x512xf32, #tpu.memory_space<vmem>>, vector<1x8x512xf32>,
    %eq3A_1138 = arith.constant 11 : i16
    %eq3A_1139 = vector.broadcast %eq3A_1138 : i16 to vector<64x512xi16>
    %eq3A_1140 = arith.cmpi eq, %convert_element_type3A_383, %eq3A_1139 : vector<64x512xi16>
    %convert_element_type3A_1141 = arith.extui %eq3A_1140 : vector<64x512xi1> to vector<64x512xi16>
    %get3A_1142 = arith.constant 11 : index
    %get3A_1143 = arith.constant 0 : index
    %get3A_1144 = arith.constant 0 : index
    %get3A_1145 = vector.load %arg5[%get3A_1142, %get3A_1143, %get3A_1144] : memref<19x8x512xi16, #tpu.memory_space<vmem>>, vector<1x8x512xi16>
    %get3A_1146 = vector.shape_cast %get3A_1145 : vector<1x8x512xi16> to vector<8x512xi16>
    %mul3A_1147 = arith.muli %convert_element_type3A_1141, %convert_element_type3A_384 : vector<64x512xi16>
    %reshape3A_1148 = vector.shape_cast %mul3A_1147 : vector<64x512xi16> to vector<8x8x512xi16>
    %slice3A_1149 = vector.extract_strided_slice %reshape3A_1148 {offsets = [0, 0, 0], sizes = [1, 8, 512], strides = [1, 1, 1]} : vector<8x8x512xi16> to vector<1x8x512xi16>
    %squeeze3A_1150 = vector.shape_cast %slice3A_1149 : vector<1x8x512xi16> to vector<8x512xi16>
    %slice3A_1151 = vector.extract_strided_slice %reshape3A_1148 {offsets = [1, 0, 0], sizes = [1, 8, 512], strides = [1, 1, 1]} : vector<8x8x512xi16> to vector<1x8x512xi16>
    %squeeze3A_1152 = vector.shape_cast %slice3A_1151 : vector<1x8x512xi16> to vector<8x512xi16>
    %add3A_1153 = arith.addi %squeeze3A_1150, %squeeze3A_1152 : vector<8x512xi16>
    %slice3A_1154 = vector.extract_strided_slice %reshape3A_1148 {offsets = [2, 0, 0], sizes = [1, 8, 512], strides = [1, 1, 1]} : vector<8x8x512xi16> to vector<1x8x512xi16>
    %squeeze3A_1155 = vector.shape_cast %slice3A_1154 : vector<1x8x512xi16> to vector<8x512xi16>
    %add3A_1156 = arith.addi %add3A_1153, %squeeze3A_1155 : vector<8x512xi16>
    %slice3A_1157 = vector.extract_strided_slice %reshape3A_1148 {offsets = [3, 0, 0], sizes = [1, 8, 512], strides = [1, 1, 1]} : vector<8x8x512xi16> to vector<1x8x512xi16>
    %squeeze3A_1158 = vector.shape_cast %slice3A_1157 : vector<1x8x512xi16> to vector<8x512xi16>
    %add3A_1159 = arith.addi %add3A_1156, %squeeze3A_1158 : vector<8x512xi16>
    %slice3A_1160 = vector.extract_strided_slice %reshape3A_1148 {offsets = [4, 0, 0], sizes = [1, 8, 512], strides = [1, 1, 1]} : vector<8x8x512xi16> to vector<1x8x512xi16>
    %squeeze3A_1161 = vector.shape_cast %slice3A_1160 : vector<1x8x512xi16> to vector<8x512xi16>
    %add3A_1162 = arith.addi %add3A_1159, %squeeze3A_1161 : vector<8x512xi16>
    %slice3A_1163 = vector.extract_strided_slice %reshape3A_1148 {offsets = [5, 0, 0], sizes = [1, 8, 512], strides = [1, 1, 1]} : vector<8x8x512xi16> to vector<1x8x512xi16>
    %squeeze3A_1164 = vector.shape_cast %slice3A_1163 : vector<1x8x512xi16> to vector<8x512xi16>
    %add3A_1165 = arith.addi %add3A_1162, %squeeze3A_1164 : vector<8x512xi16>
    %slice3A_1166 = vector.extract_strided_slice %reshape3A_1148 {offsets = [6, 0, 0], sizes = [1, 8, 512], strides = [1, 1, 1]} : vector<8x8x512xi16> to vector<1x8x512xi16>
    %squeeze3A_1167 = vector.shape_cast %slice3A_1166 : vector<1x8x512xi16> to vector<8x512xi16>
    %add3A_1168 = arith.addi %add3A_1165, %squeeze3A_1167 : vector<8x512xi16>
    %slice3A_1169 = vector.extract_strided_slice %reshape3A_1148 {offsets = [7, 0, 0], sizes = [1, 8, 512], strides = [1, 1, 1]} : vector<8x8x512xi16> to vector<1x8x512xi16>
    %squeeze3A_1170 = vector.shape_cast %slice3A_1169 : vector<1x8x512xi16> to vector<8x512xi16>
    %add3A_1171 = arith.addi %add3A_1168, %squeeze3A_1170 : vector<8x512xi16>
    %add3A_1172 = arith.addi %get3A_1146, %add3A_1171 : vector<8x512xi16>
    %swap3A_1173 = arith.constant 11 : index
    %swap3A_1174 = arith.constant 0 : index
    %swap3A_1175 = arith.constant 0 : index
    %swap3A_1176 = vector.load %arg5[%swap3A_1173, %swap3A_1174, %swap3A_1175] : memref<19x8x512xi16, #tpu.memory_space<vmem>>, vector<1x8x512xi16>
    %swap3A_1177 = vector.shape_cast %swap3A_1176 : vector<1x8x512xi16> to vector<8x512xi16>
    %swap3A_1178 = vector.shape_cast %add3A_1172 : vector<8x512xi16> to vector<1x8x512xi16>
    tpu.vector_store %arg5[%swap3A_1173, %swap3A_1174, %swap3A_1175], %swap3A_1178 {strides = array<i32>} : memref<19x8x512xi16, #tpu.memory_space<vmem>>, vector<1x8x512xi16>,
    %get3A_1179 = arith.constant 11 : index
    %get3A_1180 = arith.constant 0 : index
    %get3A_1181 = arith.constant 0 : index
    %get3A_1182 = vector.load %arg4[%get3A_1179, %get3A_1180, %get3A_1181] : memref<19x8x512xf32, #tpu.memory_space<vmem>>, vector<1x8x512xf32>
    %get3A_1183 = vector.shape_cast %get3A_1182 : vector<1x8x512xf32> to vector<8x512xf32>
    %eq3A_1184 = arith.constant 11 : i32
    %eq3A_1185 = vector.broadcast %eq3A_1184 : i32 to vector<64x512xi32>
    %eq3A_1186 = arith.cmpi eq, %get3A_5, %eq3A_1185 : vector<64x512xi32>
    %get3A_1187 = arith.constant 0 : index
    %get3A_1188 = arith.constant 11 : index
    %get3A_1189 = arith.constant 0 : index
    %get3A_1190 = arith.constant 0 : index
    %get3A_1191 = vector.load %arg1[%get3A_1187, %get3A_1188, %get3A_1189, %get3A_1190] : memref<1x19x64x512xf32, #tpu.memory_space<vmem>>, vector<1x1x64x512xf32>
    %get3A_1192 = vector.shape_cast %get3A_1191 : vector<1x1x64x512xf32> to vector<64x512xf32>
    %sub3A_1193 = arith.subf %add3A_382, %get3A_1192 : vector<64x512xf32>
    %jit3A_1194 = arith.constant 0.000000e+00 : f32
    %broadcast_in_dim3A_1195 = vector.broadcast %jit3A_1194 : f32 to vector<64x512xf32>
    %select_n3A_1196 = arith.select %eq3A_1186, %sub3A_1193, %broadcast_in_dim3A_1195 : vector<64x512xi1>, vector<64x512xf32>
    %reshape3A_1197 = vector.shape_cast %select_n3A_1196 : vector<64x512xf32> to vector<8x8x512xf32>
    %reduce_sum3A_1198 = arith.constant dense<0.000000e+00> : vector<8x512xf32>
    %reduce_sum3A_1199 = vector.multi_reduction <add>, %reshape3A_1197, %reduce_sum3A_1198 [0] : vector<8x8x512xf32> to vector<8x512xf32>
    %add3A_1200 = arith.addf %get3A_1183, %reduce_sum3A_1199 : vector<8x512xf32>
    %swap3A_1201 = arith.constant 11 : index
    %swap3A_1202 = arith.constant 0 : index
    %swap3A_1203 = arith.constant 0 : index
    %swap3A_1204 = vector.load %arg4[%swap3A_1201, %swap3A_1202, %swap3A_1203] : memref<19x8x512xf32, #tpu.memory_space<vmem>>, vector<1x8x512xf32>
    %swap3A_1205 = vector.shape_cast %swap3A_1204 : vector<1x8x512xf32> to vector<8x512xf32>
    %swap3A_1206 = vector.shape_cast %add3A_1200 : vector<8x512xf32> to vector<1x8x512xf32>
    tpu.vector_store %arg4[%swap3A_1201, %swap3A_1202, %swap3A_1203], %swap3A_1206 {strides = array<i32>} : memref<19x8x512xf32, #tpu.memory_space<vmem>>, vector<1x8x512xf32>,
    %eq3A_1207 = arith.constant 12 : i16
    %eq3A_1208 = vector.broadcast %eq3A_1207 : i16 to vector<64x512xi16>
    %eq3A_1209 = arith.cmpi eq, %convert_element_type3A_383, %eq3A_1208 : vector<64x512xi16>
    %convert_element_type3A_1210 = arith.extui %eq3A_1209 : vector<64x512xi1> to vector<64x512xi16>
    %get3A_1211 = arith.constant 12 : index
    %get3A_1212 = arith.constant 0 : index
    %get3A_1213 = arith.constant 0 : index
    %get3A_1214 = vector.load %arg5[%get3A_1211, %get3A_1212, %get3A_1213] : memref<19x8x512xi16, #tpu.memory_space<vmem>>, vector<1x8x512xi16>
    %get3A_1215 = vector.shape_cast %get3A_1214 : vector<1x8x512xi16> to vector<8x512xi16>
    %mul3A_1216 = arith.muli %convert_element_type3A_1210, %convert_element_type3A_384 : vector<64x512xi16>
    %reshape3A_1217 = vector.shape_cast %mul3A_1216 : vector<64x512xi16> to vector<8x8x512xi16>
    %slice3A_1218 = vector.extract_strided_slice %reshape3A_1217 {offsets = [0, 0, 0], sizes = [1, 8, 512], strides = [1, 1, 1]} : vector<8x8x512xi16> to vector<1x8x512xi16>
    %squeeze3A_1219 = vector.shape_cast %slice3A_1218 : vector<1x8x512xi16> to vector<8x512xi16>
    %slice3A_1220 = vector.extract_strided_slice %reshape3A_1217 {offsets = [1, 0, 0], sizes = [1, 8, 512], strides = [1, 1, 1]} : vector<8x8x512xi16> to vector<1x8x512xi16>
    %squeeze3A_1221 = vector.shape_cast %slice3A_1220 : vector<1x8x512xi16> to vector<8x512xi16>
    %add3A_1222 = arith.addi %squeeze3A_1219, %squeeze3A_1221 : vector<8x512xi16>
    %slice3A_1223 = vector.extract_strided_slice %reshape3A_1217 {offsets = [2, 0, 0], sizes = [1, 8, 512], strides = [1, 1, 1]} : vector<8x8x512xi16> to vector<1x8x512xi16>
    %squeeze3A_1224 = vector.shape_cast %slice3A_1223 : vector<1x8x512xi16> to vector<8x512xi16>
    %add3A_1225 = arith.addi %add3A_1222, %squeeze3A_1224 : vector<8x512xi16>
    %slice3A_1226 = vector.extract_strided_slice %reshape3A_1217 {offsets = [3, 0, 0], sizes = [1, 8, 512], strides = [1, 1, 1]} : vector<8x8x512xi16> to vector<1x8x512xi16>
    %squeeze3A_1227 = vector.shape_cast %slice3A_1226 : vector<1x8x512xi16> to vector<8x512xi16>
    %add3A_1228 = arith.addi %add3A_1225, %squeeze3A_1227 : vector<8x512xi16>
    %slice3A_1229 = vector.extract_strided_slice %reshape3A_1217 {offsets = [4, 0, 0], sizes = [1, 8, 512], strides = [1, 1, 1]} : vector<8x8x512xi16> to vector<1x8x512xi16>
    %squeeze3A_1230 = vector.shape_cast %slice3A_1229 : vector<1x8x512xi16> to vector<8x512xi16>
    %add3A_1231 = arith.addi %add3A_1228, %squeeze3A_1230 : vector<8x512xi16>
    %slice3A_1232 = vector.extract_strided_slice %reshape3A_1217 {offsets = [5, 0, 0], sizes = [1, 8, 512], strides = [1, 1, 1]} : vector<8x8x512xi16> to vector<1x8x512xi16>
    %squeeze3A_1233 = vector.shape_cast %slice3A_1232 : vector<1x8x512xi16> to vector<8x512xi16>
    %add3A_1234 = arith.addi %add3A_1231, %squeeze3A_1233 : vector<8x512xi16>
    %slice3A_1235 = vector.extract_strided_slice %reshape3A_1217 {offsets = [6, 0, 0], sizes = [1, 8, 512], strides = [1, 1, 1]} : vector<8x8x512xi16> to vector<1x8x512xi16>
    %squeeze3A_1236 = vector.shape_cast %slice3A_1235 : vector<1x8x512xi16> to vector<8x512xi16>
    %add3A_1237 = arith.addi %add3A_1234, %squeeze3A_1236 : vector<8x512xi16>
    %slice3A_1238 = vector.extract_strided_slice %reshape3A_1217 {offsets = [7, 0, 0], sizes = [1, 8, 512], strides = [1, 1, 1]} : vector<8x8x512xi16> to vector<1x8x512xi16>
    %squeeze3A_1239 = vector.shape_cast %slice3A_1238 : vector<1x8x512xi16> to vector<8x512xi16>
    %add3A_1240 = arith.addi %add3A_1237, %squeeze3A_1239 : vector<8x512xi16>
    %add3A_1241 = arith.addi %get3A_1215, %add3A_1240 : vector<8x512xi16>
    %swap3A_1242 = arith.constant 12 : index
    %swap3A_1243 = arith.constant 0 : index
    %swap3A_1244 = arith.constant 0 : index
    %swap3A_1245 = vector.load %arg5[%swap3A_1242, %swap3A_1243, %swap3A_1244] : memref<19x8x512xi16, #tpu.memory_space<vmem>>, vector<1x8x512xi16>
    %swap3A_1246 = vector.shape_cast %swap3A_1245 : vector<1x8x512xi16> to vector<8x512xi16>
    %swap3A_1247 = vector.shape_cast %add3A_1241 : vector<8x512xi16> to vector<1x8x512xi16>
    tpu.vector_store %arg5[%swap3A_1242, %swap3A_1243, %swap3A_1244], %swap3A_1247 {strides = array<i32>} : memref<19x8x512xi16, #tpu.memory_space<vmem>>, vector<1x8x512xi16>,
    %get3A_1248 = arith.constant 12 : index
    %get3A_1249 = arith.constant 0 : index
    %get3A_1250 = arith.constant 0 : index
    %get3A_1251 = vector.load %arg4[%get3A_1248, %get3A_1249, %get3A_1250] : memref<19x8x512xf32, #tpu.memory_space<vmem>>, vector<1x8x512xf32>
    %get3A_1252 = vector.shape_cast %get3A_1251 : vector<1x8x512xf32> to vector<8x512xf32>
    %eq3A_1253 = arith.constant 12 : i32
    %eq3A_1254 = vector.broadcast %eq3A_1253 : i32 to vector<64x512xi32>
    %eq3A_1255 = arith.cmpi eq, %get3A_5, %eq3A_1254 : vector<64x512xi32>
    %get3A_1256 = arith.constant 0 : index
    %get3A_1257 = arith.constant 12 : index
    %get3A_1258 = arith.constant 0 : index
    %get3A_1259 = arith.constant 0 : index
    %get3A_1260 = vector.load %arg1[%get3A_1256, %get3A_1257, %get3A_1258, %get3A_1259] : memref<1x19x64x512xf32, #tpu.memory_space<vmem>>, vector<1x1x64x512xf32>
    %get3A_1261 = vector.shape_cast %get3A_1260 : vector<1x1x64x512xf32> to vector<64x512xf32>
    %sub3A_1262 = arith.subf %add3A_382, %get3A_1261 : vector<64x512xf32>
    %jit3A_1263 = arith.constant 0.000000e+00 : f32
    %broadcast_in_dim3A_1264 = vector.broadcast %jit3A_1263 : f32 to vector<64x512xf32>
    %select_n3A_1265 = arith.select %eq3A_1255, %sub3A_1262, %broadcast_in_dim3A_1264 : vector<64x512xi1>, vector<64x512xf32>
    %reshape3A_1266 = vector.shape_cast %select_n3A_1265 : vector<64x512xf32> to vector<8x8x512xf32>
    %reduce_sum3A_1267 = arith.constant dense<0.000000e+00> : vector<8x512xf32>
    %reduce_sum3A_1268 = vector.multi_reduction <add>, %reshape3A_1266, %reduce_sum3A_1267 [0] : vector<8x8x512xf32> to vector<8x512xf32>
    %add3A_1269 = arith.addf %get3A_1252, %reduce_sum3A_1268 : vector<8x512xf32>
    %swap3A_1270 = arith.constant 12 : index
    %swap3A_1271 = arith.constant 0 : index
    %swap3A_1272 = arith.constant 0 : index
    %swap3A_1273 = vector.load %arg4[%swap3A_1270, %swap3A_1271, %swap3A_1272] : memref<19x8x512xf32, #tpu.memory_space<vmem>>, vector<1x8x512xf32>
    %swap3A_1274 = vector.shape_cast %swap3A_1273 : vector<1x8x512xf32> to vector<8x512xf32>
    %swap3A_1275 = vector.shape_cast %add3A_1269 : vector<8x512xf32> to vector<1x8x512xf32>
    tpu.vector_store %arg4[%swap3A_1270, %swap3A_1271, %swap3A_1272], %swap3A_1275 {strides = array<i32>} : memref<19x8x512xf32, #tpu.memory_space<vmem>>, vector<1x8x512xf32>,
    %eq3A_1276 = arith.constant 13 : i16
    %eq3A_1277 = vector.broadcast %eq3A_1276 : i16 to vector<64x512xi16>
    %eq3A_1278 = arith.cmpi eq, %convert_element_type3A_383, %eq3A_1277 : vector<64x512xi16>
    %convert_element_type3A_1279 = arith.extui %eq3A_1278 : vector<64x512xi1> to vector<64x512xi16>
    %get3A_1280 = arith.constant 13 : index
    %get3A_1281 = arith.constant 0 : index
    %get3A_1282 = arith.constant 0 : index
    %get3A_1283 = vector.load %arg5[%get3A_1280, %get3A_1281, %get3A_1282] : memref<19x8x512xi16, #tpu.memory_space<vmem>>, vector<1x8x512xi16>
    %get3A_1284 = vector.shape_cast %get3A_1283 : vector<1x8x512xi16> to vector<8x512xi16>
    %mul3A_1285 = arith.muli %convert_element_type3A_1279, %convert_element_type3A_384 : vector<64x512xi16>
    %reshape3A_1286 = vector.shape_cast %mul3A_1285 : vector<64x512xi16> to vector<8x8x512xi16>
    %slice3A_1287 = vector.extract_strided_slice %reshape3A_1286 {offsets = [0, 0, 0], sizes = [1, 8, 512], strides = [1, 1, 1]} : vector<8x8x512xi16> to vector<1x8x512xi16>
    %squeeze3A_1288 = vector.shape_cast %slice3A_1287 : vector<1x8x512xi16> to vector<8x512xi16>
    %slice3A_1289 = vector.extract_strided_slice %reshape3A_1286 {offsets = [1, 0, 0], sizes = [1, 8, 512], strides = [1, 1, 1]} : vector<8x8x512xi16> to vector<1x8x512xi16>
    %squeeze3A_1290 = vector.shape_cast %slice3A_1289 : vector<1x8x512xi16> to vector<8x512xi16>
    %add3A_1291 = arith.addi %squeeze3A_1288, %squeeze3A_1290 : vector<8x512xi16>
    %slice3A_1292 = vector.extract_strided_slice %reshape3A_1286 {offsets = [2, 0, 0], sizes = [1, 8, 512], strides = [1, 1, 1]} : vector<8x8x512xi16> to vector<1x8x512xi16>
    %squeeze3A_1293 = vector.shape_cast %slice3A_1292 : vector<1x8x512xi16> to vector<8x512xi16>
    %add3A_1294 = arith.addi %add3A_1291, %squeeze3A_1293 : vector<8x512xi16>
    %slice3A_1295 = vector.extract_strided_slice %reshape3A_1286 {offsets = [3, 0, 0], sizes = [1, 8, 512], strides = [1, 1, 1]} : vector<8x8x512xi16> to vector<1x8x512xi16>
    %squeeze3A_1296 = vector.shape_cast %slice3A_1295 : vector<1x8x512xi16> to vector<8x512xi16>
    %add3A_1297 = arith.addi %add3A_1294, %squeeze3A_1296 : vector<8x512xi16>
    %slice3A_1298 = vector.extract_strided_slice %reshape3A_1286 {offsets = [4, 0, 0], sizes = [1, 8, 512], strides = [1, 1, 1]} : vector<8x8x512xi16> to vector<1x8x512xi16>
    %squeeze3A_1299 = vector.shape_cast %slice3A_1298 : vector<1x8x512xi16> to vector<8x512xi16>
    %add3A_1300 = arith.addi %add3A_1297, %squeeze3A_1299 : vector<8x512xi16>
    %slice3A_1301 = vector.extract_strided_slice %reshape3A_1286 {offsets = [5, 0, 0], sizes = [1, 8, 512], strides = [1, 1, 1]} : vector<8x8x512xi16> to vector<1x8x512xi16>
    %squeeze3A_1302 = vector.shape_cast %slice3A_1301 : vector<1x8x512xi16> to vector<8x512xi16>
    %add3A_1303 = arith.addi %add3A_1300, %squeeze3A_1302 : vector<8x512xi16>
    %slice3A_1304 = vector.extract_strided_slice %reshape3A_1286 {offsets = [6, 0, 0], sizes = [1, 8, 512], strides = [1, 1, 1]} : vector<8x8x512xi16> to vector<1x8x512xi16>
    %squeeze3A_1305 = vector.shape_cast %slice3A_1304 : vector<1x8x512xi16> to vector<8x512xi16>
    %add3A_1306 = arith.addi %add3A_1303, %squeeze3A_1305 : vector<8x512xi16>
    %slice3A_1307 = vector.extract_strided_slice %reshape3A_1286 {offsets = [7, 0, 0], sizes = [1, 8, 512], strides = [1, 1, 1]} : vector<8x8x512xi16> to vector<1x8x512xi16>
    %squeeze3A_1308 = vector.shape_cast %slice3A_1307 : vector<1x8x512xi16> to vector<8x512xi16>
    %add3A_1309 = arith.addi %add3A_1306, %squeeze3A_1308 : vector<8x512xi16>
    %add3A_1310 = arith.addi %get3A_1284, %add3A_1309 : vector<8x512xi16>
    %swap3A_1311 = arith.constant 13 : index
    %swap3A_1312 = arith.constant 0 : index
    %swap3A_1313 = arith.constant 0 : index
    %swap3A_1314 = vector.load %arg5[%swap3A_1311, %swap3A_1312, %swap3A_1313] : memref<19x8x512xi16, #tpu.memory_space<vmem>>, vector<1x8x512xi16>
    %swap3A_1315 = vector.shape_cast %swap3A_1314 : vector<1x8x512xi16> to vector<8x512xi16>
    %swap3A_1316 = vector.shape_cast %add3A_1310 : vector<8x512xi16> to vector<1x8x512xi16>
    tpu.vector_store %arg5[%swap3A_1311, %swap3A_1312, %swap3A_1313], %swap3A_1316 {strides = array<i32>} : memref<19x8x512xi16, #tpu.memory_space<vmem>>, vector<1x8x512xi16>,
    %get3A_1317 = arith.constant 13 : index
    %get3A_1318 = arith.constant 0 : index
    %get3A_1319 = arith.constant 0 : index
    %get3A_1320 = vector.load %arg4[%get3A_1317, %get3A_1318, %get3A_1319] : memref<19x8x512xf32, #tpu.memory_space<vmem>>, vector<1x8x512xf32>
    %get3A_1321 = vector.shape_cast %get3A_1320 : vector<1x8x512xf32> to vector<8x512xf32>
    %eq3A_1322 = arith.constant 13 : i32
    %eq3A_1323 = vector.broadcast %eq3A_1322 : i32 to vector<64x512xi32>
    %eq3A_1324 = arith.cmpi eq, %get3A_5, %eq3A_1323 : vector<64x512xi32>
    %get3A_1325 = arith.constant 0 : index
    %get3A_1326 = arith.constant 13 : index
    %get3A_1327 = arith.constant 0 : index
    %get3A_1328 = arith.constant 0 : index
    %get3A_1329 = vector.load %arg1[%get3A_1325, %get3A_1326, %get3A_1327, %get3A_1328] : memref<1x19x64x512xf32, #tpu.memory_space<vmem>>, vector<1x1x64x512xf32>
    %get3A_1330 = vector.shape_cast %get3A_1329 : vector<1x1x64x512xf32> to vector<64x512xf32>
    %sub3A_1331 = arith.subf %add3A_382, %get3A_1330 : vector<64x512xf32>
    %jit3A_1332 = arith.constant 0.000000e+00 : f32
    %broadcast_in_dim3A_1333 = vector.broadcast %jit3A_1332 : f32 to vector<64x512xf32>
    %select_n3A_1334 = arith.select %eq3A_1324, %sub3A_1331, %broadcast_in_dim3A_1333 : vector<64x512xi1>, vector<64x512xf32>
    %reshape3A_1335 = vector.shape_cast %select_n3A_1334 : vector<64x512xf32> to vector<8x8x512xf32>
    %reduce_sum3A_1336 = arith.constant dense<0.000000e+00> : vector<8x512xf32>
    %reduce_sum3A_1337 = vector.multi_reduction <add>, %reshape3A_1335, %reduce_sum3A_1336 [0] : vector<8x8x512xf32> to vector<8x512xf32>
    %add3A_1338 = arith.addf %get3A_1321, %reduce_sum3A_1337 : vector<8x512xf32>
    %swap3A_1339 = arith.constant 13 : index
    %swap3A_1340 = arith.constant 0 : index
    %swap3A_1341 = arith.constant 0 : index
    %swap3A_1342 = vector.load %arg4[%swap3A_1339, %swap3A_1340, %swap3A_1341] : memref<19x8x512xf32, #tpu.memory_space<vmem>>, vector<1x8x512xf32>
    %swap3A_1343 = vector.shape_cast %swap3A_1342 : vector<1x8x512xf32> to vector<8x512xf32>
    %swap3A_1344 = vector.shape_cast %add3A_1338 : vector<8x512xf32> to vector<1x8x512xf32>
    tpu.vector_store %arg4[%swap3A_1339, %swap3A_1340, %swap3A_1341], %swap3A_1344 {strides = array<i32>} : memref<19x8x512xf32, #tpu.memory_space<vmem>>, vector<1x8x512xf32>,
    %eq3A_1345 = arith.constant 14 : i16
    %eq3A_1346 = vector.broadcast %eq3A_1345 : i16 to vector<64x512xi16>
    %eq3A_1347 = arith.cmpi eq, %convert_element_type3A_383, %eq3A_1346 : vector<64x512xi16>
    %convert_element_type3A_1348 = arith.extui %eq3A_1347 : vector<64x512xi1> to vector<64x512xi16>
    %get3A_1349 = arith.constant 14 : index
    %get3A_1350 = arith.constant 0 : index
    %get3A_1351 = arith.constant 0 : index
    %get3A_1352 = vector.load %arg5[%get3A_1349, %get3A_1350, %get3A_1351] : memref<19x8x512xi16, #tpu.memory_space<vmem>>, vector<1x8x512xi16>
    %get3A_1353 = vector.shape_cast %get3A_1352 : vector<1x8x512xi16> to vector<8x512xi16>
    %mul3A_1354 = arith.muli %convert_element_type3A_1348, %convert_element_type3A_384 : vector<64x512xi16>
    %reshape3A_1355 = vector.shape_cast %mul3A_1354 : vector<64x512xi16> to vector<8x8x512xi16>
    %slice3A_1356 = vector.extract_strided_slice %reshape3A_1355 {offsets = [0, 0, 0], sizes = [1, 8, 512], strides = [1, 1, 1]} : vector<8x8x512xi16> to vector<1x8x512xi16>
    %squeeze3A_1357 = vector.shape_cast %slice3A_1356 : vector<1x8x512xi16> to vector<8x512xi16>
    %slice3A_1358 = vector.extract_strided_slice %reshape3A_1355 {offsets = [1, 0, 0], sizes = [1, 8, 512], strides = [1, 1, 1]} : vector<8x8x512xi16> to vector<1x8x512xi16>
    %squeeze3A_1359 = vector.shape_cast %slice3A_1358 : vector<1x8x512xi16> to vector<8x512xi16>
    %add3A_1360 = arith.addi %squeeze3A_1357, %squeeze3A_1359 : vector<8x512xi16>
    %slice3A_1361 = vector.extract_strided_slice %reshape3A_1355 {offsets = [2, 0, 0], sizes = [1, 8, 512], strides = [1, 1, 1]} : vector<8x8x512xi16> to vector<1x8x512xi16>
    %squeeze3A_1362 = vector.shape_cast %slice3A_1361 : vector<1x8x512xi16> to vector<8x512xi16>
    %add3A_1363 = arith.addi %add3A_1360, %squeeze3A_1362 : vector<8x512xi16>
    %slice3A_1364 = vector.extract_strided_slice %reshape3A_1355 {offsets = [3, 0, 0], sizes = [1, 8, 512], strides = [1, 1, 1]} : vector<8x8x512xi16> to vector<1x8x512xi16>
    %squeeze3A_1365 = vector.shape_cast %slice3A_1364 : vector<1x8x512xi16> to vector<8x512xi16>
    %add3A_1366 = arith.addi %add3A_1363, %squeeze3A_1365 : vector<8x512xi16>
    %slice3A_1367 = vector.extract_strided_slice %reshape3A_1355 {offsets = [4, 0, 0], sizes = [1, 8, 512], strides = [1, 1, 1]} : vector<8x8x512xi16> to vector<1x8x512xi16>
    %squeeze3A_1368 = vector.shape_cast %slice3A_1367 : vector<1x8x512xi16> to vector<8x512xi16>
    %add3A_1369 = arith.addi %add3A_1366, %squeeze3A_1368 : vector<8x512xi16>
    %slice3A_1370 = vector.extract_strided_slice %reshape3A_1355 {offsets = [5, 0, 0], sizes = [1, 8, 512], strides = [1, 1, 1]} : vector<8x8x512xi16> to vector<1x8x512xi16>
    %squeeze3A_1371 = vector.shape_cast %slice3A_1370 : vector<1x8x512xi16> to vector<8x512xi16>
    %add3A_1372 = arith.addi %add3A_1369, %squeeze3A_1371 : vector<8x512xi16>
    %slice3A_1373 = vector.extract_strided_slice %reshape3A_1355 {offsets = [6, 0, 0], sizes = [1, 8, 512], strides = [1, 1, 1]} : vector<8x8x512xi16> to vector<1x8x512xi16>
    %squeeze3A_1374 = vector.shape_cast %slice3A_1373 : vector<1x8x512xi16> to vector<8x512xi16>
    %add3A_1375 = arith.addi %add3A_1372, %squeeze3A_1374 : vector<8x512xi16>
    %slice3A_1376 = vector.extract_strided_slice %reshape3A_1355 {offsets = [7, 0, 0], sizes = [1, 8, 512], strides = [1, 1, 1]} : vector<8x8x512xi16> to vector<1x8x512xi16>
    %squeeze3A_1377 = vector.shape_cast %slice3A_1376 : vector<1x8x512xi16> to vector<8x512xi16>
    %add3A_1378 = arith.addi %add3A_1375, %squeeze3A_1377 : vector<8x512xi16>
    %add3A_1379 = arith.addi %get3A_1353, %add3A_1378 : vector<8x512xi16>
    %swap3A_1380 = arith.constant 14 : index
    %swap3A_1381 = arith.constant 0 : index
    %swap3A_1382 = arith.constant 0 : index
    %swap3A_1383 = vector.load %arg5[%swap3A_1380, %swap3A_1381, %swap3A_1382] : memref<19x8x512xi16, #tpu.memory_space<vmem>>, vector<1x8x512xi16>
    %swap3A_1384 = vector.shape_cast %swap3A_1383 : vector<1x8x512xi16> to vector<8x512xi16>
    %swap3A_1385 = vector.shape_cast %add3A_1379 : vector<8x512xi16> to vector<1x8x512xi16>
    tpu.vector_store %arg5[%swap3A_1380, %swap3A_1381, %swap3A_1382], %swap3A_1385 {strides = array<i32>} : memref<19x8x512xi16, #tpu.memory_space<vmem>>, vector<1x8x512xi16>,
    %get3A_1386 = arith.constant 14 : index
    %get3A_1387 = arith.constant 0 : index
    %get3A_1388 = arith.constant 0 : index
    %get3A_1389 = vector.load %arg4[%get3A_1386, %get3A_1387, %get3A_1388] : memref<19x8x512xf32, #tpu.memory_space<vmem>>, vector<1x8x512xf32>
    %get3A_1390 = vector.shape_cast %get3A_1389 : vector<1x8x512xf32> to vector<8x512xf32>
    %eq3A_1391 = arith.constant 14 : i32
    %eq3A_1392 = vector.broadcast %eq3A_1391 : i32 to vector<64x512xi32>
    %eq3A_1393 = arith.cmpi eq, %get3A_5, %eq3A_1392 : vector<64x512xi32>
    %get3A_1394 = arith.constant 0 : index
    %get3A_1395 = arith.constant 14 : index
    %get3A_1396 = arith.constant 0 : index
    %get3A_1397 = arith.constant 0 : index
    %get3A_1398 = vector.load %arg1[%get3A_1394, %get3A_1395, %get3A_1396, %get3A_1397] : memref<1x19x64x512xf32, #tpu.memory_space<vmem>>, vector<1x1x64x512xf32>
    %get3A_1399 = vector.shape_cast %get3A_1398 : vector<1x1x64x512xf32> to vector<64x512xf32>
    %sub3A_1400 = arith.subf %add3A_382, %get3A_1399 : vector<64x512xf32>
    %jit3A_1401 = arith.constant 0.000000e+00 : f32
    %broadcast_in_dim3A_1402 = vector.broadcast %jit3A_1401 : f32 to vector<64x512xf32>
    %select_n3A_1403 = arith.select %eq3A_1393, %sub3A_1400, %broadcast_in_dim3A_1402 : vector<64x512xi1>, vector<64x512xf32>
    %reshape3A_1404 = vector.shape_cast %select_n3A_1403 : vector<64x512xf32> to vector<8x8x512xf32>
    %reduce_sum3A_1405 = arith.constant dense<0.000000e+00> : vector<8x512xf32>
    %reduce_sum3A_1406 = vector.multi_reduction <add>, %reshape3A_1404, %reduce_sum3A_1405 [0] : vector<8x8x512xf32> to vector<8x512xf32>
    %add3A_1407 = arith.addf %get3A_1390, %reduce_sum3A_1406 : vector<8x512xf32>
    %swap3A_1408 = arith.constant 14 : index
    %swap3A_1409 = arith.constant 0 : index
    %swap3A_1410 = arith.constant 0 : index
    %swap3A_1411 = vector.load %arg4[%swap3A_1408, %swap3A_1409, %swap3A_1410] : memref<19x8x512xf32, #tpu.memory_space<vmem>>, vector<1x8x512xf32>
    %swap3A_1412 = vector.shape_cast %swap3A_1411 : vector<1x8x512xf32> to vector<8x512xf32>
    %swap3A_1413 = vector.shape_cast %add3A_1407 : vector<8x512xf32> to vector<1x8x512xf32>
    tpu.vector_store %arg4[%swap3A_1408, %swap3A_1409, %swap3A_1410], %swap3A_1413 {strides = array<i32>} : memref<19x8x512xf32, #tpu.memory_space<vmem>>, vector<1x8x512xf32>,
    %eq3A_1414 = arith.constant 15 : i16
    %eq3A_1415 = vector.broadcast %eq3A_1414 : i16 to vector<64x512xi16>
    %eq3A_1416 = arith.cmpi eq, %convert_element_type3A_383, %eq3A_1415 : vector<64x512xi16>
    %convert_element_type3A_1417 = arith.extui %eq3A_1416 : vector<64x512xi1> to vector<64x512xi16>
    %get3A_1418 = arith.constant 15 : index
    %get3A_1419 = arith.constant 0 : index
    %get3A_1420 = arith.constant 0 : index
    %get3A_1421 = vector.load %arg5[%get3A_1418, %get3A_1419, %get3A_1420] : memref<19x8x512xi16, #tpu.memory_space<vmem>>, vector<1x8x512xi16>
    %get3A_1422 = vector.shape_cast %get3A_1421 : vector<1x8x512xi16> to vector<8x512xi16>
    %mul3A_1423 = arith.muli %convert_element_type3A_1417, %convert_element_type3A_384 : vector<64x512xi16>
    %reshape3A_1424 = vector.shape_cast %mul3A_1423 : vector<64x512xi16> to vector<8x8x512xi16>
    %slice3A_1425 = vector.extract_strided_slice %reshape3A_1424 {offsets = [0, 0, 0], sizes = [1, 8, 512], strides = [1, 1, 1]} : vector<8x8x512xi16> to vector<1x8x512xi16>
    %squeeze3A_1426 = vector.shape_cast %slice3A_1425 : vector<1x8x512xi16> to vector<8x512xi16>
    %slice3A_1427 = vector.extract_strided_slice %reshape3A_1424 {offsets = [1, 0, 0], sizes = [1, 8, 512], strides = [1, 1, 1]} : vector<8x8x512xi16> to vector<1x8x512xi16>
    %squeeze3A_1428 = vector.shape_cast %slice3A_1427 : vector<1x8x512xi16> to vector<8x512xi16>
    %add3A_1429 = arith.addi %squeeze3A_1426, %squeeze3A_1428 : vector<8x512xi16>
    %slice3A_1430 = vector.extract_strided_slice %reshape3A_1424 {offsets = [2, 0, 0], sizes = [1, 8, 512], strides = [1, 1, 1]} : vector<8x8x512xi16> to vector<1x8x512xi16>
    %squeeze3A_1431 = vector.shape_cast %slice3A_1430 : vector<1x8x512xi16> to vector<8x512xi16>
    %add3A_1432 = arith.addi %add3A_1429, %squeeze3A_1431 : vector<8x512xi16>
    %slice3A_1433 = vector.extract_strided_slice %reshape3A_1424 {offsets = [3, 0, 0], sizes = [1, 8, 512], strides = [1, 1, 1]} : vector<8x8x512xi16> to vector<1x8x512xi16>
    %squeeze3A_1434 = vector.shape_cast %slice3A_1433 : vector<1x8x512xi16> to vector<8x512xi16>
    %add3A_1435 = arith.addi %add3A_1432, %squeeze3A_1434 : vector<8x512xi16>
    %slice3A_1436 = vector.extract_strided_slice %reshape3A_1424 {offsets = [4, 0, 0], sizes = [1, 8, 512], strides = [1, 1, 1]} : vector<8x8x512xi16> to vector<1x8x512xi16>
    %squeeze3A_1437 = vector.shape_cast %slice3A_1436 : vector<1x8x512xi16> to vector<8x512xi16>
    %add3A_1438 = arith.addi %add3A_1435, %squeeze3A_1437 : vector<8x512xi16>
    %slice3A_1439 = vector.extract_strided_slice %reshape3A_1424 {offsets = [5, 0, 0], sizes = [1, 8, 512], strides = [1, 1, 1]} : vector<8x8x512xi16> to vector<1x8x512xi16>
    %squeeze3A_1440 = vector.shape_cast %slice3A_1439 : vector<1x8x512xi16> to vector<8x512xi16>
    %add3A_1441 = arith.addi %add3A_1438, %squeeze3A_1440 : vector<8x512xi16>
    %slice3A_1442 = vector.extract_strided_slice %reshape3A_1424 {offsets = [6, 0, 0], sizes = [1, 8, 512], strides = [1, 1, 1]} : vector<8x8x512xi16> to vector<1x8x512xi16>
    %squeeze3A_1443 = vector.shape_cast %slice3A_1442 : vector<1x8x512xi16> to vector<8x512xi16>
    %add3A_1444 = arith.addi %add3A_1441, %squeeze3A_1443 : vector<8x512xi16>
    %slice3A_1445 = vector.extract_strided_slice %reshape3A_1424 {offsets = [7, 0, 0], sizes = [1, 8, 512], strides = [1, 1, 1]} : vector<8x8x512xi16> to vector<1x8x512xi16>
    %squeeze3A_1446 = vector.shape_cast %slice3A_1445 : vector<1x8x512xi16> to vector<8x512xi16>
    %add3A_1447 = arith.addi %add3A_1444, %squeeze3A_1446 : vector<8x512xi16>
    %add3A_1448 = arith.addi %get3A_1422, %add3A_1447 : vector<8x512xi16>
    %swap3A_1449 = arith.constant 15 : index
    %swap3A_1450 = arith.constant 0 : index
    %swap3A_1451 = arith.constant 0 : index
    %swap3A_1452 = vector.load %arg5[%swap3A_1449, %swap3A_1450, %swap3A_1451] : memref<19x8x512xi16, #tpu.memory_space<vmem>>, vector<1x8x512xi16>
    %swap3A_1453 = vector.shape_cast %swap3A_1452 : vector<1x8x512xi16> to vector<8x512xi16>
    %swap3A_1454 = vector.shape_cast %add3A_1448 : vector<8x512xi16> to vector<1x8x512xi16>
    tpu.vector_store %arg5[%swap3A_1449, %swap3A_1450, %swap3A_1451], %swap3A_1454 {strides = array<i32>} : memref<19x8x512xi16, #tpu.memory_space<vmem>>, vector<1x8x512xi16>,
    %get3A_1455 = arith.constant 15 : index
    %get3A_1456 = arith.constant 0 : index
    %get3A_1457 = arith.constant 0 : index
    %get3A_1458 = vector.load %arg4[%get3A_1455, %get3A_1456, %get3A_1457] : memref<19x8x512xf32, #tpu.memory_space<vmem>>, vector<1x8x512xf32>
    %get3A_1459 = vector.shape_cast %get3A_1458 : vector<1x8x512xf32> to vector<8x512xf32>
    %eq3A_1460 = arith.constant 15 : i32
    %eq3A_1461 = vector.broadcast %eq3A_1460 : i32 to vector<64x512xi32>
    %eq3A_1462 = arith.cmpi eq, %get3A_5, %eq3A_1461 : vector<64x512xi32>
    %get3A_1463 = arith.constant 0 : index
    %get3A_1464 = arith.constant 15 : index
    %get3A_1465 = arith.constant 0 : index
    %get3A_1466 = arith.constant 0 : index
    %get3A_1467 = vector.load %arg1[%get3A_1463, %get3A_1464, %get3A_1465, %get3A_1466] : memref<1x19x64x512xf32, #tpu.memory_space<vmem>>, vector<1x1x64x512xf32>
    %get3A_1468 = vector.shape_cast %get3A_1467 : vector<1x1x64x512xf32> to vector<64x512xf32>
    %sub3A_1469 = arith.subf %add3A_382, %get3A_1468 : vector<64x512xf32>
    %jit3A_1470 = arith.constant 0.000000e+00 : f32
    %broadcast_in_dim3A_1471 = vector.broadcast %jit3A_1470 : f32 to vector<64x512xf32>
    %select_n3A_1472 = arith.select %eq3A_1462, %sub3A_1469, %broadcast_in_dim3A_1471 : vector<64x512xi1>, vector<64x512xf32>
    %reshape3A_1473 = vector.shape_cast %select_n3A_1472 : vector<64x512xf32> to vector<8x8x512xf32>
    %reduce_sum3A_1474 = arith.constant dense<0.000000e+00> : vector<8x512xf32>
    %reduce_sum3A_1475 = vector.multi_reduction <add>, %reshape3A_1473, %reduce_sum3A_1474 [0] : vector<8x8x512xf32> to vector<8x512xf32>
    %add3A_1476 = arith.addf %get3A_1459, %reduce_sum3A_1475 : vector<8x512xf32>
    %swap3A_1477 = arith.constant 15 : index
    %swap3A_1478 = arith.constant 0 : index
    %swap3A_1479 = arith.constant 0 : index
    %swap3A_1480 = vector.load %arg4[%swap3A_1477, %swap3A_1478, %swap3A_1479] : memref<19x8x512xf32, #tpu.memory_space<vmem>>, vector<1x8x512xf32>
    %swap3A_1481 = vector.shape_cast %swap3A_1480 : vector<1x8x512xf32> to vector<8x512xf32>
    %swap3A_1482 = vector.shape_cast %add3A_1476 : vector<8x512xf32> to vector<1x8x512xf32>
    tpu.vector_store %arg4[%swap3A_1477, %swap3A_1478, %swap3A_1479], %swap3A_1482 {strides = array<i32>} : memref<19x8x512xf32, #tpu.memory_space<vmem>>, vector<1x8x512xf32>,
    %eq3A_1483 = arith.constant 16 : i16
    %eq3A_1484 = vector.broadcast %eq3A_1483 : i16 to vector<64x512xi16>
    %eq3A_1485 = arith.cmpi eq, %convert_element_type3A_383, %eq3A_1484 : vector<64x512xi16>
    %convert_element_type3A_1486 = arith.extui %eq3A_1485 : vector<64x512xi1> to vector<64x512xi16>
    %get3A_1487 = arith.constant 16 : index
    %get3A_1488 = arith.constant 0 : index
    %get3A_1489 = arith.constant 0 : index
    %get3A_1490 = vector.load %arg5[%get3A_1487, %get3A_1488, %get3A_1489] : memref<19x8x512xi16, #tpu.memory_space<vmem>>, vector<1x8x512xi16>
    %get3A_1491 = vector.shape_cast %get3A_1490 : vector<1x8x512xi16> to vector<8x512xi16>
    %mul3A_1492 = arith.muli %convert_element_type3A_1486, %convert_element_type3A_384 : vector<64x512xi16>
    %reshape3A_1493 = vector.shape_cast %mul3A_1492 : vector<64x512xi16> to vector<8x8x512xi16>
    %slice3A_1494 = vector.extract_strided_slice %reshape3A_1493 {offsets = [0, 0, 0], sizes = [1, 8, 512], strides = [1, 1, 1]} : vector<8x8x512xi16> to vector<1x8x512xi16>
    %squeeze3A_1495 = vector.shape_cast %slice3A_1494 : vector<1x8x512xi16> to vector<8x512xi16>
    %slice3A_1496 = vector.extract_strided_slice %reshape3A_1493 {offsets = [1, 0, 0], sizes = [1, 8, 512], strides = [1, 1, 1]} : vector<8x8x512xi16> to vector<1x8x512xi16>
    %squeeze3A_1497 = vector.shape_cast %slice3A_1496 : vector<1x8x512xi16> to vector<8x512xi16>
    %add3A_1498 = arith.addi %squeeze3A_1495, %squeeze3A_1497 : vector<8x512xi16>
    %slice3A_1499 = vector.extract_strided_slice %reshape3A_1493 {offsets = [2, 0, 0], sizes = [1, 8, 512], strides = [1, 1, 1]} : vector<8x8x512xi16> to vector<1x8x512xi16>
    %squeeze3A_1500 = vector.shape_cast %slice3A_1499 : vector<1x8x512xi16> to vector<8x512xi16>
    %add3A_1501 = arith.addi %add3A_1498, %squeeze3A_1500 : vector<8x512xi16>
    %slice3A_1502 = vector.extract_strided_slice %reshape3A_1493 {offsets = [3, 0, 0], sizes = [1, 8, 512], strides = [1, 1, 1]} : vector<8x8x512xi16> to vector<1x8x512xi16>
    %squeeze3A_1503 = vector.shape_cast %slice3A_1502 : vector<1x8x512xi16> to vector<8x512xi16>
    %add3A_1504 = arith.addi %add3A_1501, %squeeze3A_1503 : vector<8x512xi16>
    %slice3A_1505 = vector.extract_strided_slice %reshape3A_1493 {offsets = [4, 0, 0], sizes = [1, 8, 512], strides = [1, 1, 1]} : vector<8x8x512xi16> to vector<1x8x512xi16>
    %squeeze3A_1506 = vector.shape_cast %slice3A_1505 : vector<1x8x512xi16> to vector<8x512xi16>
    %add3A_1507 = arith.addi %add3A_1504, %squeeze3A_1506 : vector<8x512xi16>
    %slice3A_1508 = vector.extract_strided_slice %reshape3A_1493 {offsets = [5, 0, 0], sizes = [1, 8, 512], strides = [1, 1, 1]} : vector<8x8x512xi16> to vector<1x8x512xi16>
    %squeeze3A_1509 = vector.shape_cast %slice3A_1508 : vector<1x8x512xi16> to vector<8x512xi16>
    %add3A_1510 = arith.addi %add3A_1507, %squeeze3A_1509 : vector<8x512xi16>
    %slice3A_1511 = vector.extract_strided_slice %reshape3A_1493 {offsets = [6, 0, 0], sizes = [1, 8, 512], strides = [1, 1, 1]} : vector<8x8x512xi16> to vector<1x8x512xi16>
    %squeeze3A_1512 = vector.shape_cast %slice3A_1511 : vector<1x8x512xi16> to vector<8x512xi16>
    %add3A_1513 = arith.addi %add3A_1510, %squeeze3A_1512 : vector<8x512xi16>
    %slice3A_1514 = vector.extract_strided_slice %reshape3A_1493 {offsets = [7, 0, 0], sizes = [1, 8, 512], strides = [1, 1, 1]} : vector<8x8x512xi16> to vector<1x8x512xi16>
    %squeeze3A_1515 = vector.shape_cast %slice3A_1514 : vector<1x8x512xi16> to vector<8x512xi16>
    %add3A_1516 = arith.addi %add3A_1513, %squeeze3A_1515 : vector<8x512xi16>
    %add3A_1517 = arith.addi %get3A_1491, %add3A_1516 : vector<8x512xi16>
    %swap3A_1518 = arith.constant 16 : index
    %swap3A_1519 = arith.constant 0 : index
    %swap3A_1520 = arith.constant 0 : index
    %swap3A_1521 = vector.load %arg5[%swap3A_1518, %swap3A_1519, %swap3A_1520] : memref<19x8x512xi16, #tpu.memory_space<vmem>>, vector<1x8x512xi16>
    %swap3A_1522 = vector.shape_cast %swap3A_1521 : vector<1x8x512xi16> to vector<8x512xi16>
    %swap3A_1523 = vector.shape_cast %add3A_1517 : vector<8x512xi16> to vector<1x8x512xi16>
    tpu.vector_store %arg5[%swap3A_1518, %swap3A_1519, %swap3A_1520], %swap3A_1523 {strides = array<i32>} : memref<19x8x512xi16, #tpu.memory_space<vmem>>, vector<1x8x512xi16>,
    %get3A_1524 = arith.constant 16 : index
    %get3A_1525 = arith.constant 0 : index
    %get3A_1526 = arith.constant 0 : index
    %get3A_1527 = vector.load %arg4[%get3A_1524, %get3A_1525, %get3A_1526] : memref<19x8x512xf32, #tpu.memory_space<vmem>>, vector<1x8x512xf32>
    %get3A_1528 = vector.shape_cast %get3A_1527 : vector<1x8x512xf32> to vector<8x512xf32>
    %eq3A_1529 = arith.constant 16 : i32
    %eq3A_1530 = vector.broadcast %eq3A_1529 : i32 to vector<64x512xi32>
    %eq3A_1531 = arith.cmpi eq, %get3A_5, %eq3A_1530 : vector<64x512xi32>
    %get3A_1532 = arith.constant 0 : index
    %get3A_1533 = arith.constant 16 : index
    %get3A_1534 = arith.constant 0 : index
    %get3A_1535 = arith.constant 0 : index
    %get3A_1536 = vector.load %arg1[%get3A_1532, %get3A_1533, %get3A_1534, %get3A_1535] : memref<1x19x64x512xf32, #tpu.memory_space<vmem>>, vector<1x1x64x512xf32>
    %get3A_1537 = vector.shape_cast %get3A_1536 : vector<1x1x64x512xf32> to vector<64x512xf32>
    %sub3A_1538 = arith.subf %add3A_382, %get3A_1537 : vector<64x512xf32>
    %jit3A_1539 = arith.constant 0.000000e+00 : f32
    %broadcast_in_dim3A_1540 = vector.broadcast %jit3A_1539 : f32 to vector<64x512xf32>
    %select_n3A_1541 = arith.select %eq3A_1531, %sub3A_1538, %broadcast_in_dim3A_1540 : vector<64x512xi1>, vector<64x512xf32>
    %reshape3A_1542 = vector.shape_cast %select_n3A_1541 : vector<64x512xf32> to vector<8x8x512xf32>
    %reduce_sum3A_1543 = arith.constant dense<0.000000e+00> : vector<8x512xf32>
    %reduce_sum3A_1544 = vector.multi_reduction <add>, %reshape3A_1542, %reduce_sum3A_1543 [0] : vector<8x8x512xf32> to vector<8x512xf32>
    %add3A_1545 = arith.addf %get3A_1528, %reduce_sum3A_1544 : vector<8x512xf32>
    %swap3A_1546 = arith.constant 16 : index
    %swap3A_1547 = arith.constant 0 : index
    %swap3A_1548 = arith.constant 0 : index
    %swap3A_1549 = vector.load %arg4[%swap3A_1546, %swap3A_1547, %swap3A_1548] : memref<19x8x512xf32, #tpu.memory_space<vmem>>, vector<1x8x512xf32>
    %swap3A_1550 = vector.shape_cast %swap3A_1549 : vector<1x8x512xf32> to vector<8x512xf32>
    %swap3A_1551 = vector.shape_cast %add3A_1545 : vector<8x512xf32> to vector<1x8x512xf32>
    tpu.vector_store %arg4[%swap3A_1546, %swap3A_1547, %swap3A_1548], %swap3A_1551 {strides = array<i32>} : memref<19x8x512xf32, #tpu.memory_space<vmem>>, vector<1x8x512xf32>,
    %eq3A_1552 = arith.constant 17 : i16
    %eq3A_1553 = vector.broadcast %eq3A_1552 : i16 to vector<64x512xi16>
    %eq3A_1554 = arith.cmpi eq, %convert_element_type3A_383, %eq3A_1553 : vector<64x512xi16>
    %convert_element_type3A_1555 = arith.extui %eq3A_1554 : vector<64x512xi1> to vector<64x512xi16>
    %get3A_1556 = arith.constant 17 : index
    %get3A_1557 = arith.constant 0 : index
    %get3A_1558 = arith.constant 0 : index
    %get3A_1559 = vector.load %arg5[%get3A_1556, %get3A_1557, %get3A_1558] : memref<19x8x512xi16, #tpu.memory_space<vmem>>, vector<1x8x512xi16>
    %get3A_1560 = vector.shape_cast %get3A_1559 : vector<1x8x512xi16> to vector<8x512xi16>
    %mul3A_1561 = arith.muli %convert_element_type3A_1555, %convert_element_type3A_384 : vector<64x512xi16>
    %reshape3A_1562 = vector.shape_cast %mul3A_1561 : vector<64x512xi16> to vector<8x8x512xi16>
    %slice3A_1563 = vector.extract_strided_slice %reshape3A_1562 {offsets = [0, 0, 0], sizes = [1, 8, 512], strides = [1, 1, 1]} : vector<8x8x512xi16> to vector<1x8x512xi16>
    %squeeze3A_1564 = vector.shape_cast %slice3A_1563 : vector<1x8x512xi16> to vector<8x512xi16>
    %slice3A_1565 = vector.extract_strided_slice %reshape3A_1562 {offsets = [1, 0, 0], sizes = [1, 8, 512], strides = [1, 1, 1]} : vector<8x8x512xi16> to vector<1x8x512xi16>
    %squeeze3A_1566 = vector.shape_cast %slice3A_1565 : vector<1x8x512xi16> to vector<8x512xi16>
    %add3A_1567 = arith.addi %squeeze3A_1564, %squeeze3A_1566 : vector<8x512xi16>
    %slice3A_1568 = vector.extract_strided_slice %reshape3A_1562 {offsets = [2, 0, 0], sizes = [1, 8, 512], strides = [1, 1, 1]} : vector<8x8x512xi16> to vector<1x8x512xi16>
    %squeeze3A_1569 = vector.shape_cast %slice3A_1568 : vector<1x8x512xi16> to vector<8x512xi16>
    %add3A_1570 = arith.addi %add3A_1567, %squeeze3A_1569 : vector<8x512xi16>
    %slice3A_1571 = vector.extract_strided_slice %reshape3A_1562 {offsets = [3, 0, 0], sizes = [1, 8, 512], strides = [1, 1, 1]} : vector<8x8x512xi16> to vector<1x8x512xi16>
    %squeeze3A_1572 = vector.shape_cast %slice3A_1571 : vector<1x8x512xi16> to vector<8x512xi16>
    %add3A_1573 = arith.addi %add3A_1570, %squeeze3A_1572 : vector<8x512xi16>
    %slice3A_1574 = vector.extract_strided_slice %reshape3A_1562 {offsets = [4, 0, 0], sizes = [1, 8, 512], strides = [1, 1, 1]} : vector<8x8x512xi16> to vector<1x8x512xi16>
    %squeeze3A_1575 = vector.shape_cast %slice3A_1574 : vector<1x8x512xi16> to vector<8x512xi16>
    %add3A_1576 = arith.addi %add3A_1573, %squeeze3A_1575 : vector<8x512xi16>
    %slice3A_1577 = vector.extract_strided_slice %reshape3A_1562 {offsets = [5, 0, 0], sizes = [1, 8, 512], strides = [1, 1, 1]} : vector<8x8x512xi16> to vector<1x8x512xi16>
    %squeeze3A_1578 = vector.shape_cast %slice3A_1577 : vector<1x8x512xi16> to vector<8x512xi16>
    %add3A_1579 = arith.addi %add3A_1576, %squeeze3A_1578 : vector<8x512xi16>
    %slice3A_1580 = vector.extract_strided_slice %reshape3A_1562 {offsets = [6, 0, 0], sizes = [1, 8, 512], strides = [1, 1, 1]} : vector<8x8x512xi16> to vector<1x8x512xi16>
    %squeeze3A_1581 = vector.shape_cast %slice3A_1580 : vector<1x8x512xi16> to vector<8x512xi16>
    %add3A_1582 = arith.addi %add3A_1579, %squeeze3A_1581 : vector<8x512xi16>
    %slice3A_1583 = vector.extract_strided_slice %reshape3A_1562 {offsets = [7, 0, 0], sizes = [1, 8, 512], strides = [1, 1, 1]} : vector<8x8x512xi16> to vector<1x8x512xi16>
    %squeeze3A_1584 = vector.shape_cast %slice3A_1583 : vector<1x8x512xi16> to vector<8x512xi16>
    %add3A_1585 = arith.addi %add3A_1582, %squeeze3A_1584 : vector<8x512xi16>
    %add3A_1586 = arith.addi %get3A_1560, %add3A_1585 : vector<8x512xi16>
    %swap3A_1587 = arith.constant 17 : index
    %swap3A_1588 = arith.constant 0 : index
    %swap3A_1589 = arith.constant 0 : index
    %swap3A_1590 = vector.load %arg5[%swap3A_1587, %swap3A_1588, %swap3A_1589] : memref<19x8x512xi16, #tpu.memory_space<vmem>>, vector<1x8x512xi16>
    %swap3A_1591 = vector.shape_cast %swap3A_1590 : vector<1x8x512xi16> to vector<8x512xi16>
    %swap3A_1592 = vector.shape_cast %add3A_1586 : vector<8x512xi16> to vector<1x8x512xi16>
    tpu.vector_store %arg5[%swap3A_1587, %swap3A_1588, %swap3A_1589], %swap3A_1592 {strides = array<i32>} : memref<19x8x512xi16, #tpu.memory_space<vmem>>, vector<1x8x512xi16>,
    %get3A_1593 = arith.constant 17 : index
    %get3A_1594 = arith.constant 0 : index
    %get3A_1595 = arith.constant 0 : index
    %get3A_1596 = vector.load %arg4[%get3A_1593, %get3A_1594, %get3A_1595] : memref<19x8x512xf32, #tpu.memory_space<vmem>>, vector<1x8x512xf32>
    %get3A_1597 = vector.shape_cast %get3A_1596 : vector<1x8x512xf32> to vector<8x512xf32>
    %eq3A_1598 = arith.constant 17 : i32
    %eq3A_1599 = vector.broadcast %eq3A_1598 : i32 to vector<64x512xi32>
    %eq3A_1600 = arith.cmpi eq, %get3A_5, %eq3A_1599 : vector<64x512xi32>
    %get3A_1601 = arith.constant 0 : index
    %get3A_1602 = arith.constant 17 : index
    %get3A_1603 = arith.constant 0 : index
    %get3A_1604 = arith.constant 0 : index
    %get3A_1605 = vector.load %arg1[%get3A_1601, %get3A_1602, %get3A_1603, %get3A_1604] : memref<1x19x64x512xf32, #tpu.memory_space<vmem>>, vector<1x1x64x512xf32>
    %get3A_1606 = vector.shape_cast %get3A_1605 : vector<1x1x64x512xf32> to vector<64x512xf32>
    %sub3A_1607 = arith.subf %add3A_382, %get3A_1606 : vector<64x512xf32>
    %jit3A_1608 = arith.constant 0.000000e+00 : f32
    %broadcast_in_dim3A_1609 = vector.broadcast %jit3A_1608 : f32 to vector<64x512xf32>
    %select_n3A_1610 = arith.select %eq3A_1600, %sub3A_1607, %broadcast_in_dim3A_1609 : vector<64x512xi1>, vector<64x512xf32>
    %reshape3A_1611 = vector.shape_cast %select_n3A_1610 : vector<64x512xf32> to vector<8x8x512xf32>
    %reduce_sum3A_1612 = arith.constant dense<0.000000e+00> : vector<8x512xf32>
    %reduce_sum3A_1613 = vector.multi_reduction <add>, %reshape3A_1611, %reduce_sum3A_1612 [0] : vector<8x8x512xf32> to vector<8x512xf32>
    %add3A_1614 = arith.addf %get3A_1597, %reduce_sum3A_1613 : vector<8x512xf32>
    %swap3A_1615 = arith.constant 17 : index
    %swap3A_1616 = arith.constant 0 : index
    %swap3A_1617 = arith.constant 0 : index
    %swap3A_1618 = vector.load %arg4[%swap3A_1615, %swap3A_1616, %swap3A_1617] : memref<19x8x512xf32, #tpu.memory_space<vmem>>, vector<1x8x512xf32>
    %swap3A_1619 = vector.shape_cast %swap3A_1618 : vector<1x8x512xf32> to vector<8x512xf32>
    %swap3A_1620 = vector.shape_cast %add3A_1614 : vector<8x512xf32> to vector<1x8x512xf32>
    tpu.vector_store %arg4[%swap3A_1615, %swap3A_1616, %swap3A_1617], %swap3A_1620 {strides = array<i32>} : memref<19x8x512xf32, #tpu.memory_space<vmem>>, vector<1x8x512xf32>,
    %eq3A_1621 = arith.constant 18 : i16
    %eq3A_1622 = vector.broadcast %eq3A_1621 : i16 to vector<64x512xi16>
    %eq3A_1623 = arith.cmpi eq, %convert_element_type3A_383, %eq3A_1622 : vector<64x512xi16>
    %convert_element_type3A_1624 = arith.extui %eq3A_1623 : vector<64x512xi1> to vector<64x512xi16>
    %get3A_1625 = arith.constant 18 : index
    %get3A_1626 = arith.constant 0 : index
    %get3A_1627 = arith.constant 0 : index
    %get3A_1628 = vector.load %arg5[%get3A_1625, %get3A_1626, %get3A_1627] : memref<19x8x512xi16, #tpu.memory_space<vmem>>, vector<1x8x512xi16>
    %get3A_1629 = vector.shape_cast %get3A_1628 : vector<1x8x512xi16> to vector<8x512xi16>
    %mul3A_1630 = arith.muli %convert_element_type3A_1624, %convert_element_type3A_384 : vector<64x512xi16>
    %reshape3A_1631 = vector.shape_cast %mul3A_1630 : vector<64x512xi16> to vector<8x8x512xi16>
    %slice3A_1632 = vector.extract_strided_slice %reshape3A_1631 {offsets = [0, 0, 0], sizes = [1, 8, 512], strides = [1, 1, 1]} : vector<8x8x512xi16> to vector<1x8x512xi16>
    %squeeze3A_1633 = vector.shape_cast %slice3A_1632 : vector<1x8x512xi16> to vector<8x512xi16>
    %slice3A_1634 = vector.extract_strided_slice %reshape3A_1631 {offsets = [1, 0, 0], sizes = [1, 8, 512], strides = [1, 1, 1]} : vector<8x8x512xi16> to vector<1x8x512xi16>
    %squeeze3A_1635 = vector.shape_cast %slice3A_1634 : vector<1x8x512xi16> to vector<8x512xi16>
    %add3A_1636 = arith.addi %squeeze3A_1633, %squeeze3A_1635 : vector<8x512xi16>
    %slice3A_1637 = vector.extract_strided_slice %reshape3A_1631 {offsets = [2, 0, 0], sizes = [1, 8, 512], strides = [1, 1, 1]} : vector<8x8x512xi16> to vector<1x8x512xi16>
    %squeeze3A_1638 = vector.shape_cast %slice3A_1637 : vector<1x8x512xi16> to vector<8x512xi16>
    %add3A_1639 = arith.addi %add3A_1636, %squeeze3A_1638 : vector<8x512xi16>
    %slice3A_1640 = vector.extract_strided_slice %reshape3A_1631 {offsets = [3, 0, 0], sizes = [1, 8, 512], strides = [1, 1, 1]} : vector<8x8x512xi16> to vector<1x8x512xi16>
    %squeeze3A_1641 = vector.shape_cast %slice3A_1640 : vector<1x8x512xi16> to vector<8x512xi16>
    %add3A_1642 = arith.addi %add3A_1639, %squeeze3A_1641 : vector<8x512xi16>
    %slice3A_1643 = vector.extract_strided_slice %reshape3A_1631 {offsets = [4, 0, 0], sizes = [1, 8, 512], strides = [1, 1, 1]} : vector<8x8x512xi16> to vector<1x8x512xi16>
    %squeeze3A_1644 = vector.shape_cast %slice3A_1643 : vector<1x8x512xi16> to vector<8x512xi16>
    %add3A_1645 = arith.addi %add3A_1642, %squeeze3A_1644 : vector<8x512xi16>
    %slice3A_1646 = vector.extract_strided_slice %reshape3A_1631 {offsets = [5, 0, 0], sizes = [1, 8, 512], strides = [1, 1, 1]} : vector<8x8x512xi16> to vector<1x8x512xi16>
    %squeeze3A_1647 = vector.shape_cast %slice3A_1646 : vector<1x8x512xi16> to vector<8x512xi16>
    %add3A_1648 = arith.addi %add3A_1645, %squeeze3A_1647 : vector<8x512xi16>
    %slice3A_1649 = vector.extract_strided_slice %reshape3A_1631 {offsets = [6, 0, 0], sizes = [1, 8, 512], strides = [1, 1, 1]} : vector<8x8x512xi16> to vector<1x8x512xi16>
    %squeeze3A_1650 = vector.shape_cast %slice3A_1649 : vector<1x8x512xi16> to vector<8x512xi16>
    %add3A_1651 = arith.addi %add3A_1648, %squeeze3A_1650 : vector<8x512xi16>
    %slice3A_1652 = vector.extract_strided_slice %reshape3A_1631 {offsets = [7, 0, 0], sizes = [1, 8, 512], strides = [1, 1, 1]} : vector<8x8x512xi16> to vector<1x8x512xi16>
    %squeeze3A_1653 = vector.shape_cast %slice3A_1652 : vector<1x8x512xi16> to vector<8x512xi16>
    %add3A_1654 = arith.addi %add3A_1651, %squeeze3A_1653 : vector<8x512xi16>
    %add3A_1655 = arith.addi %get3A_1629, %add3A_1654 : vector<8x512xi16>
    %swap3A_1656 = arith.constant 18 : index
    %swap3A_1657 = arith.constant 0 : index
    %swap3A_1658 = arith.constant 0 : index
    %swap3A_1659 = vector.load %arg5[%swap3A_1656, %swap3A_1657, %swap3A_1658] : memref<19x8x512xi16, #tpu.memory_space<vmem>>, vector<1x8x512xi16>
    %swap3A_1660 = vector.shape_cast %swap3A_1659 : vector<1x8x512xi16> to vector<8x512xi16>
    %swap3A_1661 = vector.shape_cast %add3A_1655 : vector<8x512xi16> to vector<1x8x512xi16>
    tpu.vector_store %arg5[%swap3A_1656, %swap3A_1657, %swap3A_1658], %swap3A_1661 {strides = array<i32>} : memref<19x8x512xi16, #tpu.memory_space<vmem>>, vector<1x8x512xi16>,
    %get3A_1662 = arith.constant 18 : index
    %get3A_1663 = arith.constant 0 : index
    %get3A_1664 = arith.constant 0 : index
    %get3A_1665 = vector.load %arg4[%get3A_1662, %get3A_1663, %get3A_1664] : memref<19x8x512xf32, #tpu.memory_space<vmem>>, vector<1x8x512xf32>
    %get3A_1666 = vector.shape_cast %get3A_1665 : vector<1x8x512xf32> to vector<8x512xf32>
    %eq3A_1667 = arith.constant 18 : i32
    %eq3A_1668 = vector.broadcast %eq3A_1667 : i32 to vector<64x512xi32>
    %eq3A_1669 = arith.cmpi eq, %get3A_5, %eq3A_1668 : vector<64x512xi32>
    %get3A_1670 = arith.constant 0 : index
    %get3A_1671 = arith.constant 18 : index
    %get3A_1672 = arith.constant 0 : index
    %get3A_1673 = arith.constant 0 : index
    %get3A_1674 = vector.load %arg1[%get3A_1670, %get3A_1671, %get3A_1672, %get3A_1673] : memref<1x19x64x512xf32, #tpu.memory_space<vmem>>, vector<1x1x64x512xf32>
    %get3A_1675 = vector.shape_cast %get3A_1674 : vector<1x1x64x512xf32> to vector<64x512xf32>
    %sub3A_1676 = arith.subf %add3A_382, %get3A_1675 : vector<64x512xf32>
    %jit3A_1677 = arith.constant 0.000000e+00 : f32
    %broadcast_in_dim3A_1678 = vector.broadcast %jit3A_1677 : f32 to vector<64x512xf32>
    %select_n3A_1679 = arith.select %eq3A_1669, %sub3A_1676, %broadcast_in_dim3A_1678 : vector<64x512xi1>, vector<64x512xf32>
    %reshape3A_1680 = vector.shape_cast %select_n3A_1679 : vector<64x512xf32> to vector<8x8x512xf32>
    %reduce_sum3A_1681 = arith.constant dense<0.000000e+00> : vector<8x512xf32>
    %reduce_sum3A_1682 = vector.multi_reduction <add>, %reshape3A_1680, %reduce_sum3A_1681 [0] : vector<8x8x512xf32> to vector<8x512xf32>
    %add3A_1683 = arith.addf %get3A_1666, %reduce_sum3A_1682 : vector<8x512xf32>
    %swap3A_1684 = arith.constant 18 : index
    %swap3A_1685 = arith.constant 0 : index
    %swap3A_1686 = arith.constant 0 : index
    %swap3A_1687 = vector.load %arg4[%swap3A_1684, %swap3A_1685, %swap3A_1686] : memref<19x8x512xf32, #tpu.memory_space<vmem>>, vector<1x8x512xf32>
    %swap3A_1688 = vector.shape_cast %swap3A_1687 : vector<1x8x512xf32> to vector<8x512xf32>
    %swap3A_1689 = vector.shape_cast %add3A_1683 : vector<8x512xf32> to vector<1x8x512xf32>
    tpu.vector_store %arg4[%swap3A_1684, %swap3A_1685, %swap3A_1686], %swap3A_1689 {strides = array<i32>} : memref<19x8x512xf32, #tpu.memory_space<vmem>>, vector<1x8x512xf32>,
    %eq3A_1690 = arith.constant 31 : i32
    %eq3A_1691 = arith.cmpi eq, %arg0, %eq3A_1690 : i32
    %convert_element_type3A_1692 = arith.extui %eq3A_1691 : i1 to i32
    %cond3A_1693 = arith.constant 0 : i32
    %cond3A_1694 = arith.cmpi ne, %convert_element_type3A_1692, %cond3A_1693 : i32
    scf.if %cond3A_1694 {
      %get3A_1695 = arith.constant 0 : index
      %get3A_1696 = arith.constant 0 : index
      %get3A_1697 = arith.constant 0 : index
      %get3A_1698 = vector.load %arg5[%get3A_1695, %get3A_1696, %get3A_1697] : memref<19x8x512xi16, #tpu.memory_space<vmem>>, vector<19x8x512xi16>
      %convert_element_type3A_1699 = arith.sitofp %get3A_1698 : vector<19x8x512xi16> to vector<19x8x512xf32>
      %reduce_sum3A_1700 = arith.constant dense<0.000000e+00> : vector<19xf32>
      %reduce_sum3A_1701 = vector.multi_reduction <add>, %convert_element_type3A_1699, %reduce_sum3A_1700 [1, 2] : vector<19x8x512xf32> to vector<19xf32>
      %get3A_1702 = arith.constant 0 : index
      %get3A_1703 = arith.constant 0 : index
      %get3A_1704 = arith.constant 0 : index
      %get3A_1705 = vector.load %arg4[%get3A_1702, %get3A_1703, %get3A_1704] : memref<19x8x512xf32, #tpu.memory_space<vmem>>, vector<19x8x512xf32>
      %reduce_sum3A_1706 = arith.constant dense<0.000000e+00> : vector<19xf32>
      %reduce_sum3A_1707 = vector.multi_reduction <add>, %get3A_1705, %reduce_sum3A_1706 [1, 2] : vector<19x8x512xf32> to vector<19xf32>
      %stack3A = vector.shape_cast %reduce_sum3A_1701 : vector<19xf32> to vector<1x19xf32>
      %stack3A_1708 = vector.shape_cast %reduce_sum3A_1707 : vector<19xf32> to vector<1x19xf32>
      %stack3A_1709 = tpu.concatenate %stack3A, %stack3A_1708 in 0 : vector<1x19xf32>, vector<1x19xf32> -> vector<2x19xf32>
      %swap3A_1710 = arith.constant 0 : index
      %swap3A_1711 = arith.constant 0 : index
      %swap3A_1712 = vector.load %arg3[%swap3A_1710, %swap3A_1711] : memref<2x19xf32, #tpu.memory_space<vmem>>, vector<2x19xf32>
      tpu.vector_store %arg3[%swap3A_1710, %swap3A_1711], %stack3A_1709 {strides = array<i32>} : memref<2x19xf32, #tpu.memory_space<vmem>>, vector<2x19xf32>,
    } else {
    }
    return
  }
  func.func @transform_0(%arg0: i32) -> (i32, i32, i32, i32) {
    %jit3A = arith.constant 8 : i32
    %div3A = arith.divsi %arg0, %jit3A : i32
    %sign3A = arith.constant 0 : i32
    %sign3A_0 = arith.cmpi sgt, %arg0, %sign3A : i32
    %sign3A_1 = arith.extui %sign3A_0 : i1 to i32
    %sign3A_2 = arith.constant 0 : i32
    %sign3A_3 = arith.cmpi slt, %arg0, %sign3A_2 : i32
    %sign3A_4 = arith.extui %sign3A_3 : i1 to i32
    %sign3A_5 = arith.subi %sign3A_1, %sign3A_4 : i32
    %sign3A_6 = arith.constant 0 : i32
    %sign3A_7 = arith.cmpi sgt, %jit3A, %sign3A_6 : i32
    %sign3A_8 = arith.extui %sign3A_7 : i1 to i32
    %sign3A_9 = arith.constant 0 : i32
    %sign3A_10 = arith.cmpi slt, %jit3A, %sign3A_9 : i32
    %sign3A_11 = arith.extui %sign3A_10 : i1 to i32
    %sign3A_12 = arith.subi %sign3A_8, %sign3A_11 : i32
    %ne3A = arith.cmpi ne, %sign3A_5, %sign3A_12 : i32
    %rem3A = arith.remsi %arg0, %jit3A : i32
    %ne3A_13 = arith.constant 0 : i32
    %ne3A_14 = arith.cmpi ne, %rem3A, %ne3A_13 : i32
    %and3A = arith.andi %ne3A, %ne3A_14 : i1
    %sub3A = arith.constant 1 : i32
    %sub3A_15 = arith.subi %div3A, %sub3A : i32
    %select_n3A = arith.select %and3A, %sub3A_15, %div3A : i32
    %jit3A_16 = arith.constant 8 : i32
    %eq3A = arith.constant 0 : i32
    %eq3A_17 = arith.cmpi eq, %jit3A_16, %eq3A : i32
    %jit3A_18 = arith.constant 1 : i32
    %select_n3A_19 = arith.select %eq3A_17, %jit3A_18, %jit3A_16 : i32
    %rem3A_20 = arith.remsi %arg0, %select_n3A_19 : i32
    %ne3A_21 = arith.constant 0 : i32
    %ne3A_22 = arith.cmpi ne, %rem3A_20, %ne3A_21 : i32
    %lt3A = arith.constant 0 : i32
    %lt3A_23 = arith.cmpi slt, %rem3A_20, %lt3A : i32
    %lt3A_24 = arith.constant 0 : i32
    %lt3A_25 = arith.cmpi slt, %select_n3A_19, %lt3A_24 : i32
    %ne3A_26 = arith.xori %lt3A_23, %lt3A_25 : i1
    %and3A_27 = arith.andi %ne3A_26, %ne3A_22 : i1
    %add3A = arith.addi %rem3A_20, %select_n3A_19 : i32
    %select_n3A_28 = arith.select %and3A_27, %add3A, %rem3A_20 : i32
    %c0_i32 = arith.constant 0 : i32
    %c0_i32_29 = arith.constant 0 : i32
    %c0_i32_30 = arith.constant 0 : i32
    return %select_n3A, %c0_i32, %select_n3A_28, %c0_i32_29 : i32, i32, i32, i32
  }
  func.func @transform_1(%arg0: i32) -> (i32, i32, i32) {
    %jit3A = arith.constant 8 : i32
    %div3A = arith.divsi %arg0, %jit3A : i32
    %sign3A = arith.constant 0 : i32
    %sign3A_0 = arith.cmpi sgt, %arg0, %sign3A : i32
    %sign3A_1 = arith.extui %sign3A_0 : i1 to i32
    %sign3A_2 = arith.constant 0 : i32
    %sign3A_3 = arith.cmpi slt, %arg0, %sign3A_2 : i32
    %sign3A_4 = arith.extui %sign3A_3 : i1 to i32
    %sign3A_5 = arith.subi %sign3A_1, %sign3A_4 : i32
    %sign3A_6 = arith.constant 0 : i32
    %sign3A_7 = arith.cmpi sgt, %jit3A, %sign3A_6 : i32
    %sign3A_8 = arith.extui %sign3A_7 : i1 to i32
    %sign3A_9 = arith.constant 0 : i32
    %sign3A_10 = arith.cmpi slt, %jit3A, %sign3A_9 : i32
    %sign3A_11 = arith.extui %sign3A_10 : i1 to i32
    %sign3A_12 = arith.subi %sign3A_8, %sign3A_11 : i32
    %ne3A = arith.cmpi ne, %sign3A_5, %sign3A_12 : i32
    %rem3A = arith.remsi %arg0, %jit3A : i32
    %ne3A_13 = arith.constant 0 : i32
    %ne3A_14 = arith.cmpi ne, %rem3A, %ne3A_13 : i32
    %and3A = arith.andi %ne3A, %ne3A_14 : i1
    %sub3A = arith.constant 1 : i32
    %sub3A_15 = arith.subi %div3A, %sub3A : i32
    %select_n3A = arith.select %and3A, %sub3A_15, %div3A : i32
    %jit3A_16 = arith.constant 8 : i32
    %eq3A = arith.constant 0 : i32
    %eq3A_17 = arith.cmpi eq, %jit3A_16, %eq3A : i32
    %jit3A_18 = arith.constant 1 : i32
    %select_n3A_19 = arith.select %eq3A_17, %jit3A_18, %jit3A_16 : i32
    %rem3A_20 = arith.remsi %arg0, %select_n3A_19 : i32
    %ne3A_21 = arith.constant 0 : i32
    %ne3A_22 = arith.cmpi ne, %rem3A_20, %ne3A_21 : i32
    %lt3A = arith.constant 0 : i32
    %lt3A_23 = arith.cmpi slt, %rem3A_20, %lt3A : i32
    %lt3A_24 = arith.constant 0 : i32
    %lt3A_25 = arith.cmpi slt, %select_n3A_19, %lt3A_24 : i32
    %ne3A_26 = arith.xori %lt3A_23, %lt3A_25 : i1
    %and3A_27 = arith.andi %ne3A_26, %ne3A_22 : i1
    %add3A = arith.addi %rem3A_20, %select_n3A_19 : i32
    %select_n3A_28 = arith.select %and3A_27, %add3A, %rem3A_20 : i32
    %c0_i32 = arith.constant 0 : i32
    %c0_i32_29 = arith.constant 0 : i32
    return %select_n3A, %select_n3A_28, %c0_i32 : i32, i32, i32
  }
  func.func @transform_2(%arg0: i32) -> (i32, i32) {
    %c0_i32 = arith.constant 0 : i32
    %c0_i32_0 = arith.constant 0 : i32
    %c0_i32_1 = arith.constant 0 : i32
    return %c0_i32, %c0_i32_0 : i32, i32
  }
}

</mosaic_0001>

<sc_bundles>
// kernel: kernel.5.cloned.1.call-start
scs
__scs_entry_jumppad:
0x0: {  	(pc) =	sbr.rel $0x88, $3  }
0x1: {  	(tag) =	ssettag $0x0;
	lr =	simm.s32 $0x1  }
0x2: {  	[smem:$0x3F9F] =	sst lr;
	_ =	strace $0xD0000000  }
0x3: {  	_ = 	snop  }
0x4: {  	_ = 	snop  }
0x5: {  	_ = 	snop  }
0x6: {  	_ = 	snop  }
0x7: {  	_ = 	snop  }
__scs_overlays_trampoline_lowered:
0x8: {  	[smem:$0x3FAE] =	sst s0  }
0x9: {  	[smem:$0x3FAF] =	sst s1  }
0xa: {  	[smem:$0x3FB0] =	sst s2  }
0xb: {  	[smem:$0x3FB1] =	sst s3  }
0xc: {  	[smem:$0x3FB2] =	sst s4  }
0xd: {  	[smem:$0x3FB3] =	sst s5  }
0xe: {  	[smem:$0x3FB4] =	sst s6  }
0xf: {  	[smem:$0x3FB5] =	sst s7  }
0x10: {  	[smem:$0x3FB6] =	sst s8  }
0x11: {  	[smem:$0x3FB7] =	sst s9;
	s0 =	simm.s32 @!p0 $0x0  }
0x12: {  	s1 =	sld [smem:$0x3F9D];
	s0 =	simm.s32 @p0 $0x1  }
0x13: {  	[smem:$0x3FB8] =	sst s0;
	s0 =	simm.s32 @!p1 $0x0  }
0x14: {  	s2 =	sld [smem:$0x3F9C];
	s0 =	simm.s32 @p1 $0x1  }
0x15: {  	[smem:$0x3FB9] =	sst s0;
	s0 =	simm.s32 @!p2 $0x0  }
0x16: {  	s3 =	sld [smem:$0x3FDB];
	s0 =	simm.s32 @p2 $0x1  }
0x17: {  	s4 =	simm.s32 $0x1BF5;
	[smem:$0x3FBB] =	sst s0  }
0x18: {  	s0 =	sld [smem:$0x3F9E];
	_ =	swait.ge [sflag:s4], $0x0  }
0x19: {  	s7 =	sld [smem:$0x3F9F]  }
0x1a: {  	s8 =	sadd.s32 $0xFFFFE003, lr  }
0x1b: {  	s9 =	sadd.s32 $0xFFFFFEF7, lr;
	s5 =	simm.s32 $0xFFFFFFFF;
	p2 =	slt.u32 s8, $0xFFFFF086  }
0x1c: {  	p1 =	slt.u32 s9, $0xF7A;
	s5 =	simm.s32 @!p2 $0x0  }
0x1d: {  	s5 =	simm.s32 @p1 $0x1;
	p0 =	seq.s32 s7, s2  }
0x1e: {  	s7 =	smul.u32 @!p0 $0xF7A, s2;
	p2 =	seq.s32 @!p0 s5, $0x0  }
0x1f: {  	s9 =	smul.u32 $0xF7A, s1;
	s8 =	simm.s32 @!p0 $0x1BF5;
	p2 =	por !p2, p0  }
0x20: {  	[sflag:s8] =	ssyncset.s32 @!p0 $0xFFFFF086;
	s6 =	sadd.s32 @!p0 s3, s7;
	s7 =	simm.s32 @!p0 $0x108  }
0x21: {  	s3 =	sadd.s32 s3, s9;
	s6 =	sadd.s32 @!p0 $0x88, s6;
	s7 =	simm.s32 @p2 $0x1082  }
0x22: {  	[simem:s7], [sflag:s8] =	dma.local @!p0 [hbm:s6], $0xF7A  }
0x23: {  	s9 =	sor.u32 $0xD0000000, s2;
	s6 =	simm.s32 $0x108;
	_ =	swait.ge @!p0 [sflag:s8], $0x0  }
0x24: {  	s3 =	sadd.s32 $0x88, s3;
	s6 =	simm.s32 @!p1 $0x1082;
	[sflag:s4] =	ssyncset.s32 $0xFFFFF086  }
0x25: {  	[simem:s6], [sflag:s4] =	dma.local [hbm:s3], $0xF7A  }
0x26: {  	[smem:$0x3F9F] =	sst s1;
	(tag) =	ssettag s2;
	_ =	strace s9  }
0x27: {  	s1 =	sld [smem:$0x3FAF]  }
0x28: {  	s2 =	sld [smem:$0x3FB0]  }
0x29: {  	s4 =	sld [smem:$0x3FB2]  }
0x2a: {  	p0 =	seq.s32 s5, $0x0;
	s5 =	sld [smem:$0x3FB3]  }
0x2b: {  	s6 =	sld [smem:$0x3FB4]  }
0x2c: {  	s7 =	sld [smem:$0x3FB5]  }
0x2d: {  	s3 =	simm.s32 $0x108;
	s8 =	sld [smem:$0x3FB6]  }
0x2e: {  	s3 =	simm.s32 @!p0 $0x1082;
	s9 =	sld [smem:$0x3FB7]  }
0x2f: {  	lr =	sadd.s32 s0, s3;
	s0 =	sld [smem:$0x3FAE]  }
0x30: {  	s3 =	sld [smem:$0x3FB1]  }
0x31: {  	[smem:$0x3FBA] =	sst s10  }
0x32: {  	s10 =	sld [smem:$0x3FB8];
	_ =	sdelay $0x3  }
0x33: {  	p0 =	seq.s32 s10, $0x1;
	s10 =	sld [smem:$0x3FBA];
	_ =	sdelay $0x3  }
0x34: {  	[smem:$0x3FBA] =	sst s10  }
0x35: {  	s10 =	sld [smem:$0x3FB9];
	_ =	sdelay $0x3  }
0x36: {  	p1 =	seq.s32 s10, $0x1;
	s10 =	sld [smem:$0x3FBA];
	_ =	sdelay $0x3  }
0x37: {  	[smem:$0x3FBA] =	sst s10  }
0x38: {  	s10 =	sld [smem:$0x3FBB]  }
0x39: {  	_ = 	snop;
	(pc) =	sbr.ind lr, $3  }
0x3a: {  	_ = 	snop  }
0x3b: {  	_ = 	snop  }
0x3c: {  	p2 =	seq.s32 s10, $0x1;
	s10 =	sld [smem:$0x3FBA]  }
0x3d: {  	_ =	shalt  }
0x3e: {  	_ =	shalt  }
0x3f: {  	_ =	shalt  }
0x40: {  	_ =	shalt  }
0x41: {  	_ =	shalt  }
0x42: {  	_ =	shalt  }
0x43: {  	_ =	shalt  }
0x44: {  	_ =	shalt  }
0x45: {  	_ =	shalt  }
0x46: {  	_ =	shalt  }
0x47: {  	_ =	shalt  }
0x48: {  	_ =	shalt  }
0x49: {  	_ =	shalt  }
0x4a: {  	_ =	shalt  }
0x4b: {  	_ =	shalt  }
0x4c: {  	_ =	shalt  }
0x4d: {  	_ =	shalt  }
0x4e: {  	_ =	shalt  }
0x4f: {  	_ =	shalt  }
0x50: {  	_ =	shalt  }
0x51: {  	_ =	shalt  }
0x52: {  	_ =	shalt  }
0x53: {  	_ =	shalt  }
0x54: {  	_ =	shalt  }
0x55: {  	_ =	shalt  }
0x56: {  	_ =	shalt  }
0x57: {  	_ =	shalt  }
0x58: {  	_ =	shalt  }
0x59: {  	_ =	shalt  }
0x5a: {  	_ =	shalt  }
0x5b: {  	_ =	shalt  }
0x5c: {  	_ =	shalt  }
0x5d: {  	_ =	shalt  }
0x5e: {  	_ =	shalt  }
0x5f: {  	_ =	shalt  }
0x60: {  	_ =	shalt  }
0x61: {  	_ =	shalt  }
0x62: {  	_ =	shalt  }
0x63: {  	_ =	shalt  }
0x64: {  	_ =	shalt  }
0x65: {  	_ =	shalt  }
0x66: {  	_ =	shalt  }
0x67: {  	_ =	shalt  }
0x68: {  	_ =	shalt  }
0x69: {  	_ =	shalt  }
0x6a: {  	_ =	shalt  }
0x6b: {  	_ =	shalt  }
0x6c: {  	_ =	shalt  }
0x6d: {  	_ =	shalt  }
0x6e: {  	_ =	shalt  }
0x6f: {  	_ =	shalt  }
0x70: {  	_ =	shalt  }
0x71: {  	_ =	shalt  }
0x72: {  	_ =	shalt  }
0x73: {  	_ =	shalt  }
0x74: {  	_ =	shalt  }
0x75: {  	_ =	shalt  }
0x76: {  	_ =	shalt  }
0x77: {  	_ =	shalt  }
0x78: {  	_ =	shalt  }
0x79: {  	_ =	shalt  }
0x7a: {  	_ =	shalt  }
0x7b: {  	_ =	shalt  }
0x7c: {  	_ =	shalt  }
0x7d: {  	_ =	shalt  }
0x7e: {  	_ =	shalt  }
0x7f: {  	_ =	shalt  }
0x80: {  	_ =	shalt  }
0x81: {  	_ =	shalt  }
0x82: {  	_ =	shalt  }
0x83: {  	_ =	shalt  }
0x84: {  	_ =	shalt  }
0x85: {  	_ =	shalt  }
0x86: {  	_ =	shalt  }
0x87: {  	_ =	shalt  }
.Lfunc_end0:
.L_simem_size_0:
called_computation_lowered:
.L_overlay_start_0:
0x88: {  	s2 =	sld [smem:$0x3FD9]  }
0x89: {  	s3 =	sld [smem:$0x3FFE];
	_ =	sdelay $0x1  }
0x8a: {  	s1 =	srdreg.scid  }
0x8b: {  	s0 =	sand.u32 $0x1, s1  }
0x8c: {  	s17 =	sshll.u32 s0, $0xA;
	s2 =	sadd.s32 s3, s2  }
0x8d: {  	s2 =	sadd.s32 s2, s17  }
0x8e: {  	[smem:$0x3FC6] =	sst s2  }
0x8f: {  	_ = 	snop  }
0x90: {  	s2 =	sld [smem:$0x3FC8];
	(tm) =	ssettm $0x1  }
0x91: {  	s18 =	sld [smem:$0x3FFB];
	_ =	sdelay $0x3  }
0x92: {  	_ =	strace s18  }
0x93: {  	s3 =	sld [smem:$0x3FFC];
	_ =	sdelay $0x3  }
0x94: {  	_ =	strace s3  }
0x95: {  	s3 =	sld [smem:$0x3FFD];
	_ =	sdelay $0x3  }
0x96: {  	_ =	strace s3  }
0x97: {  	_ =	strace $0x8FFFFFFF  }
0x98: {  	s19 =	sld [smem:$0x3FDB];
	_ =	sdelay $0x1  }
0x99: {  	s4 =	simm.s32 $_scs_section_size  }
0x9a: {  	s5 =	simm.s32 $_size__tile_overlayer_lowered;
	s6 =	simm.s32 $_tile_overlayer_lowered  }
0x9b: {  	s22 =	simm.s32 $0x1BFF;
	s21 =	sshll.u32 s6, $0x1;
	s3 =	sadd.s32 s4, s19  }
0x9c: {  	s7 =	simm.s32 $0x0;
	s20 =	sshll.u32 s5, $0x1;
	s5 =	sadd.s32 s21, s3  }
0x9d: {  	[timem:s7], [sflag:s22] =	dma.local [hbm:s5], s20  }
0x9e: {  	_ =	swait.ge [sflag:s22], s20  }
0x9f: {  	s4 =	ssub.s32 $0x0, s20;
	[sflag:s22] =	ssyncset.done $0x0  }
0xa0: {  	[sflag:s22] =	ssyncadd.s32 s4;
	_ =	sdelay $0x1  }
0xa1: {  	s23 =	simm.s32 $0x1B8B  }
0xa2: {  	_ =	swait.ge [sflag:s23], $0x1  }
0xa3: {  	[sflag:s23] =	ssyncset.done $0x0  }
0xa4: {  	s25 =	simm.s32 $0x1B8E;
	s24 =	sld [smem:$0x3FFE];
	[sflag:s23] =	ssyncadd.s32 $0xFFFFFFFF  }
0xa5: {  	s26 =	simm.s32 $execute0_lowered;
	[smem:$0x3FD2] =	sst s25  }
0xa6: {  	s5 =	sshll.u32 s26, $0x1;
	_ =	strace $0x80000046;
	[dreg:$0x1] =	wrdreg $0xFFFFFFFF  }
0xa7: {  	s28 =	simm.s32 $_size_execute0_lowered;
	s3 =	sadd.s32 s3, s5;
	[dreg:$0x0] =	wrdreg $0x0  }
0xa8: {  	s5 =	sshll.u32 s28, $0x1;
	[dreg:$0x2] =	wrdreg s3  }
0xa9: {  	[dreg:$0x3] =	wrdreg s5  }
0xaa: {  	[dreg:$0x4] =	wrdreg $0xC0  }
0xab: {  	_ =	task [dreg:s7], $0x5FFFF  }
0xac: {  	[dreg:$0x1] =	wrdreg $0xFFFFFFFF  }
0xad: {  	[dreg:$0x0] =	wrdreg $0x60  }
0xae: {  	[dreg:$0x2] =	wrdreg s2  }
0xaf: {  	[dreg:$0x3] =	wrdreg s24  }
0xb0: {  	[dreg:$0x4] =	wrdreg $0x9  }
0xb1: {  	_ =	task.clear_ibuf [dreg:s7], $0x5FFFF;
	_ =	strace $0x90000046  }
0xb2: {  	s29 =	simm.s32 $0x9;
	_ =	strace $0x80000048  }
0xb3: {  	_ =	swait.ge [sflag:s29], $0x1  }
0xb4: {  	[sflag:s29] =	ssyncadd.s32 $0xFFFFFFFF  }
0xb5: {  	_ =	strace $0x90000048  }
0xb6: {  	_ =	sfence  }
0xb7: {  	s30 =	sld [smem:$0x0];
	_ =	sdelay $0x2  }
0xb8: {  	s31 =	sshll.u32 s1, $0xD;
	s1 =	sshrl.u32 s1, $0x2  }
0xb9: {  	s3 =	sand.u32 $0x4000, s31;
	s1 =	sadd.s32 s1, s30  }
0xba: {  	s0 =	sor.u32 s3, s0;
	s1 =	sshll.u32 s1, $0x11  }
0xbb: {  	s0 =	sor.u32 s1, s0  }
0xbc: {  	s0 =	sadd.s32 $0x8F2B, s0  }
0xbd: {  	[sflag:s0] =	ssyncadd.remote.s32 $0x1  }
0xbe: {  	_ =	sfence.sel $0xFFFF  }
0xbf: {  	[dreg:$0x0] =	wrdreg $0xFFFFFFFF;
	(pc) =	sbr.abs _section_cstart, $3  }
0xc0: {  	[dreg:$0x1] =	wrdreg $0xFFFFFFFF  }
0xc1: {  	_ =	task.clear_ibuf [dreg:s7], $0x2FFFF;
	_ =	strace $0x9FFFFFFF  }
0xc2: {  	(tm) =	ssettm $0x7FFFFFFF  }
0xc3: {  	_ =	shalt  }
tec
execute0_lowered:
.L_overlay_start_1:
0x0: {  	(tag) =	ssettag $0x1  }
0x1: {  	s3 =	rddreg [dreg:$0x0]  }
0x2: {  	s4 =	rddreg [dreg:$0x1]  }
0x3: {  	s0 =	rddreg [dreg:$0x2]  }
0x4: {  	s2 =	simm.s32 $0x0;
	s1 =	stileid.u32;
	s6 =	srdreg.scid  }
0x5: {  	s10 =	simm.s32 $0x0;
	[smem:$0x7FF] =	sst s2;
	s5 =	sshll.u32 s1, $0x7  }
0x6: {  	s6 =	sand.u32 $0x1, s6;
	s7 =	sshll.u32 s1, $0x1;
	s8 =	sshll.u32 s1, $0xD  }
0x7: {  	_ =	strace $0x80000047;
	s5 =	sand.u32 $0x600, s5;
	s30 =	ssub.s32 $0x2, s6  }
0x8: {  	s6 =	sor.u32 s6, s7;
	s8 =	sand.u32 $0x18000, s8;
	s7 =	simm.s32 $0x8000  }
0x9: {  	s4 =	sadd.s32 s5, s4;
	s31 =	sshrl.u32 s30, $0x1;
	s9 =	sshll.u32 s6, $0x4  }
0xa: {  	s6 =	sshll.u32 s6, $0xC;
	s3 =	sadd.s32 s3, s8;
	s8 =	simm.s32 $0x80  }
0xb: {  	s9 =	sand.u32 $0x70, s9;
	s6 =	sand.u32 $0x7000, s6;
	s5 =	ssub.s32 s30, s31  }
0xc: {  	s4 =	sadd.s32 s9, s4;
	s3 =	sadd.s32 s6, s3;
	s5 =	smax.u32 s5, $0x1  }
0xd: {  	v0 =	vimm.s32 $0x0;
	v1 =	vlaneseq.u32;
	v2 =	vimm.s32 $0x1;
	s6 =	simm.s32 $0x1;
	s9 =	simm.s32 $0x400;
	s4 =	sadd.s32 $0x800, s4  }
.LBB2_1:
0xe: {  	[tilespmem:s2], [sflag:$0x1] =	stream.linear.gather [hbm4b:s3+s2], $0x8000, $0x38;
	[tilespmem:$0x8200] =	vst v63  }
0xf: {  	_ =	swait.ge [sflag:s6], $0x8000  }
0x10: {  	[sflag:s6] =	ssyncset.done $0x0  }
0x11: {  	[sflag:s6] =	ssyncadd.s32 $0xFFFF8000  }
0x12: {  	[tilespmem:$0x8000] =	vst v0  }
0x13: {  	[tilespmem:$0x8010] =	vst v0  }
0x14: {  	[tilespmem:$0x8020] =	vst v0  }
0x15: {  	[tilespmem:$0x8030] =	vst v0  }
0x16: {  	[tilespmem:$0x8040] =	vst v0  }
0x17: {  	[tilespmem:$0x8050] =	vst v0  }
0x18: {  	[tilespmem:$0x8060] =	vst v0  }
0x19: {  	[tilespmem:$0x8070] =	vst v0  }
0x1a: {  	[tilespmem:$0x8080] =	vst v0  }
0x1b: {  	[tilespmem:$0x8090] =	vst v0  }
0x1c: {  	[tilespmem:$0x80A0] =	vst v0  }
0x1d: {  	[tilespmem:$0x80B0] =	vst v0  }
0x1e: {  	[tilespmem:$0x80C0] =	vst v0  }
0x1f: {  	[tilespmem:$0x80D0] =	vst v0  }
0x20: {  	[tilespmem:$0x80E0] =	vst v0  }
0x21: {  	[tilespmem:$0x80F0] =	vst v0  }
0x22: {  	[tilespmem:$0x8100] =	vst v0  }
0x23: {  	[tilespmem:$0x8110] =	vst v0  }
0x24: {  	[tilespmem:$0x8120] =	vst v0  }
0x25: {  	[tilespmem:$0x8130] =	vst v0  }
0x26: {  	[tilespmem:$0x8140] =	vst v0  }
0x27: {  	[tilespmem:$0x8150] =	vst v0  }
0x28: {  	[tilespmem:$0x8160] =	vst v0  }
0x29: {  	[tilespmem:$0x8170] =	vst v0  }
0x2a: {  	[tilespmem:$0x8180] =	vst v0  }
0x2b: {  	[tilespmem:$0x8190] =	vst v0  }
0x2c: {  	[tilespmem:$0x81A0] =	vst v0  }
0x2d: {  	[tilespmem:$0x81B0] =	vst v0  }
0x2e: {  	[tilespmem:$0x81C0] =	vst v0  }
0x2f: {  	[tilespmem:$0x81D0] =	vst v0  }
0x30: {  	[tilespmem:$0x81E0] =	vst v0  }
0x31: {  	s11 =	simm.s32 $0x0;
	s12 =	simm.s32 $0x0;
	[tilespmem:$0x81F0] =	vst v0  }
.LBB2_2:
0x32: {  	s13 =	sshll.u32 s12, $0x7;
	s14 =	sand.u32 $0x3000, s11  }
0x33: {  	s15 =	sshll.u32 s12, $0x5;
	s13 =	sand.u32 $0x7000, s13;
	s14 =	sshrl.u32 s14, $0x2  }
0x34: {  	s15 =	sand.u32 $0x380, s15;
	s13 =	sor.u32 s14, s13  }
0x35: {  	s13 =	sor.u32 s15, s13  }
0x36: {  	v3 =	vld [tilespmem:s13+$0x0];
	_ =	sdelay $0x4  }
0x37: {  	v3 =	vshll.u32 v3, $0x4  }
0x38: {  	v3 =	vor.u32 v1, v3;
	_ =	sdelay $0x4  }
0x39: {  	[tilespmem:v3+s7+$0x0] =	vst.idx.add.s32.msk $0xffff, v2  }
0x3a: {  	v3 =	vld [tilespmem:s13+$0x10];
	_ =	sdelay $0x4  }
0x3b: {  	v3 =	vshll.u32 v3, $0x4  }
0x3c: {  	v3 =	vor.u32 v1, v3;
	_ =	sdelay $0x4  }
0x3d: {  	[tilespmem:v3+s7+$0x0] =	vst.idx.add.s32.msk $0xffff, v2  }
0x3e: {  	v3 =	vld [tilespmem:s13+$0x20];
	_ =	sdelay $0x4  }
0x3f: {  	v3 =	vshll.u32 v3, $0x4  }
0x40: {  	v3 =	vor.u32 v1, v3;
	_ =	sdelay $0x4  }
0x41: {  	[tilespmem:v3+s7+$0x0] =	vst.idx.add.s32.msk $0xffff, v2  }
0x42: {  	v3 =	vld [tilespmem:s13+$0x30];
	_ =	sdelay $0x4  }
0x43: {  	v3 =	vshll.u32 v3, $0x4  }
0x44: {  	v3 =	vor.u32 v1, v3;
	_ =	sdelay $0x4  }
0x45: {  	[tilespmem:v3+s7+$0x0] =	vst.idx.add.s32.msk $0xffff, v2  }
0x46: {  	v3 =	vld [tilespmem:s13+$0x40];
	_ =	sdelay $0x4  }
0x47: {  	v3 =	vshll.u32 v3, $0x4  }
0x48: {  	v3 =	vor.u32 v1, v3;
	_ =	sdelay $0x4  }
0x49: {  	[tilespmem:v3+s7+$0x0] =	vst.idx.add.s32.msk $0xffff, v2  }
0x4a: {  	v3 =	vld [tilespmem:s13+$0x50];
	_ =	sdelay $0x4  }
0x4b: {  	v3 =	vshll.u32 v3, $0x4  }
0x4c: {  	v3 =	vor.u32 v1, v3;
	_ =	sdelay $0x4  }
0x4d: {  	[tilespmem:v3+s7+$0x0] =	vst.idx.add.s32.msk $0xffff, v2  }
0x4e: {  	v3 =	vld [tilespmem:s13+$0x60];
	_ =	sdelay $0x4  }
0x4f: {  	v3 =	vshll.u32 v3, $0x4  }
0x50: {  	v3 =	vor.u32 v1, v3;
	_ =	sdelay $0x4  }
0x51: {  	[tilespmem:v3+s7+$0x0] =	vst.idx.add.s32.msk $0xffff, v2  }
0x52: {  	v3 =	vld [tilespmem:s13+$0x70];
	_ =	sdelay $0x4  }
0x53: {  	v3 =	vshll.u32 v3, $0x4  }
0x54: {  	p0 =	sne.s32 s12, $0xFF;
	v3 =	vor.u32 v1, v3  }
.Ltmp0:
0x55: {  	_ = 	snop;
	(pc) =	sbr.rel @p0 .LBB2_2-.Ltmp0, $2  }
0x56: {  	_ =	sdelay $0x2  }
0x57: {  	s11 =	sadd.s32 $0x1000, s11;
	s12 =	sadd.s32 $0x1, s12;
	[tilespmem:v3+s7+$0x0] =	vst.idx.add.s32.msk $0xffff, v2  }
0x58: {  	s10 =	sadd.s32 $0x1, s10  }
0x59: {  	p0 =	sne.s32 s10, s5  }
.Ltmp1:
0x5a: {  	_ = 	snop;
	(pc) =	sbr.rel @p0 .LBB2_1-.Ltmp1, $4  }
0x5b: {  	[hbm4b:s4+s8] =	stream.strided.scatter [tilespmem:s7], [sflag:$0x1], $0x200, s9, s8, $0x38;
	[tilespmem:$0x8200] =	vst v63  }
0x5c: {  	_ =	swait.ge [sflag:s6], $0x200  }
0x5d: {  	[sflag:s6] =	ssyncset.done $0x0  }
0x5e: {  	[sflag:s6] =	ssyncadd.s32 $0xFFFFFE00  }
0x5f: {  	_ =	sfence.sel $0x180000  }
0x60: {  	[bflag:$0x0] =	sbarrier.arrive $0xFFFF  }
0x61: {  	p0 =	sne.s32 s1, $0x0;
	_ =	strace $0x90000047  }
0x62: {  	s0 =	sadd.s32 @!p0 $0x100000, s0;
	[bflag:$0x2] =	sbarrier.arrive $0xFFFF  }
0x63: {  	[sflag:s0] =	ssyncadd.tile.s32 @!p0 $0x1;
	_ =	shalt  }
.Lfunc_end2:
_tile_overlayer_lowered:
.L_overlay_start_2:
0x64: {  	(tag) =	ssettag $0x2  }
0x65: {  	s0 =	rddreg [dreg:$0x0];
	s2 =	stileid.u32  }
0x66: {  	s1 =	rddreg [dreg:$0x1];
	p0 =	sne.s32 s2, $0x0  }
0x67: {  	s3 =	rddreg [dreg:$0x2];
	[bflag:$0x3] =	sbarrier.arrive $0xFFFF;
	s2 =	simm.s32 @!p0 $0x1C01  }
0x68: {  	[timem:s3], [sflag:s2] =	dma.local @!p0 [hbm:s0], s1  }
0x69: {  	s0 =	simm.s32 @!p0 $0x1  }
0x6a: {  	_ =	swait.ge @!p0 [sflag:s0], s1  }
0x6b: {  	s1 =	ssub.s32 @!p0 $0x0, s1;
	[sflag:s0] =	ssyncset.done @!p0 $0x0  }
0x6c: {  	[sflag:s0] =	ssyncadd.s32 @!p0 s1  }
0x6d: {  	[bflag:$0x3] =	sbarrier.arrive $0xFFFF  }
0x6e: {  	_ =	shalt  }

</sc_bundles>
